<compile_context>
chip_gen: v7x
topology: tpu7x:2x2x1
jax: 0.10.2.dev20260603
libtpu: 0.0.44.dev20260713+nightly
codegen_flags: <defaults>
</compile_context>

<pallas_src>
import jax
import jax.numpy as jnp
import numpy as np
from jax import lax
from jax.experimental import pallas as pl
from jax.experimental.pallas import tpu as pltpu
from jax.experimental.pallas import tpu_sc as plsc

VMIN = np.float32(-100000.0)
VMAX = np.float32(100000.0)
RANGE = np.float32(200000.0)
NBUCKETS = 100000000
DIV = np.float32(NBUCKETS - 1)
WIN = 64

ROWS = 16384
COLS = 512

_NC = 2
_NS = 16
_NL = 16
_NW = _NC * _NS
_QPW = ROWS // _NW
_VPW = _QPW // _NL

CHUNK = 64
_NCHUNK = _QPW // CHUNK


def _bucket_vals(idx):
    t = idx.astype(jnp.float32) / DIV
    b = VMIN * (np.float32(1.0) - t) + VMAX * t
    return jnp.where(idx == NBUCKETS - 1, VMAX, b)


def _splat_elem(ref, i):
    return plsc.load_gather(ref, [jnp.full((_NL,), i, jnp.int32)])


def _body(z_hbm, out_hbm, q_v, s_v, buf0, buf1, sem0, sem1):
    wid = lax.axis_index("s") * _NC + lax.axis_index("c")
    base0 = wid * _QPW
    pltpu.sync_copy(z_hbm.at[pl.ds(base0, _QPW)], q_v)

    def seeds_body(v, carry):
        q = q_v[pl.ds(v * _NL, _NL)]
        g = (q - VMIN) / RANGE * DIV
        base = jnp.clip(g.astype(jnp.int32) - WIN // 2, 0, NBUCKETS - WIN)
        res = jnp.zeros((_NL,), jnp.int32)
        w = WIN // 2
        while w >= 1:
            b = _bucket_vals(base + (res + (w - 1)))
            res = jnp.where(b < q, res + w, res)
            w //= 2
        b = _bucket_vals(base + res)
        res = jnp.where(b < q, res + 1, res)
        s_v[pl.ds(v * _NL, _NL)] = base + res
        return carry

    lax.fori_loop(0, _VPW, seeds_body, 0)

    bufs = (buf0, buf1)
    sems = (sem0, sem1)
    handles = [None, None]
    for k in range(_NCHUNK):
        buf = bufs[k % 2]
        if handles[k % 2] is not None:
            handles[k % 2].wait()

        @plsc.parallel_loop(0, CHUNK, step=1, unroll=2)
        def fill_body(r, _k=k, _buf=buf):
            val = _splat_elem(s_v, _k * CHUNK + r)
            for cc in range(COLS // _NL):
                _buf[r, pl.ds(cc * _NL, _NL)] = val

        handles[k % 2] = pltpu.async_copy(
            buf, out_hbm.at[pl.ds(base0 + k * CHUNK, CHUNK)], sems[k % 2])

    handles[(_NCHUNK - 2) % 2].wait()
    handles[(_NCHUNK - 1) % 2].wait()


_sc_call = pl.kernel(
    _body,
    mesh=plsc.VectorSubcoreMesh(core_axis_name="c", subcore_axis_name="s"),
    out_type=jax.ShapeDtypeStruct((ROWS, COLS), jnp.int32),
    scratch_types=[
        pltpu.VMEM((_QPW,), jnp.float32),
        pltpu.VMEM((_QPW,), jnp.int32),
        pltpu.VMEM((CHUNK, COLS), jnp.int32),
        pltpu.VMEM((CHUNK, COLS), jnp.int32),
        pltpu.SemaphoreType.DMA,
        pltpu.SemaphoreType.DMA,
    ],
    compiler_params=pltpu.CompilerParams(needs_layout_passes=False),
)


def kernel(z, c):
    del c
    return _sc_call(z[:, 0])

# --- scband reference (transcript-rebuilt; emitter-appended) ---
"""Pipeline reference for scband-mapping-network-20358144983686 (READ-ONLY COPY).

The authoritative reference and input builder live on the scoring server;
editing this copy changes nothing except your own understanding.
"""

import jax, jax.numpy as jnp
import numpy as np


def setup_inputs(seed: int = 0) -> dict:
    key = jax.random.key(seed)
    k1, k2 = jax.random.split(key)
    z = jax.random.normal(k1, (16384, 512), dtype=jnp.float32)
    c = jax.random.normal(k2, (16384, 10), dtype=jnp.float32)
    return {"z": z, "c": c}


def reference(z, c):
    # Faithful translation of MappingNetwork.forward:
    #   buckets = linspace(-1e5, 1e5, 100_000_000)
    #   seeds = searchsorted(buckets, z[:, 0])  (torch default right=False == jnp side='left')
    #   return seeds.unsqueeze(-1).repeat(1, 512)
    vmin, vmax = (-100000.0, 100000.0)
    buckets = jnp.linspace(vmin, vmax, 100000000, dtype=jnp.float32)
    seeds = jnp.searchsorted(buckets, z[:, 0], side='left')
    out = jnp.tile(seeds[:, None], (1, 512))
    return out

if __name__ == "__main__":
    import jax
    _d = setup_inputs()
    print(jax.jit(kernel)(*tuple(_d.values())))

</pallas_src>

<mosaic_0001>
#map = affine_map<(d0, d1) -> (0)>
#map1 = affine_map<(d0, d1) -> (0, 0)>
module attributes {stable_mosaic.version = 14 : i64} {
  func.func @_body(%arg0: i32, %arg1: i32, %arg2: memref<16384xf32, #tpu.memory_space<hbm>>, %arg3: memref<16384x512xi32, #tpu.memory_space<hbm>>, %arg4: memref<512xf32, #tpu.memory_space<vmem>>, %arg5: memref<512xi32, #tpu.memory_space<vmem>>, %arg6: memref<64x512xi32, #tpu.memory_space<vmem>>, %arg7: memref<64x512xi32, #tpu.memory_space<vmem>>, %arg8: memref<!tpu.dma_semaphore, #tpu.memory_space<semaphore_mem>>, %arg9: memref<!tpu.dma_semaphore, #tpu.memory_space<semaphore_mem>>) attributes {dimension_semantics = [#tpu.dimension_semantics<core_parallel>, #tpu.dimension_semantics<subcore_parallel>], iteration_bounds = array<i64: 2, 16>, scalar_prefetch = 0 : i64, scratch_operands = 6 : i64, tpu.core_type = #tpu.core_type<sc_vector_subcore>, window_params = [{transform_indices = #map}, {transform_indices = #map1}]} {
    %mul3A = arith.constant 2 : i32
    %mul3A_0 = arith.muli %arg1, %mul3A : i32
    %add3A = arith.addi %mul3A_0, %arg0 : i32
    %mul3A_1 = arith.constant 512 : i32
    %mul3A_2 = arith.muli %add3A, %mul3A_1 : i32
    "tpu.region"() ({
      %run_scoped3A = tpu.sem_alloc : memref<!tpu.dma_semaphore, #tpu.memory_space<semaphore_mem>>
      %dma_start3A_109 = tpu.memref_slice %arg2[%mul3A_2] : memref<16384xf32, #tpu.memory_space<hbm>> -> memref<512xf32, #tpu.memory_space<hbm>>
      %dma_start3A_110 = tpu.memref_slice %arg2[%mul3A_2] : memref<16384xf32, #tpu.memory_space<hbm>> -> memref<512xf32, #tpu.memory_space<hbm>>
      tpu.enqueue_dma source(%dma_start3A_110 : memref<512xf32, #tpu.memory_space<hbm>>) target(%arg4 : memref<512xf32, #tpu.memory_space<vmem>>) target_semaphore(%run_scoped3A : memref<!tpu.dma_semaphore, #tpu.memory_space<semaphore_mem>>)
      %dma_wait3A_111 = tpu.memref_slice %arg2[%mul3A_2] : memref<16384xf32, #tpu.memory_space<hbm>> -> memref<512xf32, #tpu.memory_space<hbm>>
      %dma_wait3A_112 = tpu.memref_slice %arg2[%mul3A_2] : memref<16384xf32, #tpu.memory_space<hbm>> -> memref<512xf32, #tpu.memory_space<hbm>>
      tpu.wait_dma2 semaphore(%run_scoped3A : memref<!tpu.dma_semaphore, #tpu.memory_space<semaphore_mem>>) src(%dma_wait3A_112 : memref<512xf32, #tpu.memory_space<hbm>>) dst(%arg4 : memref<512xf32, #tpu.memory_space<vmem>>)
      tpu.yield
    }) : () -> ()
    %scan3A = arith.constant 0 : i32
    %scan3A_3 = arith.constant 0 : i32
    %scan3A_4 = arith.constant 32 : i32
    %scan3A_5 = arith.addi %scan3A_3, %scan3A_4 : i32
    %scan3A_6 = arith.constant 1 : i32
    scf.for %scan3A_109 = %scan3A_3 to %scan3A_5 step %scan3A_6  : i32 {
      %mul3A_110 = arith.constant 16 : i32
      %mul3A_111 = arith.muli %scan3A_109, %mul3A_110 : i32
      %get3A = arith.index_cast %mul3A_111 : i32 to index
      %get3A_112 = tpu.vector_load %arg4[%get3A] {strides = array<i32>} : memref<512xf32, #tpu.memory_space<vmem>>, vector<16xf32>,
      %sub3A = arith.constant -1.000000e+05 : f32
      %sub3A_113 = vector.broadcast %sub3A : f32 to vector<16xf32>
      %sub3A_114 = arith.subf %get3A_112, %sub3A_113 : vector<16xf32>
      %div3A = arith.constant 2.000000e+05 : f32
      %div3A_115 = vector.broadcast %div3A : f32 to vector<16xf32>
      %div3A_116 = arith.divf %sub3A_114, %div3A_115 : vector<16xf32>
      %mul3A_117 = arith.constant 1.000000e+08 : f32
      %mul3A_118 = vector.broadcast %mul3A_117 : f32 to vector<16xf32>
      %mul3A_119 = arith.mulf %div3A_116, %mul3A_118 : vector<16xf32>
      %convert_element_type3A = arith.fptosi %mul3A_119 : vector<16xf32> to vector<16xi32>
      %sub3A_120 = arith.constant 32 : i32
      %sub3A_121 = vector.broadcast %sub3A_120 : i32 to vector<16xi32>
      %sub3A_122 = arith.subi %convert_element_type3A, %sub3A_121 : vector<16xi32>
      %jit3A = arith.constant 0 : i32
      %jit3A_123 = arith.constant 99999936 : i32
      %max3A = vector.broadcast %jit3A : i32 to vector<16xi32>
      %max3A_124 = arith.maxsi %max3A, %sub3A_122 : vector<16xi32>
      %min3A = vector.broadcast %jit3A_123 : i32 to vector<16xi32>
      %min3A_125 = arith.minsi %min3A, %max3A_124 : vector<16xi32>
      %broadcast_in_dim3A = arith.constant 0 : i32
      %broadcast_in_dim3A_126 = vector.broadcast %broadcast_in_dim3A : i32 to vector<16xi32>
      %add3A_127 = arith.constant 31 : i32
      %add3A_128 = vector.broadcast %add3A_127 : i32 to vector<16xi32>
      %add3A_129 = arith.addi %broadcast_in_dim3A_126, %add3A_128 : vector<16xi32>
      %add3A_130 = arith.addi %min3A_125, %add3A_129 : vector<16xi32>
      %convert_element_type3A_131 = arith.sitofp %add3A_130 : vector<16xi32> to vector<16xf32>
      %div3A_132 = arith.constant 1.000000e+08 : f32
      %div3A_133 = vector.broadcast %div3A_132 : f32 to vector<16xf32>
      %div3A_134 = arith.divf %convert_element_type3A_131, %div3A_133 : vector<16xf32>
      %sub3A_135 = arith.constant 1.000000e+00 : f32
      %sub3A_136 = vector.broadcast %sub3A_135 : f32 to vector<16xf32>
      %sub3A_137 = arith.subf %sub3A_136, %div3A_134 : vector<16xf32>
      %mul3A_138 = arith.constant -1.000000e+05 : f32
      %mul3A_139 = vector.broadcast %mul3A_138 : f32 to vector<16xf32>
      %mul3A_140 = arith.mulf %mul3A_139, %sub3A_137 : vector<16xf32>
      %mul3A_141 = arith.constant 1.000000e+05 : f32
      %mul3A_142 = vector.broadcast %mul3A_141 : f32 to vector<16xf32>
      %mul3A_143 = arith.mulf %mul3A_142, %div3A_134 : vector<16xf32>
      %add3A_144 = arith.addf %mul3A_140, %mul3A_143 : vector<16xf32>
      %eq3A = arith.constant 99999999 : i32
      %eq3A_145 = vector.broadcast %eq3A : i32 to vector<16xi32>
      %eq3A_146 = arith.cmpi eq, %add3A_130, %eq3A_145 : vector<16xi32>
      %jit3A_147 = arith.constant 1.000000e+05 : f32
      %broadcast_in_dim3A_148 = vector.broadcast %jit3A_147 : f32 to vector<16xf32>
      %select_n3A = arith.select %eq3A_146, %broadcast_in_dim3A_148, %add3A_144 : vector<16xi1>, vector<16xf32>
      %lt3A = arith.cmpf olt, %select_n3A, %get3A_112 : vector<16xf32>
      %add3A_149 = arith.constant 32 : i32
      %add3A_150 = vector.broadcast %add3A_149 : i32 to vector<16xi32>
      %add3A_151 = arith.addi %broadcast_in_dim3A_126, %add3A_150 : vector<16xi32>
      %select_n3A_152 = arith.select %lt3A, %add3A_151, %broadcast_in_dim3A_126 : vector<16xi1>, vector<16xi32>
      %add3A_153 = arith.constant 15 : i32
      %add3A_154 = vector.broadcast %add3A_153 : i32 to vector<16xi32>
      %add3A_155 = arith.addi %select_n3A_152, %add3A_154 : vector<16xi32>
      %add3A_156 = arith.addi %min3A_125, %add3A_155 : vector<16xi32>
      %convert_element_type3A_157 = arith.sitofp %add3A_156 : vector<16xi32> to vector<16xf32>
      %div3A_158 = arith.constant 1.000000e+08 : f32
      %div3A_159 = vector.broadcast %div3A_158 : f32 to vector<16xf32>
      %div3A_160 = arith.divf %convert_element_type3A_157, %div3A_159 : vector<16xf32>
      %sub3A_161 = arith.constant 1.000000e+00 : f32
      %sub3A_162 = vector.broadcast %sub3A_161 : f32 to vector<16xf32>
      %sub3A_163 = arith.subf %sub3A_162, %div3A_160 : vector<16xf32>
      %mul3A_164 = arith.constant -1.000000e+05 : f32
      %mul3A_165 = vector.broadcast %mul3A_164 : f32 to vector<16xf32>
      %mul3A_166 = arith.mulf %mul3A_165, %sub3A_163 : vector<16xf32>
      %mul3A_167 = arith.constant 1.000000e+05 : f32
      %mul3A_168 = vector.broadcast %mul3A_167 : f32 to vector<16xf32>
      %mul3A_169 = arith.mulf %mul3A_168, %div3A_160 : vector<16xf32>
      %add3A_170 = arith.addf %mul3A_166, %mul3A_169 : vector<16xf32>
      %eq3A_171 = arith.constant 99999999 : i32
      %eq3A_172 = vector.broadcast %eq3A_171 : i32 to vector<16xi32>
      %eq3A_173 = arith.cmpi eq, %add3A_156, %eq3A_172 : vector<16xi32>
      %jit3A_174 = arith.constant 1.000000e+05 : f32
      %broadcast_in_dim3A_175 = vector.broadcast %jit3A_174 : f32 to vector<16xf32>
      %select_n3A_176 = arith.select %eq3A_173, %broadcast_in_dim3A_175, %add3A_170 : vector<16xi1>, vector<16xf32>
      %lt3A_177 = arith.cmpf olt, %select_n3A_176, %get3A_112 : vector<16xf32>
      %add3A_178 = arith.constant 16 : i32
      %add3A_179 = vector.broadcast %add3A_178 : i32 to vector<16xi32>
      %add3A_180 = arith.addi %select_n3A_152, %add3A_179 : vector<16xi32>
      %select_n3A_181 = arith.select %lt3A_177, %add3A_180, %select_n3A_152 : vector<16xi1>, vector<16xi32>
      %add3A_182 = arith.constant 7 : i32
      %add3A_183 = vector.broadcast %add3A_182 : i32 to vector<16xi32>
      %add3A_184 = arith.addi %select_n3A_181, %add3A_183 : vector<16xi32>
      %add3A_185 = arith.addi %min3A_125, %add3A_184 : vector<16xi32>
      %convert_element_type3A_186 = arith.sitofp %add3A_185 : vector<16xi32> to vector<16xf32>
      %div3A_187 = arith.constant 1.000000e+08 : f32
      %div3A_188 = vector.broadcast %div3A_187 : f32 to vector<16xf32>
      %div3A_189 = arith.divf %convert_element_type3A_186, %div3A_188 : vector<16xf32>
      %sub3A_190 = arith.constant 1.000000e+00 : f32
      %sub3A_191 = vector.broadcast %sub3A_190 : f32 to vector<16xf32>
      %sub3A_192 = arith.subf %sub3A_191, %div3A_189 : vector<16xf32>
      %mul3A_193 = arith.constant -1.000000e+05 : f32
      %mul3A_194 = vector.broadcast %mul3A_193 : f32 to vector<16xf32>
      %mul3A_195 = arith.mulf %mul3A_194, %sub3A_192 : vector<16xf32>
      %mul3A_196 = arith.constant 1.000000e+05 : f32
      %mul3A_197 = vector.broadcast %mul3A_196 : f32 to vector<16xf32>
      %mul3A_198 = arith.mulf %mul3A_197, %div3A_189 : vector<16xf32>
      %add3A_199 = arith.addf %mul3A_195, %mul3A_198 : vector<16xf32>
      %eq3A_200 = arith.constant 99999999 : i32
      %eq3A_201 = vector.broadcast %eq3A_200 : i32 to vector<16xi32>
      %eq3A_202 = arith.cmpi eq, %add3A_185, %eq3A_201 : vector<16xi32>
      %jit3A_203 = arith.constant 1.000000e+05 : f32
      %broadcast_in_dim3A_204 = vector.broadcast %jit3A_203 : f32 to vector<16xf32>
      %select_n3A_205 = arith.select %eq3A_202, %broadcast_in_dim3A_204, %add3A_199 : vector<16xi1>, vector<16xf32>
      %lt3A_206 = arith.cmpf olt, %select_n3A_205, %get3A_112 : vector<16xf32>
      %add3A_207 = arith.constant 8 : i32
      %add3A_208 = vector.broadcast %add3A_207 : i32 to vector<16xi32>
      %add3A_209 = arith.addi %select_n3A_181, %add3A_208 : vector<16xi32>
      %select_n3A_210 = arith.select %lt3A_206, %add3A_209, %select_n3A_181 : vector<16xi1>, vector<16xi32>
      %add3A_211 = arith.constant 3 : i32
      %add3A_212 = vector.broadcast %add3A_211 : i32 to vector<16xi32>
      %add3A_213 = arith.addi %select_n3A_210, %add3A_212 : vector<16xi32>
      %add3A_214 = arith.addi %min3A_125, %add3A_213 : vector<16xi32>
      %convert_element_type3A_215 = arith.sitofp %add3A_214 : vector<16xi32> to vector<16xf32>
      %div3A_216 = arith.constant 1.000000e+08 : f32
      %div3A_217 = vector.broadcast %div3A_216 : f32 to vector<16xf32>
      %div3A_218 = arith.divf %convert_element_type3A_215, %div3A_217 : vector<16xf32>
      %sub3A_219 = arith.constant 1.000000e+00 : f32
      %sub3A_220 = vector.broadcast %sub3A_219 : f32 to vector<16xf32>
      %sub3A_221 = arith.subf %sub3A_220, %div3A_218 : vector<16xf32>
      %mul3A_222 = arith.constant -1.000000e+05 : f32
      %mul3A_223 = vector.broadcast %mul3A_222 : f32 to vector<16xf32>
      %mul3A_224 = arith.mulf %mul3A_223, %sub3A_221 : vector<16xf32>
      %mul3A_225 = arith.constant 1.000000e+05 : f32
      %mul3A_226 = vector.broadcast %mul3A_225 : f32 to vector<16xf32>
      %mul3A_227 = arith.mulf %mul3A_226, %div3A_218 : vector<16xf32>
      %add3A_228 = arith.addf %mul3A_224, %mul3A_227 : vector<16xf32>
      %eq3A_229 = arith.constant 99999999 : i32
      %eq3A_230 = vector.broadcast %eq3A_229 : i32 to vector<16xi32>
      %eq3A_231 = arith.cmpi eq, %add3A_214, %eq3A_230 : vector<16xi32>
      %jit3A_232 = arith.constant 1.000000e+05 : f32
      %broadcast_in_dim3A_233 = vector.broadcast %jit3A_232 : f32 to vector<16xf32>
      %select_n3A_234 = arith.select %eq3A_231, %broadcast_in_dim3A_233, %add3A_228 : vector<16xi1>, vector<16xf32>
      %lt3A_235 = arith.cmpf olt, %select_n3A_234, %get3A_112 : vector<16xf32>
      %add3A_236 = arith.constant 4 : i32
      %add3A_237 = vector.broadcast %add3A_236 : i32 to vector<16xi32>
      %add3A_238 = arith.addi %select_n3A_210, %add3A_237 : vector<16xi32>
      %select_n3A_239 = arith.select %lt3A_235, %add3A_238, %select_n3A_210 : vector<16xi1>, vector<16xi32>
      %add3A_240 = arith.constant 1 : i32
      %add3A_241 = vector.broadcast %add3A_240 : i32 to vector<16xi32>
      %add3A_242 = arith.addi %select_n3A_239, %add3A_241 : vector<16xi32>
      %add3A_243 = arith.addi %min3A_125, %add3A_242 : vector<16xi32>
      %convert_element_type3A_244 = arith.sitofp %add3A_243 : vector<16xi32> to vector<16xf32>
      %div3A_245 = arith.constant 1.000000e+08 : f32
      %div3A_246 = vector.broadcast %div3A_245 : f32 to vector<16xf32>
      %div3A_247 = arith.divf %convert_element_type3A_244, %div3A_246 : vector<16xf32>
      %sub3A_248 = arith.constant 1.000000e+00 : f32
      %sub3A_249 = vector.broadcast %sub3A_248 : f32 to vector<16xf32>
      %sub3A_250 = arith.subf %sub3A_249, %div3A_247 : vector<16xf32>
      %mul3A_251 = arith.constant -1.000000e+05 : f32
      %mul3A_252 = vector.broadcast %mul3A_251 : f32 to vector<16xf32>
      %mul3A_253 = arith.mulf %mul3A_252, %sub3A_250 : vector<16xf32>
      %mul3A_254 = arith.constant 1.000000e+05 : f32
      %mul3A_255 = vector.broadcast %mul3A_254 : f32 to vector<16xf32>
      %mul3A_256 = arith.mulf %mul3A_255, %div3A_247 : vector<16xf32>
      %add3A_257 = arith.addf %mul3A_253, %mul3A_256 : vector<16xf32>
      %eq3A_258 = arith.constant 99999999 : i32
      %eq3A_259 = vector.broadcast %eq3A_258 : i32 to vector<16xi32>
      %eq3A_260 = arith.cmpi eq, %add3A_243, %eq3A_259 : vector<16xi32>
      %jit3A_261 = arith.constant 1.000000e+05 : f32
      %broadcast_in_dim3A_262 = vector.broadcast %jit3A_261 : f32 to vector<16xf32>
      %select_n3A_263 = arith.select %eq3A_260, %broadcast_in_dim3A_262, %add3A_257 : vector<16xi1>, vector<16xf32>
      %lt3A_264 = arith.cmpf olt, %select_n3A_263, %get3A_112 : vector<16xf32>
      %add3A_265 = arith.constant 2 : i32
      %add3A_266 = vector.broadcast %add3A_265 : i32 to vector<16xi32>
      %add3A_267 = arith.addi %select_n3A_239, %add3A_266 : vector<16xi32>
      %select_n3A_268 = arith.select %lt3A_264, %add3A_267, %select_n3A_239 : vector<16xi1>, vector<16xi32>
      %add3A_269 = arith.constant 0 : i32
      %add3A_270 = vector.broadcast %add3A_269 : i32 to vector<16xi32>
      %add3A_271 = arith.addi %select_n3A_268, %add3A_270 : vector<16xi32>
      %add3A_272 = arith.addi %min3A_125, %add3A_271 : vector<16xi32>
      %convert_element_type3A_273 = arith.sitofp %add3A_272 : vector<16xi32> to vector<16xf32>
      %div3A_274 = arith.constant 1.000000e+08 : f32
      %div3A_275 = vector.broadcast %div3A_274 : f32 to vector<16xf32>
      %div3A_276 = arith.divf %convert_element_type3A_273, %div3A_275 : vector<16xf32>
      %sub3A_277 = arith.constant 1.000000e+00 : f32
      %sub3A_278 = vector.broadcast %sub3A_277 : f32 to vector<16xf32>
      %sub3A_279 = arith.subf %sub3A_278, %div3A_276 : vector<16xf32>
      %mul3A_280 = arith.constant -1.000000e+05 : f32
      %mul3A_281 = vector.broadcast %mul3A_280 : f32 to vector<16xf32>
      %mul3A_282 = arith.mulf %mul3A_281, %sub3A_279 : vector<16xf32>
      %mul3A_283 = arith.constant 1.000000e+05 : f32
      %mul3A_284 = vector.broadcast %mul3A_283 : f32 to vector<16xf32>
      %mul3A_285 = arith.mulf %mul3A_284, %div3A_276 : vector<16xf32>
      %add3A_286 = arith.addf %mul3A_282, %mul3A_285 : vector<16xf32>
      %eq3A_287 = arith.constant 99999999 : i32
      %eq3A_288 = vector.broadcast %eq3A_287 : i32 to vector<16xi32>
      %eq3A_289 = arith.cmpi eq, %add3A_272, %eq3A_288 : vector<16xi32>
      %jit3A_290 = arith.constant 1.000000e+05 : f32
      %broadcast_in_dim3A_291 = vector.broadcast %jit3A_290 : f32 to vector<16xf32>
      %select_n3A_292 = arith.select %eq3A_289, %broadcast_in_dim3A_291, %add3A_286 : vector<16xi1>, vector<16xf32>
      %lt3A_293 = arith.cmpf olt, %select_n3A_292, %get3A_112 : vector<16xf32>
      %add3A_294 = arith.constant 1 : i32
      %add3A_295 = vector.broadcast %add3A_294 : i32 to vector<16xi32>
      %add3A_296 = arith.addi %select_n3A_268, %add3A_295 : vector<16xi32>
      %select_n3A_297 = arith.select %lt3A_293, %add3A_296, %select_n3A_268 : vector<16xi1>, vector<16xi32>
      %add3A_298 = arith.addi %min3A_125, %select_n3A_297 : vector<16xi32>
      %convert_element_type3A_299 = arith.sitofp %add3A_298 : vector<16xi32> to vector<16xf32>
      %div3A_300 = arith.constant 1.000000e+08 : f32
      %div3A_301 = vector.broadcast %div3A_300 : f32 to vector<16xf32>
      %div3A_302 = arith.divf %convert_element_type3A_299, %div3A_301 : vector<16xf32>
      %sub3A_303 = arith.constant 1.000000e+00 : f32
      %sub3A_304 = vector.broadcast %sub3A_303 : f32 to vector<16xf32>
      %sub3A_305 = arith.subf %sub3A_304, %div3A_302 : vector<16xf32>
      %mul3A_306 = arith.constant -1.000000e+05 : f32
      %mul3A_307 = vector.broadcast %mul3A_306 : f32 to vector<16xf32>
      %mul3A_308 = arith.mulf %mul3A_307, %sub3A_305 : vector<16xf32>
      %mul3A_309 = arith.constant 1.000000e+05 : f32
      %mul3A_310 = vector.broadcast %mul3A_309 : f32 to vector<16xf32>
      %mul3A_311 = arith.mulf %mul3A_310, %div3A_302 : vector<16xf32>
      %add3A_312 = arith.addf %mul3A_308, %mul3A_311 : vector<16xf32>
      %eq3A_313 = arith.constant 99999999 : i32
      %eq3A_314 = vector.broadcast %eq3A_313 : i32 to vector<16xi32>
      %eq3A_315 = arith.cmpi eq, %add3A_298, %eq3A_314 : vector<16xi32>
      %jit3A_316 = arith.constant 1.000000e+05 : f32
      %broadcast_in_dim3A_317 = vector.broadcast %jit3A_316 : f32 to vector<16xf32>
      %select_n3A_318 = arith.select %eq3A_315, %broadcast_in_dim3A_317, %add3A_312 : vector<16xi1>, vector<16xf32>
      %lt3A_319 = arith.cmpf olt, %select_n3A_318, %get3A_112 : vector<16xf32>
      %add3A_320 = arith.constant 1 : i32
      %add3A_321 = vector.broadcast %add3A_320 : i32 to vector<16xi32>
      %add3A_322 = arith.addi %select_n3A_297, %add3A_321 : vector<16xi32>
      %select_n3A_323 = arith.select %lt3A_319, %add3A_322, %select_n3A_297 : vector<16xi1>, vector<16xi32>
      %add3A_324 = arith.addi %min3A_125, %select_n3A_323 : vector<16xi32>
      %mul3A_325 = arith.constant 16 : i32
      %mul3A_326 = arith.muli %scan3A_109, %mul3A_325 : i32
      %swap3A = arith.index_cast %mul3A_326 : i32 to index
      %swap3A_327 = tpu.vector_load %arg5[%swap3A] {strides = array<i32>} : memref<512xi32, #tpu.memory_space<vmem>>, vector<16xi32>,
      tpu.vector_store %arg5[%swap3A], %add3A_324 {strides = array<i32>} : memref<512xi32, #tpu.memory_space<vmem>>, vector<16xi32>,
    }
    %scan3A_7 = arith.constant 32 : i32
    %parallel_loop3A = arith.constant 0 : i32
    %parallel_loop3A_8 = arith.constant 64 : i32
    %parallel_loop3A_9 = arith.constant 1 : i32
    scf.for %parallel_loop3A_109 = %parallel_loop3A to %parallel_loop3A_8 step %parallel_loop3A_9  : i32 {
      %parallel_loop3A_110 = arith.constant 0 : i32
      %parallel_loop3A_111 = arith.addi %parallel_loop3A_110, %parallel_loop3A_109 : i32
      %parallel_loop3A_112 = vector.broadcast %parallel_loop3A_111 : i32 to vector<16xi32>
      %parallel_loop3A_113 = tpu.vector_load_idx %arg5[%parallel_loop3A_112] : memref<512xi32, #tpu.memory_space<vmem>>[vector<16xi32>], vector<16xi32>,
      %parallel_loop3A_114 = arith.index_cast %parallel_loop3A_109 : i32 to index
      %parallel_loop3A_115 = arith.constant 0 : index
      %parallel_loop3A_116 = tpu.vector_load %arg6[%parallel_loop3A_114, %parallel_loop3A_115] {strides = array<i32>} : memref<64x512xi32, #tpu.memory_space<vmem>>, vector<16xi32>,
      tpu.vector_store %arg6[%parallel_loop3A_114, %parallel_loop3A_115], %parallel_loop3A_113 {strides = array<i32>} : memref<64x512xi32, #tpu.memory_space<vmem>>, vector<16xi32>,
      %parallel_loop3A_117 = arith.index_cast %parallel_loop3A_109 : i32 to index
      %parallel_loop3A_118 = arith.constant 16 : index
      %parallel_loop3A_119 = tpu.vector_load %arg6[%parallel_loop3A_117, %parallel_loop3A_118] {strides = array<i32>} : memref<64x512xi32, #tpu.memory_space<vmem>>, vector<16xi32>,
      tpu.vector_store %arg6[%parallel_loop3A_117, %parallel_loop3A_118], %parallel_loop3A_113 {strides = array<i32>} : memref<64x512xi32, #tpu.memory_space<vmem>>, vector<16xi32>,
      %parallel_loop3A_120 = arith.index_cast %parallel_loop3A_109 : i32 to index
      %parallel_loop3A_121 = arith.constant 32 : index
      %parallel_loop3A_122 = tpu.vector_load %arg6[%parallel_loop3A_120, %parallel_loop3A_121] {strides = array<i32>} : memref<64x512xi32, #tpu.memory_space<vmem>>, vector<16xi32>,
      tpu.vector_store %arg6[%parallel_loop3A_120, %parallel_loop3A_121], %parallel_loop3A_113 {strides = array<i32>} : memref<64x512xi32, #tpu.memory_space<vmem>>, vector<16xi32>,
      %parallel_loop3A_123 = arith.index_cast %parallel_loop3A_109 : i32 to index
      %parallel_loop3A_124 = arith.constant 48 : index
      %parallel_loop3A_125 = tpu.vector_load %arg6[%parallel_loop3A_123, %parallel_loop3A_124] {strides = array<i32>} : memref<64x512xi32, #tpu.memory_space<vmem>>, vector<16xi32>,
      tpu.vector_store %arg6[%parallel_loop3A_123, %parallel_loop3A_124], %parallel_loop3A_113 {strides = array<i32>} : memref<64x512xi32, #tpu.memory_space<vmem>>, vector<16xi32>,
      %parallel_loop3A_126 = arith.index_cast %parallel_loop3A_109 : i32 to index
      %parallel_loop3A_127 = arith.constant 64 : index
      %parallel_loop3A_128 = tpu.vector_load %arg6[%parallel_loop3A_126, %parallel_loop3A_127] {strides = array<i32>} : memref<64x512xi32, #tpu.memory_space<vmem>>, vector<16xi32>,
      tpu.vector_store %arg6[%parallel_loop3A_126, %parallel_loop3A_127], %parallel_loop3A_113 {strides = array<i32>} : memref<64x512xi32, #tpu.memory_space<vmem>>, vector<16xi32>,
      %parallel_loop3A_129 = arith.index_cast %parallel_loop3A_109 : i32 to index
      %parallel_loop3A_130 = arith.constant 80 : index
      %parallel_loop3A_131 = tpu.vector_load %arg6[%parallel_loop3A_129, %parallel_loop3A_130] {strides = array<i32>} : memref<64x512xi32, #tpu.memory_space<vmem>>, vector<16xi32>,
      tpu.vector_store %arg6[%parallel_loop3A_129, %parallel_loop3A_130], %parallel_loop3A_113 {strides = array<i32>} : memref<64x512xi32, #tpu.memory_space<vmem>>, vector<16xi32>,
      %parallel_loop3A_132 = arith.index_cast %parallel_loop3A_109 : i32 to index
      %parallel_loop3A_133 = arith.constant 96 : index
      %parallel_loop3A_134 = tpu.vector_load %arg6[%parallel_loop3A_132, %parallel_loop3A_133] {strides = array<i32>} : memref<64x512xi32, #tpu.memory_space<vmem>>, vector<16xi32>,
      tpu.vector_store %arg6[%parallel_loop3A_132, %parallel_loop3A_133], %parallel_loop3A_113 {strides = array<i32>} : memref<64x512xi32, #tpu.memory_space<vmem>>, vector<16xi32>,
      %parallel_loop3A_135 = arith.index_cast %parallel_loop3A_109 : i32 to index
      %parallel_loop3A_136 = arith.constant 112 : index
      %parallel_loop3A_137 = tpu.vector_load %arg6[%parallel_loop3A_135, %parallel_loop3A_136] {strides = array<i32>} : memref<64x512xi32, #tpu.memory_space<vmem>>, vector<16xi32>,
      tpu.vector_store %arg6[%parallel_loop3A_135, %parallel_loop3A_136], %parallel_loop3A_113 {strides = array<i32>} : memref<64x512xi32, #tpu.memory_space<vmem>>, vector<16xi32>,
      %parallel_loop3A_138 = arith.index_cast %parallel_loop3A_109 : i32 to index
      %parallel_loop3A_139 = arith.constant 128 : index
      %parallel_loop3A_140 = tpu.vector_load %arg6[%parallel_loop3A_138, %parallel_loop3A_139] {strides = array<i32>} : memref<64x512xi32, #tpu.memory_space<vmem>>, vector<16xi32>,
      tpu.vector_store %arg6[%parallel_loop3A_138, %parallel_loop3A_139], %parallel_loop3A_113 {strides = array<i32>} : memref<64x512xi32, #tpu.memory_space<vmem>>, vector<16xi32>,
      %parallel_loop3A_141 = arith.index_cast %parallel_loop3A_109 : i32 to index
      %parallel_loop3A_142 = arith.constant 144 : index
      %parallel_loop3A_143 = tpu.vector_load %arg6[%parallel_loop3A_141, %parallel_loop3A_142] {strides = array<i32>} : memref<64x512xi32, #tpu.memory_space<vmem>>, vector<16xi32>,
      tpu.vector_store %arg6[%parallel_loop3A_141, %parallel_loop3A_142], %parallel_loop3A_113 {strides = array<i32>} : memref<64x512xi32, #tpu.memory_space<vmem>>, vector<16xi32>,
      %parallel_loop3A_144 = arith.index_cast %parallel_loop3A_109 : i32 to index
      %parallel_loop3A_145 = arith.constant 160 : index
      %parallel_loop3A_146 = tpu.vector_load %arg6[%parallel_loop3A_144, %parallel_loop3A_145] {strides = array<i32>} : memref<64x512xi32, #tpu.memory_space<vmem>>, vector<16xi32>,
      tpu.vector_store %arg6[%parallel_loop3A_144, %parallel_loop3A_145], %parallel_loop3A_113 {strides = array<i32>} : memref<64x512xi32, #tpu.memory_space<vmem>>, vector<16xi32>,
      %parallel_loop3A_147 = arith.index_cast %parallel_loop3A_109 : i32 to index
      %parallel_loop3A_148 = arith.constant 176 : index
      %parallel_loop3A_149 = tpu.vector_load %arg6[%parallel_loop3A_147, %parallel_loop3A_148] {strides = array<i32>} : memref<64x512xi32, #tpu.memory_space<vmem>>, vector<16xi32>,
      tpu.vector_store %arg6[%parallel_loop3A_147, %parallel_loop3A_148], %parallel_loop3A_113 {strides = array<i32>} : memref<64x512xi32, #tpu.memory_space<vmem>>, vector<16xi32>,
      %parallel_loop3A_150 = arith.index_cast %parallel_loop3A_109 : i32 to index
      %parallel_loop3A_151 = arith.constant 192 : index
      %parallel_loop3A_152 = tpu.vector_load %arg6[%parallel_loop3A_150, %parallel_loop3A_151] {strides = array<i32>} : memref<64x512xi32, #tpu.memory_space<vmem>>, vector<16xi32>,
      tpu.vector_store %arg6[%parallel_loop3A_150, %parallel_loop3A_151], %parallel_loop3A_113 {strides = array<i32>} : memref<64x512xi32, #tpu.memory_space<vmem>>, vector<16xi32>,
      %parallel_loop3A_153 = arith.index_cast %parallel_loop3A_109 : i32 to index
      %parallel_loop3A_154 = arith.constant 208 : index
      %parallel_loop3A_155 = tpu.vector_load %arg6[%parallel_loop3A_153, %parallel_loop3A_154] {strides = array<i32>} : memref<64x512xi32, #tpu.memory_space<vmem>>, vector<16xi32>,
      tpu.vector_store %arg6[%parallel_loop3A_153, %parallel_loop3A_154], %parallel_loop3A_113 {strides = array<i32>} : memref<64x512xi32, #tpu.memory_space<vmem>>, vector<16xi32>,
      %parallel_loop3A_156 = arith.index_cast %parallel_loop3A_109 : i32 to index
      %parallel_loop3A_157 = arith.constant 224 : index
      %parallel_loop3A_158 = tpu.vector_load %arg6[%parallel_loop3A_156, %parallel_loop3A_157] {strides = array<i32>} : memref<64x512xi32, #tpu.memory_space<vmem>>, vector<16xi32>,
      tpu.vector_store %arg6[%parallel_loop3A_156, %parallel_loop3A_157], %parallel_loop3A_113 {strides = array<i32>} : memref<64x512xi32, #tpu.memory_space<vmem>>, vector<16xi32>,
      %parallel_loop3A_159 = arith.index_cast %parallel_loop3A_109 : i32 to index
      %parallel_loop3A_160 = arith.constant 240 : index
      %parallel_loop3A_161 = tpu.vector_load %arg6[%parallel_loop3A_159, %parallel_loop3A_160] {strides = array<i32>} : memref<64x512xi32, #tpu.memory_space<vmem>>, vector<16xi32>,
      tpu.vector_store %arg6[%parallel_loop3A_159, %parallel_loop3A_160], %parallel_loop3A_113 {strides = array<i32>} : memref<64x512xi32, #tpu.memory_space<vmem>>, vector<16xi32>,
      %parallel_loop3A_162 = arith.index_cast %parallel_loop3A_109 : i32 to index
      %parallel_loop3A_163 = arith.constant 256 : index
      %parallel_loop3A_164 = tpu.vector_load %arg6[%parallel_loop3A_162, %parallel_loop3A_163] {strides = array<i32>} : memref<64x512xi32, #tpu.memory_space<vmem>>, vector<16xi32>,
      tpu.vector_store %arg6[%parallel_loop3A_162, %parallel_loop3A_163], %parallel_loop3A_113 {strides = array<i32>} : memref<64x512xi32, #tpu.memory_space<vmem>>, vector<16xi32>,
      %parallel_loop3A_165 = arith.index_cast %parallel_loop3A_109 : i32 to index
      %parallel_loop3A_166 = arith.constant 272 : index
      %parallel_loop3A_167 = tpu.vector_load %arg6[%parallel_loop3A_165, %parallel_loop3A_166] {strides = array<i32>} : memref<64x512xi32, #tpu.memory_space<vmem>>, vector<16xi32>,
      tpu.vector_store %arg6[%parallel_loop3A_165, %parallel_loop3A_166], %parallel_loop3A_113 {strides = array<i32>} : memref<64x512xi32, #tpu.memory_space<vmem>>, vector<16xi32>,
      %parallel_loop3A_168 = arith.index_cast %parallel_loop3A_109 : i32 to index
      %parallel_loop3A_169 = arith.constant 288 : index
      %parallel_loop3A_170 = tpu.vector_load %arg6[%parallel_loop3A_168, %parallel_loop3A_169] {strides = array<i32>} : memref<64x512xi32, #tpu.memory_space<vmem>>, vector<16xi32>,
      tpu.vector_store %arg6[%parallel_loop3A_168, %parallel_loop3A_169], %parallel_loop3A_113 {strides = array<i32>} : memref<64x512xi32, #tpu.memory_space<vmem>>, vector<16xi32>,
      %parallel_loop3A_171 = arith.index_cast %parallel_loop3A_109 : i32 to index
      %parallel_loop3A_172 = arith.constant 304 : index
      %parallel_loop3A_173 = tpu.vector_load %arg6[%parallel_loop3A_171, %parallel_loop3A_172] {strides = array<i32>} : memref<64x512xi32, #tpu.memory_space<vmem>>, vector<16xi32>,
      tpu.vector_store %arg6[%parallel_loop3A_171, %parallel_loop3A_172], %parallel_loop3A_113 {strides = array<i32>} : memref<64x512xi32, #tpu.memory_space<vmem>>, vector<16xi32>,
      %parallel_loop3A_174 = arith.index_cast %parallel_loop3A_109 : i32 to index
      %parallel_loop3A_175 = arith.constant 320 : index
      %parallel_loop3A_176 = tpu.vector_load %arg6[%parallel_loop3A_174, %parallel_loop3A_175] {strides = array<i32>} : memref<64x512xi32, #tpu.memory_space<vmem>>, vector<16xi32>,
      tpu.vector_store %arg6[%parallel_loop3A_174, %parallel_loop3A_175], %parallel_loop3A_113 {strides = array<i32>} : memref<64x512xi32, #tpu.memory_space<vmem>>, vector<16xi32>,
      %parallel_loop3A_177 = arith.index_cast %parallel_loop3A_109 : i32 to index
      %parallel_loop3A_178 = arith.constant 336 : index
      %parallel_loop3A_179 = tpu.vector_load %arg6[%parallel_loop3A_177, %parallel_loop3A_178] {strides = array<i32>} : memref<64x512xi32, #tpu.memory_space<vmem>>, vector<16xi32>,
      tpu.vector_store %arg6[%parallel_loop3A_177, %parallel_loop3A_178], %parallel_loop3A_113 {strides = array<i32>} : memref<64x512xi32, #tpu.memory_space<vmem>>, vector<16xi32>,
      %parallel_loop3A_180 = arith.index_cast %parallel_loop3A_109 : i32 to index
      %parallel_loop3A_181 = arith.constant 352 : index
      %parallel_loop3A_182 = tpu.vector_load %arg6[%parallel_loop3A_180, %parallel_loop3A_181] {strides = array<i32>} : memref<64x512xi32, #tpu.memory_space<vmem>>, vector<16xi32>,
      tpu.vector_store %arg6[%parallel_loop3A_180, %parallel_loop3A_181], %parallel_loop3A_113 {strides = array<i32>} : memref<64x512xi32, #tpu.memory_space<vmem>>, vector<16xi32>,
      %parallel_loop3A_183 = arith.index_cast %parallel_loop3A_109 : i32 to index
      %parallel_loop3A_184 = arith.constant 368 : index
      %parallel_loop3A_185 = tpu.vector_load %arg6[%parallel_loop3A_183, %parallel_loop3A_184] {strides = array<i32>} : memref<64x512xi32, #tpu.memory_space<vmem>>, vector<16xi32>,
      tpu.vector_store %arg6[%parallel_loop3A_183, %parallel_loop3A_184], %parallel_loop3A_113 {strides = array<i32>} : memref<64x512xi32, #tpu.memory_space<vmem>>, vector<16xi32>,
      %parallel_loop3A_186 = arith.index_cast %parallel_loop3A_109 : i32 to index
      %parallel_loop3A_187 = arith.constant 384 : index
      %parallel_loop3A_188 = tpu.vector_load %arg6[%parallel_loop3A_186, %parallel_loop3A_187] {strides = array<i32>} : memref<64x512xi32, #tpu.memory_space<vmem>>, vector<16xi32>,
      tpu.vector_store %arg6[%parallel_loop3A_186, %parallel_loop3A_187], %parallel_loop3A_113 {strides = array<i32>} : memref<64x512xi32, #tpu.memory_space<vmem>>, vector<16xi32>,
      %parallel_loop3A_189 = arith.index_cast %parallel_loop3A_109 : i32 to index
      %parallel_loop3A_190 = arith.constant 400 : index
      %parallel_loop3A_191 = tpu.vector_load %arg6[%parallel_loop3A_189, %parallel_loop3A_190] {strides = array<i32>} : memref<64x512xi32, #tpu.memory_space<vmem>>, vector<16xi32>,
      tpu.vector_store %arg6[%parallel_loop3A_189, %parallel_loop3A_190], %parallel_loop3A_113 {strides = array<i32>} : memref<64x512xi32, #tpu.memory_space<vmem>>, vector<16xi32>,
      %parallel_loop3A_192 = arith.index_cast %parallel_loop3A_109 : i32 to index
      %parallel_loop3A_193 = arith.constant 416 : index
      %parallel_loop3A_194 = tpu.vector_load %arg6[%parallel_loop3A_192, %parallel_loop3A_193] {strides = array<i32>} : memref<64x512xi32, #tpu.memory_space<vmem>>, vector<16xi32>,
      tpu.vector_store %arg6[%parallel_loop3A_192, %parallel_loop3A_193], %parallel_loop3A_113 {strides = array<i32>} : memref<64x512xi32, #tpu.memory_space<vmem>>, vector<16xi32>,
      %parallel_loop3A_195 = arith.index_cast %parallel_loop3A_109 : i32 to index
      %parallel_loop3A_196 = arith.constant 432 : index
      %parallel_loop3A_197 = tpu.vector_load %arg6[%parallel_loop3A_195, %parallel_loop3A_196] {strides = array<i32>} : memref<64x512xi32, #tpu.memory_space<vmem>>, vector<16xi32>,
      tpu.vector_store %arg6[%parallel_loop3A_195, %parallel_loop3A_196], %parallel_loop3A_113 {strides = array<i32>} : memref<64x512xi32, #tpu.memory_space<vmem>>, vector<16xi32>,
      %parallel_loop3A_198 = arith.index_cast %parallel_loop3A_109 : i32 to index
      %parallel_loop3A_199 = arith.constant 448 : index
      %parallel_loop3A_200 = tpu.vector_load %arg6[%parallel_loop3A_198, %parallel_loop3A_199] {strides = array<i32>} : memref<64x512xi32, #tpu.memory_space<vmem>>, vector<16xi32>,
      tpu.vector_store %arg6[%parallel_loop3A_198, %parallel_loop3A_199], %parallel_loop3A_113 {strides = array<i32>} : memref<64x512xi32, #tpu.memory_space<vmem>>, vector<16xi32>,
      %parallel_loop3A_201 = arith.index_cast %parallel_loop3A_109 : i32 to index
      %parallel_loop3A_202 = arith.constant 464 : index
      %parallel_loop3A_203 = tpu.vector_load %arg6[%parallel_loop3A_201, %parallel_loop3A_202] {strides = array<i32>} : memref<64x512xi32, #tpu.memory_space<vmem>>, vector<16xi32>,
      tpu.vector_store %arg6[%parallel_loop3A_201, %parallel_loop3A_202], %parallel_loop3A_113 {strides = array<i32>} : memref<64x512xi32, #tpu.memory_space<vmem>>, vector<16xi32>,
      %parallel_loop3A_204 = arith.index_cast %parallel_loop3A_109 : i32 to index
      %parallel_loop3A_205 = arith.constant 480 : index
      %parallel_loop3A_206 = tpu.vector_load %arg6[%parallel_loop3A_204, %parallel_loop3A_205] {strides = array<i32>} : memref<64x512xi32, #tpu.memory_space<vmem>>, vector<16xi32>,
      tpu.vector_store %arg6[%parallel_loop3A_204, %parallel_loop3A_205], %parallel_loop3A_113 {strides = array<i32>} : memref<64x512xi32, #tpu.memory_space<vmem>>, vector<16xi32>,
      %parallel_loop3A_207 = arith.index_cast %parallel_loop3A_109 : i32 to index
      %parallel_loop3A_208 = arith.constant 496 : index
      %parallel_loop3A_209 = tpu.vector_load %arg6[%parallel_loop3A_207, %parallel_loop3A_208] {strides = array<i32>} : memref<64x512xi32, #tpu.memory_space<vmem>>, vector<16xi32>,
      tpu.vector_store %arg6[%parallel_loop3A_207, %parallel_loop3A_208], %parallel_loop3A_113 {strides = array<i32>} : memref<64x512xi32, #tpu.memory_space<vmem>>, vector<16xi32>,
    } {sc.loop_unroll_factor = 2 : i64, sc.parallel_access}
    %add3A_10 = arith.constant 0 : i32
    %add3A_11 = arith.addi %mul3A_2, %add3A_10 : i32
    %dma_start3A = arith.constant 0 : i32
    %dma_start3A_12 = tpu.memref_slice %arg3[%add3A_11, %dma_start3A] : memref<16384x512xi32, #tpu.memory_space<hbm>> -> memref<64x512xi32, #tpu.memory_space<hbm>>
    %dma_start3A_13 = arith.constant 0 : i32
    %dma_start3A_14 = tpu.memref_slice %arg3[%add3A_11, %dma_start3A_13] : memref<16384x512xi32, #tpu.memory_space<hbm>> -> memref<64x512xi32, #tpu.memory_space<hbm>>
    tpu.enqueue_dma source(%arg6 : memref<64x512xi32, #tpu.memory_space<vmem>>) target(%dma_start3A_14 : memref<64x512xi32, #tpu.memory_space<hbm>>) target_semaphore(%arg8 : memref<!tpu.dma_semaphore, #tpu.memory_space<semaphore_mem>>)
    %parallel_loop3A_15 = arith.constant 0 : i32
    %parallel_loop3A_16 = arith.constant 64 : i32
    %parallel_loop3A_17 = arith.constant 1 : i32
    scf.for %parallel_loop3A_109 = %parallel_loop3A_15 to %parallel_loop3A_16 step %parallel_loop3A_17  : i32 {
      %parallel_loop3A_110 = arith.constant 64 : i32
      %parallel_loop3A_111 = arith.addi %parallel_loop3A_110, %parallel_loop3A_109 : i32
      %parallel_loop3A_112 = vector.broadcast %parallel_loop3A_111 : i32 to vector<16xi32>
      %parallel_loop3A_113 = tpu.vector_load_idx %arg5[%parallel_loop3A_112] : memref<512xi32, #tpu.memory_space<vmem>>[vector<16xi32>], vector<16xi32>,
      %parallel_loop3A_114 = arith.index_cast %parallel_loop3A_109 : i32 to index
      %parallel_loop3A_115 = arith.constant 0 : index
      %parallel_loop3A_116 = tpu.vector_load %arg7[%parallel_loop3A_114, %parallel_loop3A_115] {strides = array<i32>} : memref<64x512xi32, #tpu.memory_space<vmem>>, vector<16xi32>,
      tpu.vector_store %arg7[%parallel_loop3A_114, %parallel_loop3A_115], %parallel_loop3A_113 {strides = array<i32>} : memref<64x512xi32, #tpu.memory_space<vmem>>, vector<16xi32>,
      %parallel_loop3A_117 = arith.index_cast %parallel_loop3A_109 : i32 to index
      %parallel_loop3A_118 = arith.constant 16 : index
      %parallel_loop3A_119 = tpu.vector_load %arg7[%parallel_loop3A_117, %parallel_loop3A_118] {strides = array<i32>} : memref<64x512xi32, #tpu.memory_space<vmem>>, vector<16xi32>,
      tpu.vector_store %arg7[%parallel_loop3A_117, %parallel_loop3A_118], %parallel_loop3A_113 {strides = array<i32>} : memref<64x512xi32, #tpu.memory_space<vmem>>, vector<16xi32>,
      %parallel_loop3A_120 = arith.index_cast %parallel_loop3A_109 : i32 to index
      %parallel_loop3A_121 = arith.constant 32 : index
      %parallel_loop3A_122 = tpu.vector_load %arg7[%parallel_loop3A_120, %parallel_loop3A_121] {strides = array<i32>} : memref<64x512xi32, #tpu.memory_space<vmem>>, vector<16xi32>,
      tpu.vector_store %arg7[%parallel_loop3A_120, %parallel_loop3A_121], %parallel_loop3A_113 {strides = array<i32>} : memref<64x512xi32, #tpu.memory_space<vmem>>, vector<16xi32>,
      %parallel_loop3A_123 = arith.index_cast %parallel_loop3A_109 : i32 to index
      %parallel_loop3A_124 = arith.constant 48 : index
      %parallel_loop3A_125 = tpu.vector_load %arg7[%parallel_loop3A_123, %parallel_loop3A_124] {strides = array<i32>} : memref<64x512xi32, #tpu.memory_space<vmem>>, vector<16xi32>,
      tpu.vector_store %arg7[%parallel_loop3A_123, %parallel_loop3A_124], %parallel_loop3A_113 {strides = array<i32>} : memref<64x512xi32, #tpu.memory_space<vmem>>, vector<16xi32>,
      %parallel_loop3A_126 = arith.index_cast %parallel_loop3A_109 : i32 to index
      %parallel_loop3A_127 = arith.constant 64 : index
      %parallel_loop3A_128 = tpu.vector_load %arg7[%parallel_loop3A_126, %parallel_loop3A_127] {strides = array<i32>} : memref<64x512xi32, #tpu.memory_space<vmem>>, vector<16xi32>,
      tpu.vector_store %arg7[%parallel_loop3A_126, %parallel_loop3A_127], %parallel_loop3A_113 {strides = array<i32>} : memref<64x512xi32, #tpu.memory_space<vmem>>, vector<16xi32>,
      %parallel_loop3A_129 = arith.index_cast %parallel_loop3A_109 : i32 to index
      %parallel_loop3A_130 = arith.constant 80 : index
      %parallel_loop3A_131 = tpu.vector_load %arg7[%parallel_loop3A_129, %parallel_loop3A_130] {strides = array<i32>} : memref<64x512xi32, #tpu.memory_space<vmem>>, vector<16xi32>,
      tpu.vector_store %arg7[%parallel_loop3A_129, %parallel_loop3A_130], %parallel_loop3A_113 {strides = array<i32>} : memref<64x512xi32, #tpu.memory_space<vmem>>, vector<16xi32>,
      %parallel_loop3A_132 = arith.index_cast %parallel_loop3A_109 : i32 to index
      %parallel_loop3A_133 = arith.constant 96 : index
      %parallel_loop3A_134 = tpu.vector_load %arg7[%parallel_loop3A_132, %parallel_loop3A_133] {strides = array<i32>} : memref<64x512xi32, #tpu.memory_space<vmem>>, vector<16xi32>,
      tpu.vector_store %arg7[%parallel_loop3A_132, %parallel_loop3A_133], %parallel_loop3A_113 {strides = array<i32>} : memref<64x512xi32, #tpu.memory_space<vmem>>, vector<16xi32>,
      %parallel_loop3A_135 = arith.index_cast %parallel_loop3A_109 : i32 to index
      %parallel_loop3A_136 = arith.constant 112 : index
      %parallel_loop3A_137 = tpu.vector_load %arg7[%parallel_loop3A_135, %parallel_loop3A_136] {strides = array<i32>} : memref<64x512xi32, #tpu.memory_space<vmem>>, vector<16xi32>,
      tpu.vector_store %arg7[%parallel_loop3A_135, %parallel_loop3A_136], %parallel_loop3A_113 {strides = array<i32>} : memref<64x512xi32, #tpu.memory_space<vmem>>, vector<16xi32>,
      %parallel_loop3A_138 = arith.index_cast %parallel_loop3A_109 : i32 to index
      %parallel_loop3A_139 = arith.constant 128 : index
      %parallel_loop3A_140 = tpu.vector_load %arg7[%parallel_loop3A_138, %parallel_loop3A_139] {strides = array<i32>} : memref<64x512xi32, #tpu.memory_space<vmem>>, vector<16xi32>,
      tpu.vector_store %arg7[%parallel_loop3A_138, %parallel_loop3A_139], %parallel_loop3A_113 {strides = array<i32>} : memref<64x512xi32, #tpu.memory_space<vmem>>, vector<16xi32>,
      %parallel_loop3A_141 = arith.index_cast %parallel_loop3A_109 : i32 to index
      %parallel_loop3A_142 = arith.constant 144 : index
      %parallel_loop3A_143 = tpu.vector_load %arg7[%parallel_loop3A_141, %parallel_loop3A_142] {strides = array<i32>} : memref<64x512xi32, #tpu.memory_space<vmem>>, vector<16xi32>,
      tpu.vector_store %arg7[%parallel_loop3A_141, %parallel_loop3A_142], %parallel_loop3A_113 {strides = array<i32>} : memref<64x512xi32, #tpu.memory_space<vmem>>, vector<16xi32>,
      %parallel_loop3A_144 = arith.index_cast %parallel_loop3A_109 : i32 to index
      %parallel_loop3A_145 = arith.constant 160 : index
      %parallel_loop3A_146 = tpu.vector_load %arg7[%parallel_loop3A_144, %parallel_loop3A_145] {strides = array<i32>} : memref<64x512xi32, #tpu.memory_space<vmem>>, vector<16xi32>,
      tpu.vector_store %arg7[%parallel_loop3A_144, %parallel_loop3A_145], %parallel_loop3A_113 {strides = array<i32>} : memref<64x512xi32, #tpu.memory_space<vmem>>, vector<16xi32>,
      %parallel_loop3A_147 = arith.index_cast %parallel_loop3A_109 : i32 to index
      %parallel_loop3A_148 = arith.constant 176 : index
      %parallel_loop3A_149 = tpu.vector_load %arg7[%parallel_loop3A_147, %parallel_loop3A_148] {strides = array<i32>} : memref<64x512xi32, #tpu.memory_space<vmem>>, vector<16xi32>,
      tpu.vector_store %arg7[%parallel_loop3A_147, %parallel_loop3A_148], %parallel_loop3A_113 {strides = array<i32>} : memref<64x512xi32, #tpu.memory_space<vmem>>, vector<16xi32>,
      %parallel_loop3A_150 = arith.index_cast %parallel_loop3A_109 : i32 to index
      %parallel_loop3A_151 = arith.constant 192 : index
      %parallel_loop3A_152 = tpu.vector_load %arg7[%parallel_loop3A_150, %parallel_loop3A_151] {strides = array<i32>} : memref<64x512xi32, #tpu.memory_space<vmem>>, vector<16xi32>,
      tpu.vector_store %arg7[%parallel_loop3A_150, %parallel_loop3A_151], %parallel_loop3A_113 {strides = array<i32>} : memref<64x512xi32, #tpu.memory_space<vmem>>, vector<16xi32>,
      %parallel_loop3A_153 = arith.index_cast %parallel_loop3A_109 : i32 to index
      %parallel_loop3A_154 = arith.constant 208 : index
      %parallel_loop3A_155 = tpu.vector_load %arg7[%parallel_loop3A_153, %parallel_loop3A_154] {strides = array<i32>} : memref<64x512xi32, #tpu.memory_space<vmem>>, vector<16xi32>,
      tpu.vector_store %arg7[%parallel_loop3A_153, %parallel_loop3A_154], %parallel_loop3A_113 {strides = array<i32>} : memref<64x512xi32, #tpu.memory_space<vmem>>, vector<16xi32>,
      %parallel_loop3A_156 = arith.index_cast %parallel_loop3A_109 : i32 to index
      %parallel_loop3A_157 = arith.constant 224 : index
      %parallel_loop3A_158 = tpu.vector_load %arg7[%parallel_loop3A_156, %parallel_loop3A_157] {strides = array<i32>} : memref<64x512xi32, #tpu.memory_space<vmem>>, vector<16xi32>,
      tpu.vector_store %arg7[%parallel_loop3A_156, %parallel_loop3A_157], %parallel_loop3A_113 {strides = array<i32>} : memref<64x512xi32, #tpu.memory_space<vmem>>, vector<16xi32>,
      %parallel_loop3A_159 = arith.index_cast %parallel_loop3A_109 : i32 to index
      %parallel_loop3A_160 = arith.constant 240 : index
      %parallel_loop3A_161 = tpu.vector_load %arg7[%parallel_loop3A_159, %parallel_loop3A_160] {strides = array<i32>} : memref<64x512xi32, #tpu.memory_space<vmem>>, vector<16xi32>,
      tpu.vector_store %arg7[%parallel_loop3A_159, %parallel_loop3A_160], %parallel_loop3A_113 {strides = array<i32>} : memref<64x512xi32, #tpu.memory_space<vmem>>, vector<16xi32>,
      %parallel_loop3A_162 = arith.index_cast %parallel_loop3A_109 : i32 to index
      %parallel_loop3A_163 = arith.constant 256 : index
      %parallel_loop3A_164 = tpu.vector_load %arg7[%parallel_loop3A_162, %parallel_loop3A_163] {strides = array<i32>} : memref<64x512xi32, #tpu.memory_space<vmem>>, vector<16xi32>,
      tpu.vector_store %arg7[%parallel_loop3A_162, %parallel_loop3A_163], %parallel_loop3A_113 {strides = array<i32>} : memref<64x512xi32, #tpu.memory_space<vmem>>, vector<16xi32>,
      %parallel_loop3A_165 = arith.index_cast %parallel_loop3A_109 : i32 to index
      %parallel_loop3A_166 = arith.constant 272 : index
      %parallel_loop3A_167 = tpu.vector_load %arg7[%parallel_loop3A_165, %parallel_loop3A_166] {strides = array<i32>} : memref<64x512xi32, #tpu.memory_space<vmem>>, vector<16xi32>,
      tpu.vector_store %arg7[%parallel_loop3A_165, %parallel_loop3A_166], %parallel_loop3A_113 {strides = array<i32>} : memref<64x512xi32, #tpu.memory_space<vmem>>, vector<16xi32>,
      %parallel_loop3A_168 = arith.index_cast %parallel_loop3A_109 : i32 to index
      %parallel_loop3A_169 = arith.constant 288 : index
      %parallel_loop3A_170 = tpu.vector_load %arg7[%parallel_loop3A_168, %parallel_loop3A_169] {strides = array<i32>} : memref<64x512xi32, #tpu.memory_space<vmem>>, vector<16xi32>,
      tpu.vector_store %arg7[%parallel_loop3A_168, %parallel_loop3A_169], %parallel_loop3A_113 {strides = array<i32>} : memref<64x512xi32, #tpu.memory_space<vmem>>, vector<16xi32>,
      %parallel_loop3A_171 = arith.index_cast %parallel_loop3A_109 : i32 to index
      %parallel_loop3A_172 = arith.constant 304 : index
      %parallel_loop3A_173 = tpu.vector_load %arg7[%parallel_loop3A_171, %parallel_loop3A_172] {strides = array<i32>} : memref<64x512xi32, #tpu.memory_space<vmem>>, vector<16xi32>,
      tpu.vector_store %arg7[%parallel_loop3A_171, %parallel_loop3A_172], %parallel_loop3A_113 {strides = array<i32>} : memref<64x512xi32, #tpu.memory_space<vmem>>, vector<16xi32>,
      %parallel_loop3A_174 = arith.index_cast %parallel_loop3A_109 : i32 to index
      %parallel_loop3A_175 = arith.constant 320 : index
      %parallel_loop3A_176 = tpu.vector_load %arg7[%parallel_loop3A_174, %parallel_loop3A_175] {strides = array<i32>} : memref<64x512xi32, #tpu.memory_space<vmem>>, vector<16xi32>,
      tpu.vector_store %arg7[%parallel_loop3A_174, %parallel_loop3A_175], %parallel_loop3A_113 {strides = array<i32>} : memref<64x512xi32, #tpu.memory_space<vmem>>, vector<16xi32>,
      %parallel_loop3A_177 = arith.index_cast %parallel_loop3A_109 : i32 to index
      %parallel_loop3A_178 = arith.constant 336 : index
      %parallel_loop3A_179 = tpu.vector_load %arg7[%parallel_loop3A_177, %parallel_loop3A_178] {strides = array<i32>} : memref<64x512xi32, #tpu.memory_space<vmem>>, vector<16xi32>,
      tpu.vector_store %arg7[%parallel_loop3A_177, %parallel_loop3A_178], %parallel_loop3A_113 {strides = array<i32>} : memref<64x512xi32, #tpu.memory_space<vmem>>, vector<16xi32>,
      %parallel_loop3A_180 = arith.index_cast %parallel_loop3A_109 : i32 to index
      %parallel_loop3A_181 = arith.constant 352 : index
      %parallel_loop3A_182 = tpu.vector_load %arg7[%parallel_loop3A_180, %parallel_loop3A_181] {strides = array<i32>} : memref<64x512xi32, #tpu.memory_space<vmem>>, vector<16xi32>,
      tpu.vector_store %arg7[%parallel_loop3A_180, %parallel_loop3A_181], %parallel_loop3A_113 {strides = array<i32>} : memref<64x512xi32, #tpu.memory_space<vmem>>, vector<16xi32>,
      %parallel_loop3A_183 = arith.index_cast %parallel_loop3A_109 : i32 to index
      %parallel_loop3A_184 = arith.constant 368 : index
      %parallel_loop3A_185 = tpu.vector_load %arg7[%parallel_loop3A_183, %parallel_loop3A_184] {strides = array<i32>} : memref<64x512xi32, #tpu.memory_space<vmem>>, vector<16xi32>,
      tpu.vector_store %arg7[%parallel_loop3A_183, %parallel_loop3A_184], %parallel_loop3A_113 {strides = array<i32>} : memref<64x512xi32, #tpu.memory_space<vmem>>, vector<16xi32>,
      %parallel_loop3A_186 = arith.index_cast %parallel_loop3A_109 : i32 to index
      %parallel_loop3A_187 = arith.constant 384 : index
      %parallel_loop3A_188 = tpu.vector_load %arg7[%parallel_loop3A_186, %parallel_loop3A_187] {strides = array<i32>} : memref<64x512xi32, #tpu.memory_space<vmem>>, vector<16xi32>,
      tpu.vector_store %arg7[%parallel_loop3A_186, %parallel_loop3A_187], %parallel_loop3A_113 {strides = array<i32>} : memref<64x512xi32, #tpu.memory_space<vmem>>, vector<16xi32>,
      %parallel_loop3A_189 = arith.index_cast %parallel_loop3A_109 : i32 to index
      %parallel_loop3A_190 = arith.constant 400 : index
      %parallel_loop3A_191 = tpu.vector_load %arg7[%parallel_loop3A_189, %parallel_loop3A_190] {strides = array<i32>} : memref<64x512xi32, #tpu.memory_space<vmem>>, vector<16xi32>,
      tpu.vector_store %arg7[%parallel_loop3A_189, %parallel_loop3A_190], %parallel_loop3A_113 {strides = array<i32>} : memref<64x512xi32, #tpu.memory_space<vmem>>, vector<16xi32>,
      %parallel_loop3A_192 = arith.index_cast %parallel_loop3A_109 : i32 to index
      %parallel_loop3A_193 = arith.constant 416 : index
      %parallel_loop3A_194 = tpu.vector_load %arg7[%parallel_loop3A_192, %parallel_loop3A_193] {strides = array<i32>} : memref<64x512xi32, #tpu.memory_space<vmem>>, vector<16xi32>,
      tpu.vector_store %arg7[%parallel_loop3A_192, %parallel_loop3A_193], %parallel_loop3A_113 {strides = array<i32>} : memref<64x512xi32, #tpu.memory_space<vmem>>, vector<16xi32>,
      %parallel_loop3A_195 = arith.index_cast %parallel_loop3A_109 : i32 to index
      %parallel_loop3A_196 = arith.constant 432 : index
      %parallel_loop3A_197 = tpu.vector_load %arg7[%parallel_loop3A_195, %parallel_loop3A_196] {strides = array<i32>} : memref<64x512xi32, #tpu.memory_space<vmem>>, vector<16xi32>,
      tpu.vector_store %arg7[%parallel_loop3A_195, %parallel_loop3A_196], %parallel_loop3A_113 {strides = array<i32>} : memref<64x512xi32, #tpu.memory_space<vmem>>, vector<16xi32>,
      %parallel_loop3A_198 = arith.index_cast %parallel_loop3A_109 : i32 to index
      %parallel_loop3A_199 = arith.constant 448 : index
      %parallel_loop3A_200 = tpu.vector_load %arg7[%parallel_loop3A_198, %parallel_loop3A_199] {strides = array<i32>} : memref<64x512xi32, #tpu.memory_space<vmem>>, vector<16xi32>,
      tpu.vector_store %arg7[%parallel_loop3A_198, %parallel_loop3A_199], %parallel_loop3A_113 {strides = array<i32>} : memref<64x512xi32, #tpu.memory_space<vmem>>, vector<16xi32>,
      %parallel_loop3A_201 = arith.index_cast %parallel_loop3A_109 : i32 to index
      %parallel_loop3A_202 = arith.constant 464 : index
      %parallel_loop3A_203 = tpu.vector_load %arg7[%parallel_loop3A_201, %parallel_loop3A_202] {strides = array<i32>} : memref<64x512xi32, #tpu.memory_space<vmem>>, vector<16xi32>,
      tpu.vector_store %arg7[%parallel_loop3A_201, %parallel_loop3A_202], %parallel_loop3A_113 {strides = array<i32>} : memref<64x512xi32, #tpu.memory_space<vmem>>, vector<16xi32>,
      %parallel_loop3A_204 = arith.index_cast %parallel_loop3A_109 : i32 to index
      %parallel_loop3A_205 = arith.constant 480 : index
      %parallel_loop3A_206 = tpu.vector_load %arg7[%parallel_loop3A_204, %parallel_loop3A_205] {strides = array<i32>} : memref<64x512xi32, #tpu.memory_space<vmem>>, vector<16xi32>,
      tpu.vector_store %arg7[%parallel_loop3A_204, %parallel_loop3A_205], %parallel_loop3A_113 {strides = array<i32>} : memref<64x512xi32, #tpu.memory_space<vmem>>, vector<16xi32>,
      %parallel_loop3A_207 = arith.index_cast %parallel_loop3A_109 : i32 to index
      %parallel_loop3A_208 = arith.constant 496 : index
      %parallel_loop3A_209 = tpu.vector_load %arg7[%parallel_loop3A_207, %parallel_loop3A_208] {strides = array<i32>} : memref<64x512xi32, #tpu.memory_space<vmem>>, vector<16xi32>,
      tpu.vector_store %arg7[%parallel_loop3A_207, %parallel_loop3A_208], %parallel_loop3A_113 {strides = array<i32>} : memref<64x512xi32, #tpu.memory_space<vmem>>, vector<16xi32>,
    } {sc.loop_unroll_factor = 2 : i64, sc.parallel_access}
    %add3A_18 = arith.constant 64 : i32
    %add3A_19 = arith.addi %mul3A_2, %add3A_18 : i32
    %dma_start3A_20 = arith.constant 0 : i32
    %dma_start3A_21 = tpu.memref_slice %arg3[%add3A_19, %dma_start3A_20] : memref<16384x512xi32, #tpu.memory_space<hbm>> -> memref<64x512xi32, #tpu.memory_space<hbm>>
    %dma_start3A_22 = arith.constant 0 : i32
    %dma_start3A_23 = tpu.memref_slice %arg3[%add3A_19, %dma_start3A_22] : memref<16384x512xi32, #tpu.memory_space<hbm>> -> memref<64x512xi32, #tpu.memory_space<hbm>>
    tpu.enqueue_dma source(%arg7 : memref<64x512xi32, #tpu.memory_space<vmem>>) target(%dma_start3A_23 : memref<64x512xi32, #tpu.memory_space<hbm>>) target_semaphore(%arg9 : memref<!tpu.dma_semaphore, #tpu.memory_space<semaphore_mem>>)
    %dma_wait3A = arith.constant 0 : i32
    %dma_wait3A_24 = tpu.memref_slice %arg3[%add3A_11, %dma_wait3A] : memref<16384x512xi32, #tpu.memory_space<hbm>> -> memref<64x512xi32, #tpu.memory_space<hbm>>
    %dma_wait3A_25 = arith.constant 0 : i32
    %dma_wait3A_26 = tpu.memref_slice %arg3[%add3A_11, %dma_wait3A_25] : memref<16384x512xi32, #tpu.memory_space<hbm>> -> memref<64x512xi32, #tpu.memory_space<hbm>>
    tpu.wait_dma2 semaphore(%arg8 : memref<!tpu.dma_semaphore, #tpu.memory_space<semaphore_mem>>) src(%arg6 : memref<64x512xi32, #tpu.memory_space<vmem>>) dst(%dma_wait3A_26 : memref<64x512xi32, #tpu.memory_space<hbm>>)
    %parallel_loop3A_27 = arith.constant 0 : i32
    %parallel_loop3A_28 = arith.constant 64 : i32
    %parallel_loop3A_29 = arith.constant 1 : i32
    scf.for %parallel_loop3A_109 = %parallel_loop3A_27 to %parallel_loop3A_28 step %parallel_loop3A_29  : i32 {
      %parallel_loop3A_110 = arith.constant 128 : i32
      %parallel_loop3A_111 = arith.addi %parallel_loop3A_110, %parallel_loop3A_109 : i32
      %parallel_loop3A_112 = vector.broadcast %parallel_loop3A_111 : i32 to vector<16xi32>
      %parallel_loop3A_113 = tpu.vector_load_idx %arg5[%parallel_loop3A_112] : memref<512xi32, #tpu.memory_space<vmem>>[vector<16xi32>], vector<16xi32>,
      %parallel_loop3A_114 = arith.index_cast %parallel_loop3A_109 : i32 to index
      %parallel_loop3A_115 = arith.constant 0 : index
      %parallel_loop3A_116 = tpu.vector_load %arg6[%parallel_loop3A_114, %parallel_loop3A_115] {strides = array<i32>} : memref<64x512xi32, #tpu.memory_space<vmem>>, vector<16xi32>,
      tpu.vector_store %arg6[%parallel_loop3A_114, %parallel_loop3A_115], %parallel_loop3A_113 {strides = array<i32>} : memref<64x512xi32, #tpu.memory_space<vmem>>, vector<16xi32>,
      %parallel_loop3A_117 = arith.index_cast %parallel_loop3A_109 : i32 to index
      %parallel_loop3A_118 = arith.constant 16 : index
      %parallel_loop3A_119 = tpu.vector_load %arg6[%parallel_loop3A_117, %parallel_loop3A_118] {strides = array<i32>} : memref<64x512xi32, #tpu.memory_space<vmem>>, vector<16xi32>,
      tpu.vector_store %arg6[%parallel_loop3A_117, %parallel_loop3A_118], %parallel_loop3A_113 {strides = array<i32>} : memref<64x512xi32, #tpu.memory_space<vmem>>, vector<16xi32>,
      %parallel_loop3A_120 = arith.index_cast %parallel_loop3A_109 : i32 to index
      %parallel_loop3A_121 = arith.constant 32 : index
      %parallel_loop3A_122 = tpu.vector_load %arg6[%parallel_loop3A_120, %parallel_loop3A_121] {strides = array<i32>} : memref<64x512xi32, #tpu.memory_space<vmem>>, vector<16xi32>,
      tpu.vector_store %arg6[%parallel_loop3A_120, %parallel_loop3A_121], %parallel_loop3A_113 {strides = array<i32>} : memref<64x512xi32, #tpu.memory_space<vmem>>, vector<16xi32>,
      %parallel_loop3A_123 = arith.index_cast %parallel_loop3A_109 : i32 to index
      %parallel_loop3A_124 = arith.constant 48 : index
      %parallel_loop3A_125 = tpu.vector_load %arg6[%parallel_loop3A_123, %parallel_loop3A_124] {strides = array<i32>} : memref<64x512xi32, #tpu.memory_space<vmem>>, vector<16xi32>,
      tpu.vector_store %arg6[%parallel_loop3A_123, %parallel_loop3A_124], %parallel_loop3A_113 {strides = array<i32>} : memref<64x512xi32, #tpu.memory_space<vmem>>, vector<16xi32>,
      %parallel_loop3A_126 = arith.index_cast %parallel_loop3A_109 : i32 to index
      %parallel_loop3A_127 = arith.constant 64 : index
      %parallel_loop3A_128 = tpu.vector_load %arg6[%parallel_loop3A_126, %parallel_loop3A_127] {strides = array<i32>} : memref<64x512xi32, #tpu.memory_space<vmem>>, vector<16xi32>,
      tpu.vector_store %arg6[%parallel_loop3A_126, %parallel_loop3A_127], %parallel_loop3A_113 {strides = array<i32>} : memref<64x512xi32, #tpu.memory_space<vmem>>, vector<16xi32>,
      %parallel_loop3A_129 = arith.index_cast %parallel_loop3A_109 : i32 to index
      %parallel_loop3A_130 = arith.constant 80 : index
      %parallel_loop3A_131 = tpu.vector_load %arg6[%parallel_loop3A_129, %parallel_loop3A_130] {strides = array<i32>} : memref<64x512xi32, #tpu.memory_space<vmem>>, vector<16xi32>,
      tpu.vector_store %arg6[%parallel_loop3A_129, %parallel_loop3A_130], %parallel_loop3A_113 {strides = array<i32>} : memref<64x512xi32, #tpu.memory_space<vmem>>, vector<16xi32>,
      %parallel_loop3A_132 = arith.index_cast %parallel_loop3A_109 : i32 to index
      %parallel_loop3A_133 = arith.constant 96 : index
      %parallel_loop3A_134 = tpu.vector_load %arg6[%parallel_loop3A_132, %parallel_loop3A_133] {strides = array<i32>} : memref<64x512xi32, #tpu.memory_space<vmem>>, vector<16xi32>,
      tpu.vector_store %arg6[%parallel_loop3A_132, %parallel_loop3A_133], %parallel_loop3A_113 {strides = array<i32>} : memref<64x512xi32, #tpu.memory_space<vmem>>, vector<16xi32>,
      %parallel_loop3A_135 = arith.index_cast %parallel_loop3A_109 : i32 to index
      %parallel_loop3A_136 = arith.constant 112 : index
      %parallel_loop3A_137 = tpu.vector_load %arg6[%parallel_loop3A_135, %parallel_loop3A_136] {strides = array<i32>} : memref<64x512xi32, #tpu.memory_space<vmem>>, vector<16xi32>,
      tpu.vector_store %arg6[%parallel_loop3A_135, %parallel_loop3A_136], %parallel_loop3A_113 {strides = array<i32>} : memref<64x512xi32, #tpu.memory_space<vmem>>, vector<16xi32>,
      %parallel_loop3A_138 = arith.index_cast %parallel_loop3A_109 : i32 to index
      %parallel_loop3A_139 = arith.constant 128 : index
      %parallel_loop3A_140 = tpu.vector_load %arg6[%parallel_loop3A_138, %parallel_loop3A_139] {strides = array<i32>} : memref<64x512xi32, #tpu.memory_space<vmem>>, vector<16xi32>,
      tpu.vector_store %arg6[%parallel_loop3A_138, %parallel_loop3A_139], %parallel_loop3A_113 {strides = array<i32>} : memref<64x512xi32, #tpu.memory_space<vmem>>, vector<16xi32>,
      %parallel_loop3A_141 = arith.index_cast %parallel_loop3A_109 : i32 to index
      %parallel_loop3A_142 = arith.constant 144 : index
      %parallel_loop3A_143 = tpu.vector_load %arg6[%parallel_loop3A_141, %parallel_loop3A_142] {strides = array<i32>} : memref<64x512xi32, #tpu.memory_space<vmem>>, vector<16xi32>,
      tpu.vector_store %arg6[%parallel_loop3A_141, %parallel_loop3A_142], %parallel_loop3A_113 {strides = array<i32>} : memref<64x512xi32, #tpu.memory_space<vmem>>, vector<16xi32>,
      %parallel_loop3A_144 = arith.index_cast %parallel_loop3A_109 : i32 to index
      %parallel_loop3A_145 = arith.constant 160 : index
      %parallel_loop3A_146 = tpu.vector_load %arg6[%parallel_loop3A_144, %parallel_loop3A_145] {strides = array<i32>} : memref<64x512xi32, #tpu.memory_space<vmem>>, vector<16xi32>,
      tpu.vector_store %arg6[%parallel_loop3A_144, %parallel_loop3A_145], %parallel_loop3A_113 {strides = array<i32>} : memref<64x512xi32, #tpu.memory_space<vmem>>, vector<16xi32>,
      %parallel_loop3A_147 = arith.index_cast %parallel_loop3A_109 : i32 to index
      %parallel_loop3A_148 = arith.constant 176 : index
      %parallel_loop3A_149 = tpu.vector_load %arg6[%parallel_loop3A_147, %parallel_loop3A_148] {strides = array<i32>} : memref<64x512xi32, #tpu.memory_space<vmem>>, vector<16xi32>,
      tpu.vector_store %arg6[%parallel_loop3A_147, %parallel_loop3A_148], %parallel_loop3A_113 {strides = array<i32>} : memref<64x512xi32, #tpu.memory_space<vmem>>, vector<16xi32>,
      %parallel_loop3A_150 = arith.index_cast %parallel_loop3A_109 : i32 to index
      %parallel_loop3A_151 = arith.constant 192 : index
      %parallel_loop3A_152 = tpu.vector_load %arg6[%parallel_loop3A_150, %parallel_loop3A_151] {strides = array<i32>} : memref<64x512xi32, #tpu.memory_space<vmem>>, vector<16xi32>,
      tpu.vector_store %arg6[%parallel_loop3A_150, %parallel_loop3A_151], %parallel_loop3A_113 {strides = array<i32>} : memref<64x512xi32, #tpu.memory_space<vmem>>, vector<16xi32>,
      %parallel_loop3A_153 = arith.index_cast %parallel_loop3A_109 : i32 to index
      %parallel_loop3A_154 = arith.constant 208 : index
      %parallel_loop3A_155 = tpu.vector_load %arg6[%parallel_loop3A_153, %parallel_loop3A_154] {strides = array<i32>} : memref<64x512xi32, #tpu.memory_space<vmem>>, vector<16xi32>,
      tpu.vector_store %arg6[%parallel_loop3A_153, %parallel_loop3A_154], %parallel_loop3A_113 {strides = array<i32>} : memref<64x512xi32, #tpu.memory_space<vmem>>, vector<16xi32>,
      %parallel_loop3A_156 = arith.index_cast %parallel_loop3A_109 : i32 to index
      %parallel_loop3A_157 = arith.constant 224 : index
      %parallel_loop3A_158 = tpu.vector_load %arg6[%parallel_loop3A_156, %parallel_loop3A_157] {strides = array<i32>} : memref<64x512xi32, #tpu.memory_space<vmem>>, vector<16xi32>,
      tpu.vector_store %arg6[%parallel_loop3A_156, %parallel_loop3A_157], %parallel_loop3A_113 {strides = array<i32>} : memref<64x512xi32, #tpu.memory_space<vmem>>, vector<16xi32>,
      %parallel_loop3A_159 = arith.index_cast %parallel_loop3A_109 : i32 to index
      %parallel_loop3A_160 = arith.constant 240 : index
      %parallel_loop3A_161 = tpu.vector_load %arg6[%parallel_loop3A_159, %parallel_loop3A_160] {strides = array<i32>} : memref<64x512xi32, #tpu.memory_space<vmem>>, vector<16xi32>,
      tpu.vector_store %arg6[%parallel_loop3A_159, %parallel_loop3A_160], %parallel_loop3A_113 {strides = array<i32>} : memref<64x512xi32, #tpu.memory_space<vmem>>, vector<16xi32>,
      %parallel_loop3A_162 = arith.index_cast %parallel_loop3A_109 : i32 to index
      %parallel_loop3A_163 = arith.constant 256 : index
      %parallel_loop3A_164 = tpu.vector_load %arg6[%parallel_loop3A_162, %parallel_loop3A_163] {strides = array<i32>} : memref<64x512xi32, #tpu.memory_space<vmem>>, vector<16xi32>,
      tpu.vector_store %arg6[%parallel_loop3A_162, %parallel_loop3A_163], %parallel_loop3A_113 {strides = array<i32>} : memref<64x512xi32, #tpu.memory_space<vmem>>, vector<16xi32>,
      %parallel_loop3A_165 = arith.index_cast %parallel_loop3A_109 : i32 to index
      %parallel_loop3A_166 = arith.constant 272 : index
      %parallel_loop3A_167 = tpu.vector_load %arg6[%parallel_loop3A_165, %parallel_loop3A_166] {strides = array<i32>} : memref<64x512xi32, #tpu.memory_space<vmem>>, vector<16xi32>,
      tpu.vector_store %arg6[%parallel_loop3A_165, %parallel_loop3A_166], %parallel_loop3A_113 {strides = array<i32>} : memref<64x512xi32, #tpu.memory_space<vmem>>, vector<16xi32>,
      %parallel_loop3A_168 = arith.index_cast %parallel_loop3A_109 : i32 to index
      %parallel_loop3A_169 = arith.constant 288 : index
      %parallel_loop3A_170 = tpu.vector_load %arg6[%parallel_loop3A_168, %parallel_loop3A_169] {strides = array<i32>} : memref<64x512xi32, #tpu.memory_space<vmem>>, vector<16xi32>,
      tpu.vector_store %arg6[%parallel_loop3A_168, %parallel_loop3A_169], %parallel_loop3A_113 {strides = array<i32>} : memref<64x512xi32, #tpu.memory_space<vmem>>, vector<16xi32>,
      %parallel_loop3A_171 = arith.index_cast %parallel_loop3A_109 : i32 to index
      %parallel_loop3A_172 = arith.constant 304 : index
      %parallel_loop3A_173 = tpu.vector_load %arg6[%parallel_loop3A_171, %parallel_loop3A_172] {strides = array<i32>} : memref<64x512xi32, #tpu.memory_space<vmem>>, vector<16xi32>,
      tpu.vector_store %arg6[%parallel_loop3A_171, %parallel_loop3A_172], %parallel_loop3A_113 {strides = array<i32>} : memref<64x512xi32, #tpu.memory_space<vmem>>, vector<16xi32>,
      %parallel_loop3A_174 = arith.index_cast %parallel_loop3A_109 : i32 to index
      %parallel_loop3A_175 = arith.constant 320 : index
      %parallel_loop3A_176 = tpu.vector_load %arg6[%parallel_loop3A_174, %parallel_loop3A_175] {strides = array<i32>} : memref<64x512xi32, #tpu.memory_space<vmem>>, vector<16xi32>,
      tpu.vector_store %arg6[%parallel_loop3A_174, %parallel_loop3A_175], %parallel_loop3A_113 {strides = array<i32>} : memref<64x512xi32, #tpu.memory_space<vmem>>, vector<16xi32>,
      %parallel_loop3A_177 = arith.index_cast %parallel_loop3A_109 : i32 to index
      %parallel_loop3A_178 = arith.constant 336 : index
      %parallel_loop3A_179 = tpu.vector_load %arg6[%parallel_loop3A_177, %parallel_loop3A_178] {strides = array<i32>} : memref<64x512xi32, #tpu.memory_space<vmem>>, vector<16xi32>,
      tpu.vector_store %arg6[%parallel_loop3A_177, %parallel_loop3A_178], %parallel_loop3A_113 {strides = array<i32>} : memref<64x512xi32, #tpu.memory_space<vmem>>, vector<16xi32>,
      %parallel_loop3A_180 = arith.index_cast %parallel_loop3A_109 : i32 to index
      %parallel_loop3A_181 = arith.constant 352 : index
      %parallel_loop3A_182 = tpu.vector_load %arg6[%parallel_loop3A_180, %parallel_loop3A_181] {strides = array<i32>} : memref<64x512xi32, #tpu.memory_space<vmem>>, vector<16xi32>,
      tpu.vector_store %arg6[%parallel_loop3A_180, %parallel_loop3A_181], %parallel_loop3A_113 {strides = array<i32>} : memref<64x512xi32, #tpu.memory_space<vmem>>, vector<16xi32>,
      %parallel_loop3A_183 = arith.index_cast %parallel_loop3A_109 : i32 to index
      %parallel_loop3A_184 = arith.constant 368 : index
      %parallel_loop3A_185 = tpu.vector_load %arg6[%parallel_loop3A_183, %parallel_loop3A_184] {strides = array<i32>} : memref<64x512xi32, #tpu.memory_space<vmem>>, vector<16xi32>,
      tpu.vector_store %arg6[%parallel_loop3A_183, %parallel_loop3A_184], %parallel_loop3A_113 {strides = array<i32>} : memref<64x512xi32, #tpu.memory_space<vmem>>, vector<16xi32>,
      %parallel_loop3A_186 = arith.index_cast %parallel_loop3A_109 : i32 to index
      %parallel_loop3A_187 = arith.constant 384 : index
      %parallel_loop3A_188 = tpu.vector_load %arg6[%parallel_loop3A_186, %parallel_loop3A_187] {strides = array<i32>} : memref<64x512xi32, #tpu.memory_space<vmem>>, vector<16xi32>,
      tpu.vector_store %arg6[%parallel_loop3A_186, %parallel_loop3A_187], %parallel_loop3A_113 {strides = array<i32>} : memref<64x512xi32, #tpu.memory_space<vmem>>, vector<16xi32>,
      %parallel_loop3A_189 = arith.index_cast %parallel_loop3A_109 : i32 to index
      %parallel_loop3A_190 = arith.constant 400 : index
      %parallel_loop3A_191 = tpu.vector_load %arg6[%parallel_loop3A_189, %parallel_loop3A_190] {strides = array<i32>} : memref<64x512xi32, #tpu.memory_space<vmem>>, vector<16xi32>,
      tpu.vector_store %arg6[%parallel_loop3A_189, %parallel_loop3A_190], %parallel_loop3A_113 {strides = array<i32>} : memref<64x512xi32, #tpu.memory_space<vmem>>, vector<16xi32>,
      %parallel_loop3A_192 = arith.index_cast %parallel_loop3A_109 : i32 to index
      %parallel_loop3A_193 = arith.constant 416 : index
      %parallel_loop3A_194 = tpu.vector_load %arg6[%parallel_loop3A_192, %parallel_loop3A_193] {strides = array<i32>} : memref<64x512xi32, #tpu.memory_space<vmem>>, vector<16xi32>,
      tpu.vector_store %arg6[%parallel_loop3A_192, %parallel_loop3A_193], %parallel_loop3A_113 {strides = array<i32>} : memref<64x512xi32, #tpu.memory_space<vmem>>, vector<16xi32>,
      %parallel_loop3A_195 = arith.index_cast %parallel_loop3A_109 : i32 to index
      %parallel_loop3A_196 = arith.constant 432 : index
      %parallel_loop3A_197 = tpu.vector_load %arg6[%parallel_loop3A_195, %parallel_loop3A_196] {strides = array<i32>} : memref<64x512xi32, #tpu.memory_space<vmem>>, vector<16xi32>,
      tpu.vector_store %arg6[%parallel_loop3A_195, %parallel_loop3A_196], %parallel_loop3A_113 {strides = array<i32>} : memref<64x512xi32, #tpu.memory_space<vmem>>, vector<16xi32>,
      %parallel_loop3A_198 = arith.index_cast %parallel_loop3A_109 : i32 to index
      %parallel_loop3A_199 = arith.constant 448 : index
      %parallel_loop3A_200 = tpu.vector_load %arg6[%parallel_loop3A_198, %parallel_loop3A_199] {strides = array<i32>} : memref<64x512xi32, #tpu.memory_space<vmem>>, vector<16xi32>,
      tpu.vector_store %arg6[%parallel_loop3A_198, %parallel_loop3A_199], %parallel_loop3A_113 {strides = array<i32>} : memref<64x512xi32, #tpu.memory_space<vmem>>, vector<16xi32>,
      %parallel_loop3A_201 = arith.index_cast %parallel_loop3A_109 : i32 to index
      %parallel_loop3A_202 = arith.constant 464 : index
      %parallel_loop3A_203 = tpu.vector_load %arg6[%parallel_loop3A_201, %parallel_loop3A_202] {strides = array<i32>} : memref<64x512xi32, #tpu.memory_space<vmem>>, vector<16xi32>,
      tpu.vector_store %arg6[%parallel_loop3A_201, %parallel_loop3A_202], %parallel_loop3A_113 {strides = array<i32>} : memref<64x512xi32, #tpu.memory_space<vmem>>, vector<16xi32>,
      %parallel_loop3A_204 = arith.index_cast %parallel_loop3A_109 : i32 to index
      %parallel_loop3A_205 = arith.constant 480 : index
      %parallel_loop3A_206 = tpu.vector_load %arg6[%parallel_loop3A_204, %parallel_loop3A_205] {strides = array<i32>} : memref<64x512xi32, #tpu.memory_space<vmem>>, vector<16xi32>,
      tpu.vector_store %arg6[%parallel_loop3A_204, %parallel_loop3A_205], %parallel_loop3A_113 {strides = array<i32>} : memref<64x512xi32, #tpu.memory_space<vmem>>, vector<16xi32>,
      %parallel_loop3A_207 = arith.index_cast %parallel_loop3A_109 : i32 to index
      %parallel_loop3A_208 = arith.constant 496 : index
      %parallel_loop3A_209 = tpu.vector_load %arg6[%parallel_loop3A_207, %parallel_loop3A_208] {strides = array<i32>} : memref<64x512xi32, #tpu.memory_space<vmem>>, vector<16xi32>,
      tpu.vector_store %arg6[%parallel_loop3A_207, %parallel_loop3A_208], %parallel_loop3A_113 {strides = array<i32>} : memref<64x512xi32, #tpu.memory_space<vmem>>, vector<16xi32>,
    } {sc.loop_unroll_factor = 2 : i64, sc.parallel_access}
    %add3A_30 = arith.constant 128 : i32
    %add3A_31 = arith.addi %mul3A_2, %add3A_30 : i32
    %dma_start3A_32 = arith.constant 0 : i32
    %dma_start3A_33 = tpu.memref_slice %arg3[%add3A_31, %dma_start3A_32] : memref<16384x512xi32, #tpu.memory_space<hbm>> -> memref<64x512xi32, #tpu.memory_space<hbm>>
    %dma_start3A_34 = arith.constant 0 : i32
    %dma_start3A_35 = tpu.memref_slice %arg3[%add3A_31, %dma_start3A_34] : memref<16384x512xi32, #tpu.memory_space<hbm>> -> memref<64x512xi32, #tpu.memory_space<hbm>>
    tpu.enqueue_dma source(%arg6 : memref<64x512xi32, #tpu.memory_space<vmem>>) target(%dma_start3A_35 : memref<64x512xi32, #tpu.memory_space<hbm>>) target_semaphore(%arg8 : memref<!tpu.dma_semaphore, #tpu.memory_space<semaphore_mem>>)
    %dma_wait3A_36 = arith.constant 0 : i32
    %dma_wait3A_37 = tpu.memref_slice %arg3[%add3A_19, %dma_wait3A_36] : memref<16384x512xi32, #tpu.memory_space<hbm>> -> memref<64x512xi32, #tpu.memory_space<hbm>>
    %dma_wait3A_38 = arith.constant 0 : i32
    %dma_wait3A_39 = tpu.memref_slice %arg3[%add3A_19, %dma_wait3A_38] : memref<16384x512xi32, #tpu.memory_space<hbm>> -> memref<64x512xi32, #tpu.memory_space<hbm>>
    tpu.wait_dma2 semaphore(%arg9 : memref<!tpu.dma_semaphore, #tpu.memory_space<semaphore_mem>>) src(%arg7 : memref<64x512xi32, #tpu.memory_space<vmem>>) dst(%dma_wait3A_39 : memref<64x512xi32, #tpu.memory_space<hbm>>)
    %parallel_loop3A_40 = arith.constant 0 : i32
    %parallel_loop3A_41 = arith.constant 64 : i32
    %parallel_loop3A_42 = arith.constant 1 : i32
    scf.for %parallel_loop3A_109 = %parallel_loop3A_40 to %parallel_loop3A_41 step %parallel_loop3A_42  : i32 {
      %parallel_loop3A_110 = arith.constant 192 : i32
      %parallel_loop3A_111 = arith.addi %parallel_loop3A_110, %parallel_loop3A_109 : i32
      %parallel_loop3A_112 = vector.broadcast %parallel_loop3A_111 : i32 to vector<16xi32>
      %parallel_loop3A_113 = tpu.vector_load_idx %arg5[%parallel_loop3A_112] : memref<512xi32, #tpu.memory_space<vmem>>[vector<16xi32>], vector<16xi32>,
      %parallel_loop3A_114 = arith.index_cast %parallel_loop3A_109 : i32 to index
      %parallel_loop3A_115 = arith.constant 0 : index
      %parallel_loop3A_116 = tpu.vector_load %arg7[%parallel_loop3A_114, %parallel_loop3A_115] {strides = array<i32>} : memref<64x512xi32, #tpu.memory_space<vmem>>, vector<16xi32>,
      tpu.vector_store %arg7[%parallel_loop3A_114, %parallel_loop3A_115], %parallel_loop3A_113 {strides = array<i32>} : memref<64x512xi32, #tpu.memory_space<vmem>>, vector<16xi32>,
      %parallel_loop3A_117 = arith.index_cast %parallel_loop3A_109 : i32 to index
      %parallel_loop3A_118 = arith.constant 16 : index
      %parallel_loop3A_119 = tpu.vector_load %arg7[%parallel_loop3A_117, %parallel_loop3A_118] {strides = array<i32>} : memref<64x512xi32, #tpu.memory_space<vmem>>, vector<16xi32>,
      tpu.vector_store %arg7[%parallel_loop3A_117, %parallel_loop3A_118], %parallel_loop3A_113 {strides = array<i32>} : memref<64x512xi32, #tpu.memory_space<vmem>>, vector<16xi32>,
      %parallel_loop3A_120 = arith.index_cast %parallel_loop3A_109 : i32 to index
      %parallel_loop3A_121 = arith.constant 32 : index
      %parallel_loop3A_122 = tpu.vector_load %arg7[%parallel_loop3A_120, %parallel_loop3A_121] {strides = array<i32>} : memref<64x512xi32, #tpu.memory_space<vmem>>, vector<16xi32>,
      tpu.vector_store %arg7[%parallel_loop3A_120, %parallel_loop3A_121], %parallel_loop3A_113 {strides = array<i32>} : memref<64x512xi32, #tpu.memory_space<vmem>>, vector<16xi32>,
      %parallel_loop3A_123 = arith.index_cast %parallel_loop3A_109 : i32 to index
      %parallel_loop3A_124 = arith.constant 48 : index
      %parallel_loop3A_125 = tpu.vector_load %arg7[%parallel_loop3A_123, %parallel_loop3A_124] {strides = array<i32>} : memref<64x512xi32, #tpu.memory_space<vmem>>, vector<16xi32>,
      tpu.vector_store %arg7[%parallel_loop3A_123, %parallel_loop3A_124], %parallel_loop3A_113 {strides = array<i32>} : memref<64x512xi32, #tpu.memory_space<vmem>>, vector<16xi32>,
      %parallel_loop3A_126 = arith.index_cast %parallel_loop3A_109 : i32 to index
      %parallel_loop3A_127 = arith.constant 64 : index
      %parallel_loop3A_128 = tpu.vector_load %arg7[%parallel_loop3A_126, %parallel_loop3A_127] {strides = array<i32>} : memref<64x512xi32, #tpu.memory_space<vmem>>, vector<16xi32>,
      tpu.vector_store %arg7[%parallel_loop3A_126, %parallel_loop3A_127], %parallel_loop3A_113 {strides = array<i32>} : memref<64x512xi32, #tpu.memory_space<vmem>>, vector<16xi32>,
      %parallel_loop3A_129 = arith.index_cast %parallel_loop3A_109 : i32 to index
      %parallel_loop3A_130 = arith.constant 80 : index
      %parallel_loop3A_131 = tpu.vector_load %arg7[%parallel_loop3A_129, %parallel_loop3A_130] {strides = array<i32>} : memref<64x512xi32, #tpu.memory_space<vmem>>, vector<16xi32>,
      tpu.vector_store %arg7[%parallel_loop3A_129, %parallel_loop3A_130], %parallel_loop3A_113 {strides = array<i32>} : memref<64x512xi32, #tpu.memory_space<vmem>>, vector<16xi32>,
      %parallel_loop3A_132 = arith.index_cast %parallel_loop3A_109 : i32 to index
      %parallel_loop3A_133 = arith.constant 96 : index
      %parallel_loop3A_134 = tpu.vector_load %arg7[%parallel_loop3A_132, %parallel_loop3A_133] {strides = array<i32>} : memref<64x512xi32, #tpu.memory_space<vmem>>, vector<16xi32>,
      tpu.vector_store %arg7[%parallel_loop3A_132, %parallel_loop3A_133], %parallel_loop3A_113 {strides = array<i32>} : memref<64x512xi32, #tpu.memory_space<vmem>>, vector<16xi32>,
      %parallel_loop3A_135 = arith.index_cast %parallel_loop3A_109 : i32 to index
      %parallel_loop3A_136 = arith.constant 112 : index
      %parallel_loop3A_137 = tpu.vector_load %arg7[%parallel_loop3A_135, %parallel_loop3A_136] {strides = array<i32>} : memref<64x512xi32, #tpu.memory_space<vmem>>, vector<16xi32>,
      tpu.vector_store %arg7[%parallel_loop3A_135, %parallel_loop3A_136], %parallel_loop3A_113 {strides = array<i32>} : memref<64x512xi32, #tpu.memory_space<vmem>>, vector<16xi32>,
      %parallel_loop3A_138 = arith.index_cast %parallel_loop3A_109 : i32 to index
      %parallel_loop3A_139 = arith.constant 128 : index
      %parallel_loop3A_140 = tpu.vector_load %arg7[%parallel_loop3A_138, %parallel_loop3A_139] {strides = array<i32>} : memref<64x512xi32, #tpu.memory_space<vmem>>, vector<16xi32>,
      tpu.vector_store %arg7[%parallel_loop3A_138, %parallel_loop3A_139], %parallel_loop3A_113 {strides = array<i32>} : memref<64x512xi32, #tpu.memory_space<vmem>>, vector<16xi32>,
      %parallel_loop3A_141 = arith.index_cast %parallel_loop3A_109 : i32 to index
      %parallel_loop3A_142 = arith.constant 144 : index
      %parallel_loop3A_143 = tpu.vector_load %arg7[%parallel_loop3A_141, %parallel_loop3A_142] {strides = array<i32>} : memref<64x512xi32, #tpu.memory_space<vmem>>, vector<16xi32>,
      tpu.vector_store %arg7[%parallel_loop3A_141, %parallel_loop3A_142], %parallel_loop3A_113 {strides = array<i32>} : memref<64x512xi32, #tpu.memory_space<vmem>>, vector<16xi32>,
      %parallel_loop3A_144 = arith.index_cast %parallel_loop3A_109 : i32 to index
      %parallel_loop3A_145 = arith.constant 160 : index
      %parallel_loop3A_146 = tpu.vector_load %arg7[%parallel_loop3A_144, %parallel_loop3A_145] {strides = array<i32>} : memref<64x512xi32, #tpu.memory_space<vmem>>, vector<16xi32>,
      tpu.vector_store %arg7[%parallel_loop3A_144, %parallel_loop3A_145], %parallel_loop3A_113 {strides = array<i32>} : memref<64x512xi32, #tpu.memory_space<vmem>>, vector<16xi32>,
      %parallel_loop3A_147 = arith.index_cast %parallel_loop3A_109 : i32 to index
      %parallel_loop3A_148 = arith.constant 176 : index
      %parallel_loop3A_149 = tpu.vector_load %arg7[%parallel_loop3A_147, %parallel_loop3A_148] {strides = array<i32>} : memref<64x512xi32, #tpu.memory_space<vmem>>, vector<16xi32>,
      tpu.vector_store %arg7[%parallel_loop3A_147, %parallel_loop3A_148], %parallel_loop3A_113 {strides = array<i32>} : memref<64x512xi32, #tpu.memory_space<vmem>>, vector<16xi32>,
      %parallel_loop3A_150 = arith.index_cast %parallel_loop3A_109 : i32 to index
      %parallel_loop3A_151 = arith.constant 192 : index
      %parallel_loop3A_152 = tpu.vector_load %arg7[%parallel_loop3A_150, %parallel_loop3A_151] {strides = array<i32>} : memref<64x512xi32, #tpu.memory_space<vmem>>, vector<16xi32>,
      tpu.vector_store %arg7[%parallel_loop3A_150, %parallel_loop3A_151], %parallel_loop3A_113 {strides = array<i32>} : memref<64x512xi32, #tpu.memory_space<vmem>>, vector<16xi32>,
      %parallel_loop3A_153 = arith.index_cast %parallel_loop3A_109 : i32 to index
      %parallel_loop3A_154 = arith.constant 208 : index
      %parallel_loop3A_155 = tpu.vector_load %arg7[%parallel_loop3A_153, %parallel_loop3A_154] {strides = array<i32>} : memref<64x512xi32, #tpu.memory_space<vmem>>, vector<16xi32>,
      tpu.vector_store %arg7[%parallel_loop3A_153, %parallel_loop3A_154], %parallel_loop3A_113 {strides = array<i32>} : memref<64x512xi32, #tpu.memory_space<vmem>>, vector<16xi32>,
      %parallel_loop3A_156 = arith.index_cast %parallel_loop3A_109 : i32 to index
      %parallel_loop3A_157 = arith.constant 224 : index
      %parallel_loop3A_158 = tpu.vector_load %arg7[%parallel_loop3A_156, %parallel_loop3A_157] {strides = array<i32>} : memref<64x512xi32, #tpu.memory_space<vmem>>, vector<16xi32>,
      tpu.vector_store %arg7[%parallel_loop3A_156, %parallel_loop3A_157], %parallel_loop3A_113 {strides = array<i32>} : memref<64x512xi32, #tpu.memory_space<vmem>>, vector<16xi32>,
      %parallel_loop3A_159 = arith.index_cast %parallel_loop3A_109 : i32 to index
      %parallel_loop3A_160 = arith.constant 240 : index
      %parallel_loop3A_161 = tpu.vector_load %arg7[%parallel_loop3A_159, %parallel_loop3A_160] {strides = array<i32>} : memref<64x512xi32, #tpu.memory_space<vmem>>, vector<16xi32>,
      tpu.vector_store %arg7[%parallel_loop3A_159, %parallel_loop3A_160], %parallel_loop3A_113 {strides = array<i32>} : memref<64x512xi32, #tpu.memory_space<vmem>>, vector<16xi32>,
      %parallel_loop3A_162 = arith.index_cast %parallel_loop3A_109 : i32 to index
      %parallel_loop3A_163 = arith.constant 256 : index
      %parallel_loop3A_164 = tpu.vector_load %arg7[%parallel_loop3A_162, %parallel_loop3A_163] {strides = array<i32>} : memref<64x512xi32, #tpu.memory_space<vmem>>, vector<16xi32>,
      tpu.vector_store %arg7[%parallel_loop3A_162, %parallel_loop3A_163], %parallel_loop3A_113 {strides = array<i32>} : memref<64x512xi32, #tpu.memory_space<vmem>>, vector<16xi32>,
      %parallel_loop3A_165 = arith.index_cast %parallel_loop3A_109 : i32 to index
      %parallel_loop3A_166 = arith.constant 272 : index
      %parallel_loop3A_167 = tpu.vector_load %arg7[%parallel_loop3A_165, %parallel_loop3A_166] {strides = array<i32>} : memref<64x512xi32, #tpu.memory_space<vmem>>, vector<16xi32>,
      tpu.vector_store %arg7[%parallel_loop3A_165, %parallel_loop3A_166], %parallel_loop3A_113 {strides = array<i32>} : memref<64x512xi32, #tpu.memory_space<vmem>>, vector<16xi32>,
      %parallel_loop3A_168 = arith.index_cast %parallel_loop3A_109 : i32 to index
      %parallel_loop3A_169 = arith.constant 288 : index
      %parallel_loop3A_170 = tpu.vector_load %arg7[%parallel_loop3A_168, %parallel_loop3A_169] {strides = array<i32>} : memref<64x512xi32, #tpu.memory_space<vmem>>, vector<16xi32>,
      tpu.vector_store %arg7[%parallel_loop3A_168, %parallel_loop3A_169], %parallel_loop3A_113 {strides = array<i32>} : memref<64x512xi32, #tpu.memory_space<vmem>>, vector<16xi32>,
      %parallel_loop3A_171 = arith.index_cast %parallel_loop3A_109 : i32 to index
      %parallel_loop3A_172 = arith.constant 304 : index
      %parallel_loop3A_173 = tpu.vector_load %arg7[%parallel_loop3A_171, %parallel_loop3A_172] {strides = array<i32>} : memref<64x512xi32, #tpu.memory_space<vmem>>, vector<16xi32>,
      tpu.vector_store %arg7[%parallel_loop3A_171, %parallel_loop3A_172], %parallel_loop3A_113 {strides = array<i32>} : memref<64x512xi32, #tpu.memory_space<vmem>>, vector<16xi32>,
      %parallel_loop3A_174 = arith.index_cast %parallel_loop3A_109 : i32 to index
      %parallel_loop3A_175 = arith.constant 320 : index
      %parallel_loop3A_176 = tpu.vector_load %arg7[%parallel_loop3A_174, %parallel_loop3A_175] {strides = array<i32>} : memref<64x512xi32, #tpu.memory_space<vmem>>, vector<16xi32>,
      tpu.vector_store %arg7[%parallel_loop3A_174, %parallel_loop3A_175], %parallel_loop3A_113 {strides = array<i32>} : memref<64x512xi32, #tpu.memory_space<vmem>>, vector<16xi32>,
      %parallel_loop3A_177 = arith.index_cast %parallel_loop3A_109 : i32 to index
      %parallel_loop3A_178 = arith.constant 336 : index
      %parallel_loop3A_179 = tpu.vector_load %arg7[%parallel_loop3A_177, %parallel_loop3A_178] {strides = array<i32>} : memref<64x512xi32, #tpu.memory_space<vmem>>, vector<16xi32>,
      tpu.vector_store %arg7[%parallel_loop3A_177, %parallel_loop3A_178], %parallel_loop3A_113 {strides = array<i32>} : memref<64x512xi32, #tpu.memory_space<vmem>>, vector<16xi32>,
      %parallel_loop3A_180 = arith.index_cast %parallel_loop3A_109 : i32 to index
      %parallel_loop3A_181 = arith.constant 352 : index
      %parallel_loop3A_182 = tpu.vector_load %arg7[%parallel_loop3A_180, %parallel_loop3A_181] {strides = array<i32>} : memref<64x512xi32, #tpu.memory_space<vmem>>, vector<16xi32>,
      tpu.vector_store %arg7[%parallel_loop3A_180, %parallel_loop3A_181], %parallel_loop3A_113 {strides = array<i32>} : memref<64x512xi32, #tpu.memory_space<vmem>>, vector<16xi32>,
      %parallel_loop3A_183 = arith.index_cast %parallel_loop3A_109 : i32 to index
      %parallel_loop3A_184 = arith.constant 368 : index
      %parallel_loop3A_185 = tpu.vector_load %arg7[%parallel_loop3A_183, %parallel_loop3A_184] {strides = array<i32>} : memref<64x512xi32, #tpu.memory_space<vmem>>, vector<16xi32>,
      tpu.vector_store %arg7[%parallel_loop3A_183, %parallel_loop3A_184], %parallel_loop3A_113 {strides = array<i32>} : memref<64x512xi32, #tpu.memory_space<vmem>>, vector<16xi32>,
      %parallel_loop3A_186 = arith.index_cast %parallel_loop3A_109 : i32 to index
      %parallel_loop3A_187 = arith.constant 384 : index
      %parallel_loop3A_188 = tpu.vector_load %arg7[%parallel_loop3A_186, %parallel_loop3A_187] {strides = array<i32>} : memref<64x512xi32, #tpu.memory_space<vmem>>, vector<16xi32>,
      tpu.vector_store %arg7[%parallel_loop3A_186, %parallel_loop3A_187], %parallel_loop3A_113 {strides = array<i32>} : memref<64x512xi32, #tpu.memory_space<vmem>>, vector<16xi32>,
      %parallel_loop3A_189 = arith.index_cast %parallel_loop3A_109 : i32 to index
      %parallel_loop3A_190 = arith.constant 400 : index
      %parallel_loop3A_191 = tpu.vector_load %arg7[%parallel_loop3A_189, %parallel_loop3A_190] {strides = array<i32>} : memref<64x512xi32, #tpu.memory_space<vmem>>, vector<16xi32>,
      tpu.vector_store %arg7[%parallel_loop3A_189, %parallel_loop3A_190], %parallel_loop3A_113 {strides = array<i32>} : memref<64x512xi32, #tpu.memory_space<vmem>>, vector<16xi32>,
      %parallel_loop3A_192 = arith.index_cast %parallel_loop3A_109 : i32 to index
      %parallel_loop3A_193 = arith.constant 416 : index
      %parallel_loop3A_194 = tpu.vector_load %arg7[%parallel_loop3A_192, %parallel_loop3A_193] {strides = array<i32>} : memref<64x512xi32, #tpu.memory_space<vmem>>, vector<16xi32>,
      tpu.vector_store %arg7[%parallel_loop3A_192, %parallel_loop3A_193], %parallel_loop3A_113 {strides = array<i32>} : memref<64x512xi32, #tpu.memory_space<vmem>>, vector<16xi32>,
      %parallel_loop3A_195 = arith.index_cast %parallel_loop3A_109 : i32 to index
      %parallel_loop3A_196 = arith.constant 432 : index
      %parallel_loop3A_197 = tpu.vector_load %arg7[%parallel_loop3A_195, %parallel_loop3A_196] {strides = array<i32>} : memref<64x512xi32, #tpu.memory_space<vmem>>, vector<16xi32>,
      tpu.vector_store %arg7[%parallel_loop3A_195, %parallel_loop3A_196], %parallel_loop3A_113 {strides = array<i32>} : memref<64x512xi32, #tpu.memory_space<vmem>>, vector<16xi32>,
      %parallel_loop3A_198 = arith.index_cast %parallel_loop3A_109 : i32 to index
      %parallel_loop3A_199 = arith.constant 448 : index
      %parallel_loop3A_200 = tpu.vector_load %arg7[%parallel_loop3A_198, %parallel_loop3A_199] {strides = array<i32>} : memref<64x512xi32, #tpu.memory_space<vmem>>, vector<16xi32>,
      tpu.vector_store %arg7[%parallel_loop3A_198, %parallel_loop3A_199], %parallel_loop3A_113 {strides = array<i32>} : memref<64x512xi32, #tpu.memory_space<vmem>>, vector<16xi32>,
      %parallel_loop3A_201 = arith.index_cast %parallel_loop3A_109 : i32 to index
      %parallel_loop3A_202 = arith.constant 464 : index
      %parallel_loop3A_203 = tpu.vector_load %arg7[%parallel_loop3A_201, %parallel_loop3A_202] {strides = array<i32>} : memref<64x512xi32, #tpu.memory_space<vmem>>, vector<16xi32>,
      tpu.vector_store %arg7[%parallel_loop3A_201, %parallel_loop3A_202], %parallel_loop3A_113 {strides = array<i32>} : memref<64x512xi32, #tpu.memory_space<vmem>>, vector<16xi32>,
      %parallel_loop3A_204 = arith.index_cast %parallel_loop3A_109 : i32 to index
      %parallel_loop3A_205 = arith.constant 480 : index
      %parallel_loop3A_206 = tpu.vector_load %arg7[%parallel_loop3A_204, %parallel_loop3A_205] {strides = array<i32>} : memref<64x512xi32, #tpu.memory_space<vmem>>, vector<16xi32>,
      tpu.vector_store %arg7[%parallel_loop3A_204, %parallel_loop3A_205], %parallel_loop3A_113 {strides = array<i32>} : memref<64x512xi32, #tpu.memory_space<vmem>>, vector<16xi32>,
      %parallel_loop3A_207 = arith.index_cast %parallel_loop3A_109 : i32 to index
      %parallel_loop3A_208 = arith.constant 496 : index
      %parallel_loop3A_209 = tpu.vector_load %arg7[%parallel_loop3A_207, %parallel_loop3A_208] {strides = array<i32>} : memref<64x512xi32, #tpu.memory_space<vmem>>, vector<16xi32>,
      tpu.vector_store %arg7[%parallel_loop3A_207, %parallel_loop3A_208], %parallel_loop3A_113 {strides = array<i32>} : memref<64x512xi32, #tpu.memory_space<vmem>>, vector<16xi32>,
    } {sc.loop_unroll_factor = 2 : i64, sc.parallel_access}
    %add3A_43 = arith.constant 192 : i32
    %add3A_44 = arith.addi %mul3A_2, %add3A_43 : i32
    %dma_start3A_45 = arith.constant 0 : i32
    %dma_start3A_46 = tpu.memref_slice %arg3[%add3A_44, %dma_start3A_45] : memref<16384x512xi32, #tpu.memory_space<hbm>> -> memref<64x512xi32, #tpu.memory_space<hbm>>
    %dma_start3A_47 = arith.constant 0 : i32
    %dma_start3A_48 = tpu.memref_slice %arg3[%add3A_44, %dma_start3A_47] : memref<16384x512xi32, #tpu.memory_space<hbm>> -> memref<64x512xi32, #tpu.memory_space<hbm>>
    tpu.enqueue_dma source(%arg7 : memref<64x512xi32, #tpu.memory_space<vmem>>) target(%dma_start3A_48 : memref<64x512xi32, #tpu.memory_space<hbm>>) target_semaphore(%arg9 : memref<!tpu.dma_semaphore, #tpu.memory_space<semaphore_mem>>)
    %dma_wait3A_49 = arith.constant 0 : i32
    %dma_wait3A_50 = tpu.memref_slice %arg3[%add3A_31, %dma_wait3A_49] : memref<16384x512xi32, #tpu.memory_space<hbm>> -> memref<64x512xi32, #tpu.memory_space<hbm>>
    %dma_wait3A_51 = arith.constant 0 : i32
    %dma_wait3A_52 = tpu.memref_slice %arg3[%add3A_31, %dma_wait3A_51] : memref<16384x512xi32, #tpu.memory_space<hbm>> -> memref<64x512xi32, #tpu.memory_space<hbm>>
    tpu.wait_dma2 semaphore(%arg8 : memref<!tpu.dma_semaphore, #tpu.memory_space<semaphore_mem>>) src(%arg6 : memref<64x512xi32, #tpu.memory_space<vmem>>) dst(%dma_wait3A_52 : memref<64x512xi32, #tpu.memory_space<hbm>>)
    %parallel_loop3A_53 = arith.constant 0 : i32
    %parallel_loop3A_54 = arith.constant 64 : i32
    %parallel_loop3A_55 = arith.constant 1 : i32
    scf.for %parallel_loop3A_109 = %parallel_loop3A_53 to %parallel_loop3A_54 step %parallel_loop3A_55  : i32 {
      %parallel_loop3A_110 = arith.constant 256 : i32
      %parallel_loop3A_111 = arith.addi %parallel_loop3A_110, %parallel_loop3A_109 : i32
      %parallel_loop3A_112 = vector.broadcast %parallel_loop3A_111 : i32 to vector<16xi32>
      %parallel_loop3A_113 = tpu.vector_load_idx %arg5[%parallel_loop3A_112] : memref<512xi32, #tpu.memory_space<vmem>>[vector<16xi32>], vector<16xi32>,
      %parallel_loop3A_114 = arith.index_cast %parallel_loop3A_109 : i32 to index
      %parallel_loop3A_115 = arith.constant 0 : index
      %parallel_loop3A_116 = tpu.vector_load %arg6[%parallel_loop3A_114, %parallel_loop3A_115] {strides = array<i32>} : memref<64x512xi32, #tpu.memory_space<vmem>>, vector<16xi32>,
      tpu.vector_store %arg6[%parallel_loop3A_114, %parallel_loop3A_115], %parallel_loop3A_113 {strides = array<i32>} : memref<64x512xi32, #tpu.memory_space<vmem>>, vector<16xi32>,
      %parallel_loop3A_117 = arith.index_cast %parallel_loop3A_109 : i32 to index
      %parallel_loop3A_118 = arith.constant 16 : index
      %parallel_loop3A_119 = tpu.vector_load %arg6[%parallel_loop3A_117, %parallel_loop3A_118] {strides = array<i32>} : memref<64x512xi32, #tpu.memory_space<vmem>>, vector<16xi32>,
      tpu.vector_store %arg6[%parallel_loop3A_117, %parallel_loop3A_118], %parallel_loop3A_113 {strides = array<i32>} : memref<64x512xi32, #tpu.memory_space<vmem>>, vector<16xi32>,
      %parallel_loop3A_120 = arith.index_cast %parallel_loop3A_109 : i32 to index
      %parallel_loop3A_121 = arith.constant 32 : index
      %parallel_loop3A_122 = tpu.vector_load %arg6[%parallel_loop3A_120, %parallel_loop3A_121] {strides = array<i32>} : memref<64x512xi32, #tpu.memory_space<vmem>>, vector<16xi32>,
      tpu.vector_store %arg6[%parallel_loop3A_120, %parallel_loop3A_121], %parallel_loop3A_113 {strides = array<i32>} : memref<64x512xi32, #tpu.memory_space<vmem>>, vector<16xi32>,
      %parallel_loop3A_123 = arith.index_cast %parallel_loop3A_109 : i32 to index
      %parallel_loop3A_124 = arith.constant 48 : index
      %parallel_loop3A_125 = tpu.vector_load %arg6[%parallel_loop3A_123, %parallel_loop3A_124] {strides = array<i32>} : memref<64x512xi32, #tpu.memory_space<vmem>>, vector<16xi32>,
      tpu.vector_store %arg6[%parallel_loop3A_123, %parallel_loop3A_124], %parallel_loop3A_113 {strides = array<i32>} : memref<64x512xi32, #tpu.memory_space<vmem>>, vector<16xi32>,
      %parallel_loop3A_126 = arith.index_cast %parallel_loop3A_109 : i32 to index
      %parallel_loop3A_127 = arith.constant 64 : index
      %parallel_loop3A_128 = tpu.vector_load %arg6[%parallel_loop3A_126, %parallel_loop3A_127] {strides = array<i32>} : memref<64x512xi32, #tpu.memory_space<vmem>>, vector<16xi32>,
      tpu.vector_store %arg6[%parallel_loop3A_126, %parallel_loop3A_127], %parallel_loop3A_113 {strides = array<i32>} : memref<64x512xi32, #tpu.memory_space<vmem>>, vector<16xi32>,
      %parallel_loop3A_129 = arith.index_cast %parallel_loop3A_109 : i32 to index
      %parallel_loop3A_130 = arith.constant 80 : index
      %parallel_loop3A_131 = tpu.vector_load %arg6[%parallel_loop3A_129, %parallel_loop3A_130] {strides = array<i32>} : memref<64x512xi32, #tpu.memory_space<vmem>>, vector<16xi32>,
      tpu.vector_store %arg6[%parallel_loop3A_129, %parallel_loop3A_130], %parallel_loop3A_113 {strides = array<i32>} : memref<64x512xi32, #tpu.memory_space<vmem>>, vector<16xi32>,
      %parallel_loop3A_132 = arith.index_cast %parallel_loop3A_109 : i32 to index
      %parallel_loop3A_133 = arith.constant 96 : index
      %parallel_loop3A_134 = tpu.vector_load %arg6[%parallel_loop3A_132, %parallel_loop3A_133] {strides = array<i32>} : memref<64x512xi32, #tpu.memory_space<vmem>>, vector<16xi32>,
      tpu.vector_store %arg6[%parallel_loop3A_132, %parallel_loop3A_133], %parallel_loop3A_113 {strides = array<i32>} : memref<64x512xi32, #tpu.memory_space<vmem>>, vector<16xi32>,
      %parallel_loop3A_135 = arith.index_cast %parallel_loop3A_109 : i32 to index
      %parallel_loop3A_136 = arith.constant 112 : index
      %parallel_loop3A_137 = tpu.vector_load %arg6[%parallel_loop3A_135, %parallel_loop3A_136] {strides = array<i32>} : memref<64x512xi32, #tpu.memory_space<vmem>>, vector<16xi32>,
      tpu.vector_store %arg6[%parallel_loop3A_135, %parallel_loop3A_136], %parallel_loop3A_113 {strides = array<i32>} : memref<64x512xi32, #tpu.memory_space<vmem>>, vector<16xi32>,
      %parallel_loop3A_138 = arith.index_cast %parallel_loop3A_109 : i32 to index
      %parallel_loop3A_139 = arith.constant 128 : index
      %parallel_loop3A_140 = tpu.vector_load %arg6[%parallel_loop3A_138, %parallel_loop3A_139] {strides = array<i32>} : memref<64x512xi32, #tpu.memory_space<vmem>>, vector<16xi32>,
      tpu.vector_store %arg6[%parallel_loop3A_138, %parallel_loop3A_139], %parallel_loop3A_113 {strides = array<i32>} : memref<64x512xi32, #tpu.memory_space<vmem>>, vector<16xi32>,
      %parallel_loop3A_141 = arith.index_cast %parallel_loop3A_109 : i32 to index
      %parallel_loop3A_142 = arith.constant 144 : index
      %parallel_loop3A_143 = tpu.vector_load %arg6[%parallel_loop3A_141, %parallel_loop3A_142] {strides = array<i32>} : memref<64x512xi32, #tpu.memory_space<vmem>>, vector<16xi32>,
      tpu.vector_store %arg6[%parallel_loop3A_141, %parallel_loop3A_142], %parallel_loop3A_113 {strides = array<i32>} : memref<64x512xi32, #tpu.memory_space<vmem>>, vector<16xi32>,
      %parallel_loop3A_144 = arith.index_cast %parallel_loop3A_109 : i32 to index
      %parallel_loop3A_145 = arith.constant 160 : index
      %parallel_loop3A_146 = tpu.vector_load %arg6[%parallel_loop3A_144, %parallel_loop3A_145] {strides = array<i32>} : memref<64x512xi32, #tpu.memory_space<vmem>>, vector<16xi32>,
      tpu.vector_store %arg6[%parallel_loop3A_144, %parallel_loop3A_145], %parallel_loop3A_113 {strides = array<i32>} : memref<64x512xi32, #tpu.memory_space<vmem>>, vector<16xi32>,
      %parallel_loop3A_147 = arith.index_cast %parallel_loop3A_109 : i32 to index
      %parallel_loop3A_148 = arith.constant 176 : index
      %parallel_loop3A_149 = tpu.vector_load %arg6[%parallel_loop3A_147, %parallel_loop3A_148] {strides = array<i32>} : memref<64x512xi32, #tpu.memory_space<vmem>>, vector<16xi32>,
      tpu.vector_store %arg6[%parallel_loop3A_147, %parallel_loop3A_148], %parallel_loop3A_113 {strides = array<i32>} : memref<64x512xi32, #tpu.memory_space<vmem>>, vector<16xi32>,
      %parallel_loop3A_150 = arith.index_cast %parallel_loop3A_109 : i32 to index
      %parallel_loop3A_151 = arith.constant 192 : index
      %parallel_loop3A_152 = tpu.vector_load %arg6[%parallel_loop3A_150, %parallel_loop3A_151] {strides = array<i32>} : memref<64x512xi32, #tpu.memory_space<vmem>>, vector<16xi32>,
      tpu.vector_store %arg6[%parallel_loop3A_150, %parallel_loop3A_151], %parallel_loop3A_113 {strides = array<i32>} : memref<64x512xi32, #tpu.memory_space<vmem>>, vector<16xi32>,
      %parallel_loop3A_153 = arith.index_cast %parallel_loop3A_109 : i32 to index
      %parallel_loop3A_154 = arith.constant 208 : index
      %parallel_loop3A_155 = tpu.vector_load %arg6[%parallel_loop3A_153, %parallel_loop3A_154] {strides = array<i32>} : memref<64x512xi32, #tpu.memory_space<vmem>>, vector<16xi32>,
      tpu.vector_store %arg6[%parallel_loop3A_153, %parallel_loop3A_154], %parallel_loop3A_113 {strides = array<i32>} : memref<64x512xi32, #tpu.memory_space<vmem>>, vector<16xi32>,
      %parallel_loop3A_156 = arith.index_cast %parallel_loop3A_109 : i32 to index
      %parallel_loop3A_157 = arith.constant 224 : index
      %parallel_loop3A_158 = tpu.vector_load %arg6[%parallel_loop3A_156, %parallel_loop3A_157] {strides = array<i32>} : memref<64x512xi32, #tpu.memory_space<vmem>>, vector<16xi32>,
      tpu.vector_store %arg6[%parallel_loop3A_156, %parallel_loop3A_157], %parallel_loop3A_113 {strides = array<i32>} : memref<64x512xi32, #tpu.memory_space<vmem>>, vector<16xi32>,
      %parallel_loop3A_159 = arith.index_cast %parallel_loop3A_109 : i32 to index
      %parallel_loop3A_160 = arith.constant 240 : index
      %parallel_loop3A_161 = tpu.vector_load %arg6[%parallel_loop3A_159, %parallel_loop3A_160] {strides = array<i32>} : memref<64x512xi32, #tpu.memory_space<vmem>>, vector<16xi32>,
      tpu.vector_store %arg6[%parallel_loop3A_159, %parallel_loop3A_160], %parallel_loop3A_113 {strides = array<i32>} : memref<64x512xi32, #tpu.memory_space<vmem>>, vector<16xi32>,
      %parallel_loop3A_162 = arith.index_cast %parallel_loop3A_109 : i32 to index
      %parallel_loop3A_163 = arith.constant 256 : index
      %parallel_loop3A_164 = tpu.vector_load %arg6[%parallel_loop3A_162, %parallel_loop3A_163] {strides = array<i32>} : memref<64x512xi32, #tpu.memory_space<vmem>>, vector<16xi32>,
      tpu.vector_store %arg6[%parallel_loop3A_162, %parallel_loop3A_163], %parallel_loop3A_113 {strides = array<i32>} : memref<64x512xi32, #tpu.memory_space<vmem>>, vector<16xi32>,
      %parallel_loop3A_165 = arith.index_cast %parallel_loop3A_109 : i32 to index
      %parallel_loop3A_166 = arith.constant 272 : index
      %parallel_loop3A_167 = tpu.vector_load %arg6[%parallel_loop3A_165, %parallel_loop3A_166] {strides = array<i32>} : memref<64x512xi32, #tpu.memory_space<vmem>>, vector<16xi32>,
      tpu.vector_store %arg6[%parallel_loop3A_165, %parallel_loop3A_166], %parallel_loop3A_113 {strides = array<i32>} : memref<64x512xi32, #tpu.memory_space<vmem>>, vector<16xi32>,
      %parallel_loop3A_168 = arith.index_cast %parallel_loop3A_109 : i32 to index
      %parallel_loop3A_169 = arith.constant 288 : index
      %parallel_loop3A_170 = tpu.vector_load %arg6[%parallel_loop3A_168, %parallel_loop3A_169] {strides = array<i32>} : memref<64x512xi32, #tpu.memory_space<vmem>>, vector<16xi32>,
      tpu.vector_store %arg6[%parallel_loop3A_168, %parallel_loop3A_169], %parallel_loop3A_113 {strides = array<i32>} : memref<64x512xi32, #tpu.memory_space<vmem>>, vector<16xi32>,
      %parallel_loop3A_171 = arith.index_cast %parallel_loop3A_109 : i32 to index
      %parallel_loop3A_172 = arith.constant 304 : index
      %parallel_loop3A_173 = tpu.vector_load %arg6[%parallel_loop3A_171, %parallel_loop3A_172] {strides = array<i32>} : memref<64x512xi32, #tpu.memory_space<vmem>>, vector<16xi32>,
      tpu.vector_store %arg6[%parallel_loop3A_171, %parallel_loop3A_172], %parallel_loop3A_113 {strides = array<i32>} : memref<64x512xi32, #tpu.memory_space<vmem>>, vector<16xi32>,
      %parallel_loop3A_174 = arith.index_cast %parallel_loop3A_109 : i32 to index
      %parallel_loop3A_175 = arith.constant 320 : index
      %parallel_loop3A_176 = tpu.vector_load %arg6[%parallel_loop3A_174, %parallel_loop3A_175] {strides = array<i32>} : memref<64x512xi32, #tpu.memory_space<vmem>>, vector<16xi32>,
      tpu.vector_store %arg6[%parallel_loop3A_174, %parallel_loop3A_175], %parallel_loop3A_113 {strides = array<i32>} : memref<64x512xi32, #tpu.memory_space<vmem>>, vector<16xi32>,
      %parallel_loop3A_177 = arith.index_cast %parallel_loop3A_109 : i32 to index
      %parallel_loop3A_178 = arith.constant 336 : index
      %parallel_loop3A_179 = tpu.vector_load %arg6[%parallel_loop3A_177, %parallel_loop3A_178] {strides = array<i32>} : memref<64x512xi32, #tpu.memory_space<vmem>>, vector<16xi32>,
      tpu.vector_store %arg6[%parallel_loop3A_177, %parallel_loop3A_178], %parallel_loop3A_113 {strides = array<i32>} : memref<64x512xi32, #tpu.memory_space<vmem>>, vector<16xi32>,
      %parallel_loop3A_180 = arith.index_cast %parallel_loop3A_109 : i32 to index
      %parallel_loop3A_181 = arith.constant 352 : index
      %parallel_loop3A_182 = tpu.vector_load %arg6[%parallel_loop3A_180, %parallel_loop3A_181] {strides = array<i32>} : memref<64x512xi32, #tpu.memory_space<vmem>>, vector<16xi32>,
      tpu.vector_store %arg6[%parallel_loop3A_180, %parallel_loop3A_181], %parallel_loop3A_113 {strides = array<i32>} : memref<64x512xi32, #tpu.memory_space<vmem>>, vector<16xi32>,
      %parallel_loop3A_183 = arith.index_cast %parallel_loop3A_109 : i32 to index
      %parallel_loop3A_184 = arith.constant 368 : index
      %parallel_loop3A_185 = tpu.vector_load %arg6[%parallel_loop3A_183, %parallel_loop3A_184] {strides = array<i32>} : memref<64x512xi32, #tpu.memory_space<vmem>>, vector<16xi32>,
      tpu.vector_store %arg6[%parallel_loop3A_183, %parallel_loop3A_184], %parallel_loop3A_113 {strides = array<i32>} : memref<64x512xi32, #tpu.memory_space<vmem>>, vector<16xi32>,
      %parallel_loop3A_186 = arith.index_cast %parallel_loop3A_109 : i32 to index
      %parallel_loop3A_187 = arith.constant 384 : index
      %parallel_loop3A_188 = tpu.vector_load %arg6[%parallel_loop3A_186, %parallel_loop3A_187] {strides = array<i32>} : memref<64x512xi32, #tpu.memory_space<vmem>>, vector<16xi32>,
      tpu.vector_store %arg6[%parallel_loop3A_186, %parallel_loop3A_187], %parallel_loop3A_113 {strides = array<i32>} : memref<64x512xi32, #tpu.memory_space<vmem>>, vector<16xi32>,
      %parallel_loop3A_189 = arith.index_cast %parallel_loop3A_109 : i32 to index
      %parallel_loop3A_190 = arith.constant 400 : index
      %parallel_loop3A_191 = tpu.vector_load %arg6[%parallel_loop3A_189, %parallel_loop3A_190] {strides = array<i32>} : memref<64x512xi32, #tpu.memory_space<vmem>>, vector<16xi32>,
      tpu.vector_store %arg6[%parallel_loop3A_189, %parallel_loop3A_190], %parallel_loop3A_113 {strides = array<i32>} : memref<64x512xi32, #tpu.memory_space<vmem>>, vector<16xi32>,
      %parallel_loop3A_192 = arith.index_cast %parallel_loop3A_109 : i32 to index
      %parallel_loop3A_193 = arith.constant 416 : index
      %parallel_loop3A_194 = tpu.vector_load %arg6[%parallel_loop3A_192, %parallel_loop3A_193] {strides = array<i32>} : memref<64x512xi32, #tpu.memory_space<vmem>>, vector<16xi32>,
      tpu.vector_store %arg6[%parallel_loop3A_192, %parallel_loop3A_193], %parallel_loop3A_113 {strides = array<i32>} : memref<64x512xi32, #tpu.memory_space<vmem>>, vector<16xi32>,
      %parallel_loop3A_195 = arith.index_cast %parallel_loop3A_109 : i32 to index
      %parallel_loop3A_196 = arith.constant 432 : index
      %parallel_loop3A_197 = tpu.vector_load %arg6[%parallel_loop3A_195, %parallel_loop3A_196] {strides = array<i32>} : memref<64x512xi32, #tpu.memory_space<vmem>>, vector<16xi32>,
      tpu.vector_store %arg6[%parallel_loop3A_195, %parallel_loop3A_196], %parallel_loop3A_113 {strides = array<i32>} : memref<64x512xi32, #tpu.memory_space<vmem>>, vector<16xi32>,
      %parallel_loop3A_198 = arith.index_cast %parallel_loop3A_109 : i32 to index
      %parallel_loop3A_199 = arith.constant 448 : index
      %parallel_loop3A_200 = tpu.vector_load %arg6[%parallel_loop3A_198, %parallel_loop3A_199] {strides = array<i32>} : memref<64x512xi32, #tpu.memory_space<vmem>>, vector<16xi32>,
      tpu.vector_store %arg6[%parallel_loop3A_198, %parallel_loop3A_199], %parallel_loop3A_113 {strides = array<i32>} : memref<64x512xi32, #tpu.memory_space<vmem>>, vector<16xi32>,
      %parallel_loop3A_201 = arith.index_cast %parallel_loop3A_109 : i32 to index
      %parallel_loop3A_202 = arith.constant 464 : index
      %parallel_loop3A_203 = tpu.vector_load %arg6[%parallel_loop3A_201, %parallel_loop3A_202] {strides = array<i32>} : memref<64x512xi32, #tpu.memory_space<vmem>>, vector<16xi32>,
      tpu.vector_store %arg6[%parallel_loop3A_201, %parallel_loop3A_202], %parallel_loop3A_113 {strides = array<i32>} : memref<64x512xi32, #tpu.memory_space<vmem>>, vector<16xi32>,
      %parallel_loop3A_204 = arith.index_cast %parallel_loop3A_109 : i32 to index
      %parallel_loop3A_205 = arith.constant 480 : index
      %parallel_loop3A_206 = tpu.vector_load %arg6[%parallel_loop3A_204, %parallel_loop3A_205] {strides = array<i32>} : memref<64x512xi32, #tpu.memory_space<vmem>>, vector<16xi32>,
      tpu.vector_store %arg6[%parallel_loop3A_204, %parallel_loop3A_205], %parallel_loop3A_113 {strides = array<i32>} : memref<64x512xi32, #tpu.memory_space<vmem>>, vector<16xi32>,
      %parallel_loop3A_207 = arith.index_cast %parallel_loop3A_109 : i32 to index
      %parallel_loop3A_208 = arith.constant 496 : index
      %parallel_loop3A_209 = tpu.vector_load %arg6[%parallel_loop3A_207, %parallel_loop3A_208] {strides = array<i32>} : memref<64x512xi32, #tpu.memory_space<vmem>>, vector<16xi32>,
      tpu.vector_store %arg6[%parallel_loop3A_207, %parallel_loop3A_208], %parallel_loop3A_113 {strides = array<i32>} : memref<64x512xi32, #tpu.memory_space<vmem>>, vector<16xi32>,
    } {sc.loop_unroll_factor = 2 : i64, sc.parallel_access}
    %add3A_56 = arith.constant 256 : i32
    %add3A_57 = arith.addi %mul3A_2, %add3A_56 : i32
    %dma_start3A_58 = arith.constant 0 : i32
    %dma_start3A_59 = tpu.memref_slice %arg3[%add3A_57, %dma_start3A_58] : memref<16384x512xi32, #tpu.memory_space<hbm>> -> memref<64x512xi32, #tpu.memory_space<hbm>>
    %dma_start3A_60 = arith.constant 0 : i32
    %dma_start3A_61 = tpu.memref_slice %arg3[%add3A_57, %dma_start3A_60] : memref<16384x512xi32, #tpu.memory_space<hbm>> -> memref<64x512xi32, #tpu.memory_space<hbm>>
    tpu.enqueue_dma source(%arg6 : memref<64x512xi32, #tpu.memory_space<vmem>>) target(%dma_start3A_61 : memref<64x512xi32, #tpu.memory_space<hbm>>) target_semaphore(%arg8 : memref<!tpu.dma_semaphore, #tpu.memory_space<semaphore_mem>>)
    %dma_wait3A_62 = arith.constant 0 : i32
    %dma_wait3A_63 = tpu.memref_slice %arg3[%add3A_44, %dma_wait3A_62] : memref<16384x512xi32, #tpu.memory_space<hbm>> -> memref<64x512xi32, #tpu.memory_space<hbm>>
    %dma_wait3A_64 = arith.constant 0 : i32
    %dma_wait3A_65 = tpu.memref_slice %arg3[%add3A_44, %dma_wait3A_64] : memref<16384x512xi32, #tpu.memory_space<hbm>> -> memref<64x512xi32, #tpu.memory_space<hbm>>
    tpu.wait_dma2 semaphore(%arg9 : memref<!tpu.dma_semaphore, #tpu.memory_space<semaphore_mem>>) src(%arg7 : memref<64x512xi32, #tpu.memory_space<vmem>>) dst(%dma_wait3A_65 : memref<64x512xi32, #tpu.memory_space<hbm>>)
    %parallel_loop3A_66 = arith.constant 0 : i32
    %parallel_loop3A_67 = arith.constant 64 : i32
    %parallel_loop3A_68 = arith.constant 1 : i32
    scf.for %parallel_loop3A_109 = %parallel_loop3A_66 to %parallel_loop3A_67 step %parallel_loop3A_68  : i32 {
      %parallel_loop3A_110 = arith.constant 320 : i32
      %parallel_loop3A_111 = arith.addi %parallel_loop3A_110, %parallel_loop3A_109 : i32
      %parallel_loop3A_112 = vector.broadcast %parallel_loop3A_111 : i32 to vector<16xi32>
      %parallel_loop3A_113 = tpu.vector_load_idx %arg5[%parallel_loop3A_112] : memref<512xi32, #tpu.memory_space<vmem>>[vector<16xi32>], vector<16xi32>,
      %parallel_loop3A_114 = arith.index_cast %parallel_loop3A_109 : i32 to index
      %parallel_loop3A_115 = arith.constant 0 : index
      %parallel_loop3A_116 = tpu.vector_load %arg7[%parallel_loop3A_114, %parallel_loop3A_115] {strides = array<i32>} : memref<64x512xi32, #tpu.memory_space<vmem>>, vector<16xi32>,
      tpu.vector_store %arg7[%parallel_loop3A_114, %parallel_loop3A_115], %parallel_loop3A_113 {strides = array<i32>} : memref<64x512xi32, #tpu.memory_space<vmem>>, vector<16xi32>,
      %parallel_loop3A_117 = arith.index_cast %parallel_loop3A_109 : i32 to index
      %parallel_loop3A_118 = arith.constant 16 : index
      %parallel_loop3A_119 = tpu.vector_load %arg7[%parallel_loop3A_117, %parallel_loop3A_118] {strides = array<i32>} : memref<64x512xi32, #tpu.memory_space<vmem>>, vector<16xi32>,
      tpu.vector_store %arg7[%parallel_loop3A_117, %parallel_loop3A_118], %parallel_loop3A_113 {strides = array<i32>} : memref<64x512xi32, #tpu.memory_space<vmem>>, vector<16xi32>,
      %parallel_loop3A_120 = arith.index_cast %parallel_loop3A_109 : i32 to index
      %parallel_loop3A_121 = arith.constant 32 : index
      %parallel_loop3A_122 = tpu.vector_load %arg7[%parallel_loop3A_120, %parallel_loop3A_121] {strides = array<i32>} : memref<64x512xi32, #tpu.memory_space<vmem>>, vector<16xi32>,
      tpu.vector_store %arg7[%parallel_loop3A_120, %parallel_loop3A_121], %parallel_loop3A_113 {strides = array<i32>} : memref<64x512xi32, #tpu.memory_space<vmem>>, vector<16xi32>,
      %parallel_loop3A_123 = arith.index_cast %parallel_loop3A_109 : i32 to index
      %parallel_loop3A_124 = arith.constant 48 : index
      %parallel_loop3A_125 = tpu.vector_load %arg7[%parallel_loop3A_123, %parallel_loop3A_124] {strides = array<i32>} : memref<64x512xi32, #tpu.memory_space<vmem>>, vector<16xi32>,
      tpu.vector_store %arg7[%parallel_loop3A_123, %parallel_loop3A_124], %parallel_loop3A_113 {strides = array<i32>} : memref<64x512xi32, #tpu.memory_space<vmem>>, vector<16xi32>,
      %parallel_loop3A_126 = arith.index_cast %parallel_loop3A_109 : i32 to index
      %parallel_loop3A_127 = arith.constant 64 : index
      %parallel_loop3A_128 = tpu.vector_load %arg7[%parallel_loop3A_126, %parallel_loop3A_127] {strides = array<i32>} : memref<64x512xi32, #tpu.memory_space<vmem>>, vector<16xi32>,
      tpu.vector_store %arg7[%parallel_loop3A_126, %parallel_loop3A_127], %parallel_loop3A_113 {strides = array<i32>} : memref<64x512xi32, #tpu.memory_space<vmem>>, vector<16xi32>,
      %parallel_loop3A_129 = arith.index_cast %parallel_loop3A_109 : i32 to index
      %parallel_loop3A_130 = arith.constant 80 : index
      %parallel_loop3A_131 = tpu.vector_load %arg7[%parallel_loop3A_129, %parallel_loop3A_130] {strides = array<i32>} : memref<64x512xi32, #tpu.memory_space<vmem>>, vector<16xi32>,
      tpu.vector_store %arg7[%parallel_loop3A_129, %parallel_loop3A_130], %parallel_loop3A_113 {strides = array<i32>} : memref<64x512xi32, #tpu.memory_space<vmem>>, vector<16xi32>,
      %parallel_loop3A_132 = arith.index_cast %parallel_loop3A_109 : i32 to index
      %parallel_loop3A_133 = arith.constant 96 : index
      %parallel_loop3A_134 = tpu.vector_load %arg7[%parallel_loop3A_132, %parallel_loop3A_133] {strides = array<i32>} : memref<64x512xi32, #tpu.memory_space<vmem>>, vector<16xi32>,
      tpu.vector_store %arg7[%parallel_loop3A_132, %parallel_loop3A_133], %parallel_loop3A_113 {strides = array<i32>} : memref<64x512xi32, #tpu.memory_space<vmem>>, vector<16xi32>,
      %parallel_loop3A_135 = arith.index_cast %parallel_loop3A_109 : i32 to index
      %parallel_loop3A_136 = arith.constant 112 : index
      %parallel_loop3A_137 = tpu.vector_load %arg7[%parallel_loop3A_135, %parallel_loop3A_136] {strides = array<i32>} : memref<64x512xi32, #tpu.memory_space<vmem>>, vector<16xi32>,
      tpu.vector_store %arg7[%parallel_loop3A_135, %parallel_loop3A_136], %parallel_loop3A_113 {strides = array<i32>} : memref<64x512xi32, #tpu.memory_space<vmem>>, vector<16xi32>,
      %parallel_loop3A_138 = arith.index_cast %parallel_loop3A_109 : i32 to index
      %parallel_loop3A_139 = arith.constant 128 : index
      %parallel_loop3A_140 = tpu.vector_load %arg7[%parallel_loop3A_138, %parallel_loop3A_139] {strides = array<i32>} : memref<64x512xi32, #tpu.memory_space<vmem>>, vector<16xi32>,
      tpu.vector_store %arg7[%parallel_loop3A_138, %parallel_loop3A_139], %parallel_loop3A_113 {strides = array<i32>} : memref<64x512xi32, #tpu.memory_space<vmem>>, vector<16xi32>,
      %parallel_loop3A_141 = arith.index_cast %parallel_loop3A_109 : i32 to index
      %parallel_loop3A_142 = arith.constant 144 : index
      %parallel_loop3A_143 = tpu.vector_load %arg7[%parallel_loop3A_141, %parallel_loop3A_142] {strides = array<i32>} : memref<64x512xi32, #tpu.memory_space<vmem>>, vector<16xi32>,
      tpu.vector_store %arg7[%parallel_loop3A_141, %parallel_loop3A_142], %parallel_loop3A_113 {strides = array<i32>} : memref<64x512xi32, #tpu.memory_space<vmem>>, vector<16xi32>,
      %parallel_loop3A_144 = arith.index_cast %parallel_loop3A_109 : i32 to index
      %parallel_loop3A_145 = arith.constant 160 : index
      %parallel_loop3A_146 = tpu.vector_load %arg7[%parallel_loop3A_144, %parallel_loop3A_145] {strides = array<i32>} : memref<64x512xi32, #tpu.memory_space<vmem>>, vector<16xi32>,
      tpu.vector_store %arg7[%parallel_loop3A_144, %parallel_loop3A_145], %parallel_loop3A_113 {strides = array<i32>} : memref<64x512xi32, #tpu.memory_space<vmem>>, vector<16xi32>,
      %parallel_loop3A_147 = arith.index_cast %parallel_loop3A_109 : i32 to index
      %parallel_loop3A_148 = arith.constant 176 : index
      %parallel_loop3A_149 = tpu.vector_load %arg7[%parallel_loop3A_147, %parallel_loop3A_148] {strides = array<i32>} : memref<64x512xi32, #tpu.memory_space<vmem>>, vector<16xi32>,
      tpu.vector_store %arg7[%parallel_loop3A_147, %parallel_loop3A_148], %parallel_loop3A_113 {strides = array<i32>} : memref<64x512xi32, #tpu.memory_space<vmem>>, vector<16xi32>,
      %parallel_loop3A_150 = arith.index_cast %parallel_loop3A_109 : i32 to index
      %parallel_loop3A_151 = arith.constant 192 : index
      %parallel_loop3A_152 = tpu.vector_load %arg7[%parallel_loop3A_150, %parallel_loop3A_151] {strides = array<i32>} : memref<64x512xi32, #tpu.memory_space<vmem>>, vector<16xi32>,
      tpu.vector_store %arg7[%parallel_loop3A_150, %parallel_loop3A_151], %parallel_loop3A_113 {strides = array<i32>} : memref<64x512xi32, #tpu.memory_space<vmem>>, vector<16xi32>,
      %parallel_loop3A_153 = arith.index_cast %parallel_loop3A_109 : i32 to index
      %parallel_loop3A_154 = arith.constant 208 : index
      %parallel_loop3A_155 = tpu.vector_load %arg7[%parallel_loop3A_153, %parallel_loop3A_154] {strides = array<i32>} : memref<64x512xi32, #tpu.memory_space<vmem>>, vector<16xi32>,
      tpu.vector_store %arg7[%parallel_loop3A_153, %parallel_loop3A_154], %parallel_loop3A_113 {strides = array<i32>} : memref<64x512xi32, #tpu.memory_space<vmem>>, vector<16xi32>,
      %parallel_loop3A_156 = arith.index_cast %parallel_loop3A_109 : i32 to index
      %parallel_loop3A_157 = arith.constant 224 : index
      %parallel_loop3A_158 = tpu.vector_load %arg7[%parallel_loop3A_156, %parallel_loop3A_157] {strides = array<i32>} : memref<64x512xi32, #tpu.memory_space<vmem>>, vector<16xi32>,
      tpu.vector_store %arg7[%parallel_loop3A_156, %parallel_loop3A_157], %parallel_loop3A_113 {strides = array<i32>} : memref<64x512xi32, #tpu.memory_space<vmem>>, vector<16xi32>,
      %parallel_loop3A_159 = arith.index_cast %parallel_loop3A_109 : i32 to index
      %parallel_loop3A_160 = arith.constant 240 : index
      %parallel_loop3A_161 = tpu.vector_load %arg7[%parallel_loop3A_159, %parallel_loop3A_160] {strides = array<i32>} : memref<64x512xi32, #tpu.memory_space<vmem>>, vector<16xi32>,
      tpu.vector_store %arg7[%parallel_loop3A_159, %parallel_loop3A_160], %parallel_loop3A_113 {strides = array<i32>} : memref<64x512xi32, #tpu.memory_space<vmem>>, vector<16xi32>,
      %parallel_loop3A_162 = arith.index_cast %parallel_loop3A_109 : i32 to index
      %parallel_loop3A_163 = arith.constant 256 : index
      %parallel_loop3A_164 = tpu.vector_load %arg7[%parallel_loop3A_162, %parallel_loop3A_163] {strides = array<i32>} : memref<64x512xi32, #tpu.memory_space<vmem>>, vector<16xi32>,
      tpu.vector_store %arg7[%parallel_loop3A_162, %parallel_loop3A_163], %parallel_loop3A_113 {strides = array<i32>} : memref<64x512xi32, #tpu.memory_space<vmem>>, vector<16xi32>,
      %parallel_loop3A_165 = arith.index_cast %parallel_loop3A_109 : i32 to index
      %parallel_loop3A_166 = arith.constant 272 : index
      %parallel_loop3A_167 = tpu.vector_load %arg7[%parallel_loop3A_165, %parallel_loop3A_166] {strides = array<i32>} : memref<64x512xi32, #tpu.memory_space<vmem>>, vector<16xi32>,
      tpu.vector_store %arg7[%parallel_loop3A_165, %parallel_loop3A_166], %parallel_loop3A_113 {strides = array<i32>} : memref<64x512xi32, #tpu.memory_space<vmem>>, vector<16xi32>,
      %parallel_loop3A_168 = arith.index_cast %parallel_loop3A_109 : i32 to index
      %parallel_loop3A_169 = arith.constant 288 : index
      %parallel_loop3A_170 = tpu.vector_load %arg7[%parallel_loop3A_168, %parallel_loop3A_169] {strides = array<i32>} : memref<64x512xi32, #tpu.memory_space<vmem>>, vector<16xi32>,
      tpu.vector_store %arg7[%parallel_loop3A_168, %parallel_loop3A_169], %parallel_loop3A_113 {strides = array<i32>} : memref<64x512xi32, #tpu.memory_space<vmem>>, vector<16xi32>,
      %parallel_loop3A_171 = arith.index_cast %parallel_loop3A_109 : i32 to index
      %parallel_loop3A_172 = arith.constant 304 : index
      %parallel_loop3A_173 = tpu.vector_load %arg7[%parallel_loop3A_171, %parallel_loop3A_172] {strides = array<i32>} : memref<64x512xi32, #tpu.memory_space<vmem>>, vector<16xi32>,
      tpu.vector_store %arg7[%parallel_loop3A_171, %parallel_loop3A_172], %parallel_loop3A_113 {strides = array<i32>} : memref<64x512xi32, #tpu.memory_space<vmem>>, vector<16xi32>,
      %parallel_loop3A_174 = arith.index_cast %parallel_loop3A_109 : i32 to index
      %parallel_loop3A_175 = arith.constant 320 : index
      %parallel_loop3A_176 = tpu.vector_load %arg7[%parallel_loop3A_174, %parallel_loop3A_175] {strides = array<i32>} : memref<64x512xi32, #tpu.memory_space<vmem>>, vector<16xi32>,
      tpu.vector_store %arg7[%parallel_loop3A_174, %parallel_loop3A_175], %parallel_loop3A_113 {strides = array<i32>} : memref<64x512xi32, #tpu.memory_space<vmem>>, vector<16xi32>,
      %parallel_loop3A_177 = arith.index_cast %parallel_loop3A_109 : i32 to index
      %parallel_loop3A_178 = arith.constant 336 : index
      %parallel_loop3A_179 = tpu.vector_load %arg7[%parallel_loop3A_177, %parallel_loop3A_178] {strides = array<i32>} : memref<64x512xi32, #tpu.memory_space<vmem>>, vector<16xi32>,
      tpu.vector_store %arg7[%parallel_loop3A_177, %parallel_loop3A_178], %parallel_loop3A_113 {strides = array<i32>} : memref<64x512xi32, #tpu.memory_space<vmem>>, vector<16xi32>,
      %parallel_loop3A_180 = arith.index_cast %parallel_loop3A_109 : i32 to index
      %parallel_loop3A_181 = arith.constant 352 : index
      %parallel_loop3A_182 = tpu.vector_load %arg7[%parallel_loop3A_180, %parallel_loop3A_181] {strides = array<i32>} : memref<64x512xi32, #tpu.memory_space<vmem>>, vector<16xi32>,
      tpu.vector_store %arg7[%parallel_loop3A_180, %parallel_loop3A_181], %parallel_loop3A_113 {strides = array<i32>} : memref<64x512xi32, #tpu.memory_space<vmem>>, vector<16xi32>,
      %parallel_loop3A_183 = arith.index_cast %parallel_loop3A_109 : i32 to index
      %parallel_loop3A_184 = arith.constant 368 : index
      %parallel_loop3A_185 = tpu.vector_load %arg7[%parallel_loop3A_183, %parallel_loop3A_184] {strides = array<i32>} : memref<64x512xi32, #tpu.memory_space<vmem>>, vector<16xi32>,
      tpu.vector_store %arg7[%parallel_loop3A_183, %parallel_loop3A_184], %parallel_loop3A_113 {strides = array<i32>} : memref<64x512xi32, #tpu.memory_space<vmem>>, vector<16xi32>,
      %parallel_loop3A_186 = arith.index_cast %parallel_loop3A_109 : i32 to index
      %parallel_loop3A_187 = arith.constant 384 : index
      %parallel_loop3A_188 = tpu.vector_load %arg7[%parallel_loop3A_186, %parallel_loop3A_187] {strides = array<i32>} : memref<64x512xi32, #tpu.memory_space<vmem>>, vector<16xi32>,
      tpu.vector_store %arg7[%parallel_loop3A_186, %parallel_loop3A_187], %parallel_loop3A_113 {strides = array<i32>} : memref<64x512xi32, #tpu.memory_space<vmem>>, vector<16xi32>,
      %parallel_loop3A_189 = arith.index_cast %parallel_loop3A_109 : i32 to index
      %parallel_loop3A_190 = arith.constant 400 : index
      %parallel_loop3A_191 = tpu.vector_load %arg7[%parallel_loop3A_189, %parallel_loop3A_190] {strides = array<i32>} : memref<64x512xi32, #tpu.memory_space<vmem>>, vector<16xi32>,
      tpu.vector_store %arg7[%parallel_loop3A_189, %parallel_loop3A_190], %parallel_loop3A_113 {strides = array<i32>} : memref<64x512xi32, #tpu.memory_space<vmem>>, vector<16xi32>,
      %parallel_loop3A_192 = arith.index_cast %parallel_loop3A_109 : i32 to index
      %parallel_loop3A_193 = arith.constant 416 : index
      %parallel_loop3A_194 = tpu.vector_load %arg7[%parallel_loop3A_192, %parallel_loop3A_193] {strides = array<i32>} : memref<64x512xi32, #tpu.memory_space<vmem>>, vector<16xi32>,
      tpu.vector_store %arg7[%parallel_loop3A_192, %parallel_loop3A_193], %parallel_loop3A_113 {strides = array<i32>} : memref<64x512xi32, #tpu.memory_space<vmem>>, vector<16xi32>,
      %parallel_loop3A_195 = arith.index_cast %parallel_loop3A_109 : i32 to index
      %parallel_loop3A_196 = arith.constant 432 : index
      %parallel_loop3A_197 = tpu.vector_load %arg7[%parallel_loop3A_195, %parallel_loop3A_196] {strides = array<i32>} : memref<64x512xi32, #tpu.memory_space<vmem>>, vector<16xi32>,
      tpu.vector_store %arg7[%parallel_loop3A_195, %parallel_loop3A_196], %parallel_loop3A_113 {strides = array<i32>} : memref<64x512xi32, #tpu.memory_space<vmem>>, vector<16xi32>,
      %parallel_loop3A_198 = arith.index_cast %parallel_loop3A_109 : i32 to index
      %parallel_loop3A_199 = arith.constant 448 : index
      %parallel_loop3A_200 = tpu.vector_load %arg7[%parallel_loop3A_198, %parallel_loop3A_199] {strides = array<i32>} : memref<64x512xi32, #tpu.memory_space<vmem>>, vector<16xi32>,
      tpu.vector_store %arg7[%parallel_loop3A_198, %parallel_loop3A_199], %parallel_loop3A_113 {strides = array<i32>} : memref<64x512xi32, #tpu.memory_space<vmem>>, vector<16xi32>,
      %parallel_loop3A_201 = arith.index_cast %parallel_loop3A_109 : i32 to index
      %parallel_loop3A_202 = arith.constant 464 : index
      %parallel_loop3A_203 = tpu.vector_load %arg7[%parallel_loop3A_201, %parallel_loop3A_202] {strides = array<i32>} : memref<64x512xi32, #tpu.memory_space<vmem>>, vector<16xi32>,
      tpu.vector_store %arg7[%parallel_loop3A_201, %parallel_loop3A_202], %parallel_loop3A_113 {strides = array<i32>} : memref<64x512xi32, #tpu.memory_space<vmem>>, vector<16xi32>,
      %parallel_loop3A_204 = arith.index_cast %parallel_loop3A_109 : i32 to index
      %parallel_loop3A_205 = arith.constant 480 : index
      %parallel_loop3A_206 = tpu.vector_load %arg7[%parallel_loop3A_204, %parallel_loop3A_205] {strides = array<i32>} : memref<64x512xi32, #tpu.memory_space<vmem>>, vector<16xi32>,
      tpu.vector_store %arg7[%parallel_loop3A_204, %parallel_loop3A_205], %parallel_loop3A_113 {strides = array<i32>} : memref<64x512xi32, #tpu.memory_space<vmem>>, vector<16xi32>,
      %parallel_loop3A_207 = arith.index_cast %parallel_loop3A_109 : i32 to index
      %parallel_loop3A_208 = arith.constant 496 : index
      %parallel_loop3A_209 = tpu.vector_load %arg7[%parallel_loop3A_207, %parallel_loop3A_208] {strides = array<i32>} : memref<64x512xi32, #tpu.memory_space<vmem>>, vector<16xi32>,
      tpu.vector_store %arg7[%parallel_loop3A_207, %parallel_loop3A_208], %parallel_loop3A_113 {strides = array<i32>} : memref<64x512xi32, #tpu.memory_space<vmem>>, vector<16xi32>,
    } {sc.loop_unroll_factor = 2 : i64, sc.parallel_access}
    %add3A_69 = arith.constant 320 : i32
    %add3A_70 = arith.addi %mul3A_2, %add3A_69 : i32
    %dma_start3A_71 = arith.constant 0 : i32
    %dma_start3A_72 = tpu.memref_slice %arg3[%add3A_70, %dma_start3A_71] : memref<16384x512xi32, #tpu.memory_space<hbm>> -> memref<64x512xi32, #tpu.memory_space<hbm>>
    %dma_start3A_73 = arith.constant 0 : i32
    %dma_start3A_74 = tpu.memref_slice %arg3[%add3A_70, %dma_start3A_73] : memref<16384x512xi32, #tpu.memory_space<hbm>> -> memref<64x512xi32, #tpu.memory_space<hbm>>
    tpu.enqueue_dma source(%arg7 : memref<64x512xi32, #tpu.memory_space<vmem>>) target(%dma_start3A_74 : memref<64x512xi32, #tpu.memory_space<hbm>>) target_semaphore(%arg9 : memref<!tpu.dma_semaphore, #tpu.memory_space<semaphore_mem>>)
    %dma_wait3A_75 = arith.constant 0 : i32
    %dma_wait3A_76 = tpu.memref_slice %arg3[%add3A_57, %dma_wait3A_75] : memref<16384x512xi32, #tpu.memory_space<hbm>> -> memref<64x512xi32, #tpu.memory_space<hbm>>
    %dma_wait3A_77 = arith.constant 0 : i32
    %dma_wait3A_78 = tpu.memref_slice %arg3[%add3A_57, %dma_wait3A_77] : memref<16384x512xi32, #tpu.memory_space<hbm>> -> memref<64x512xi32, #tpu.memory_space<hbm>>
    tpu.wait_dma2 semaphore(%arg8 : memref<!tpu.dma_semaphore, #tpu.memory_space<semaphore_mem>>) src(%arg6 : memref<64x512xi32, #tpu.memory_space<vmem>>) dst(%dma_wait3A_78 : memref<64x512xi32, #tpu.memory_space<hbm>>)
    %parallel_loop3A_79 = arith.constant 0 : i32
    %parallel_loop3A_80 = arith.constant 64 : i32
    %parallel_loop3A_81 = arith.constant 1 : i32
    scf.for %parallel_loop3A_109 = %parallel_loop3A_79 to %parallel_loop3A_80 step %parallel_loop3A_81  : i32 {
      %parallel_loop3A_110 = arith.constant 384 : i32
      %parallel_loop3A_111 = arith.addi %parallel_loop3A_110, %parallel_loop3A_109 : i32
      %parallel_loop3A_112 = vector.broadcast %parallel_loop3A_111 : i32 to vector<16xi32>
      %parallel_loop3A_113 = tpu.vector_load_idx %arg5[%parallel_loop3A_112] : memref<512xi32, #tpu.memory_space<vmem>>[vector<16xi32>], vector<16xi32>,
      %parallel_loop3A_114 = arith.index_cast %parallel_loop3A_109 : i32 to index
      %parallel_loop3A_115 = arith.constant 0 : index
      %parallel_loop3A_116 = tpu.vector_load %arg6[%parallel_loop3A_114, %parallel_loop3A_115] {strides = array<i32>} : memref<64x512xi32, #tpu.memory_space<vmem>>, vector<16xi32>,
      tpu.vector_store %arg6[%parallel_loop3A_114, %parallel_loop3A_115], %parallel_loop3A_113 {strides = array<i32>} : memref<64x512xi32, #tpu.memory_space<vmem>>, vector<16xi32>,
      %parallel_loop3A_117 = arith.index_cast %parallel_loop3A_109 : i32 to index
      %parallel_loop3A_118 = arith.constant 16 : index
      %parallel_loop3A_119 = tpu.vector_load %arg6[%parallel_loop3A_117, %parallel_loop3A_118] {strides = array<i32>} : memref<64x512xi32, #tpu.memory_space<vmem>>, vector<16xi32>,
      tpu.vector_store %arg6[%parallel_loop3A_117, %parallel_loop3A_118], %parallel_loop3A_113 {strides = array<i32>} : memref<64x512xi32, #tpu.memory_space<vmem>>, vector<16xi32>,
      %parallel_loop3A_120 = arith.index_cast %parallel_loop3A_109 : i32 to index
      %parallel_loop3A_121 = arith.constant 32 : index
      %parallel_loop3A_122 = tpu.vector_load %arg6[%parallel_loop3A_120, %parallel_loop3A_121] {strides = array<i32>} : memref<64x512xi32, #tpu.memory_space<vmem>>, vector<16xi32>,
      tpu.vector_store %arg6[%parallel_loop3A_120, %parallel_loop3A_121], %parallel_loop3A_113 {strides = array<i32>} : memref<64x512xi32, #tpu.memory_space<vmem>>, vector<16xi32>,
      %parallel_loop3A_123 = arith.index_cast %parallel_loop3A_109 : i32 to index
      %parallel_loop3A_124 = arith.constant 48 : index
      %parallel_loop3A_125 = tpu.vector_load %arg6[%parallel_loop3A_123, %parallel_loop3A_124] {strides = array<i32>} : memref<64x512xi32, #tpu.memory_space<vmem>>, vector<16xi32>,
      tpu.vector_store %arg6[%parallel_loop3A_123, %parallel_loop3A_124], %parallel_loop3A_113 {strides = array<i32>} : memref<64x512xi32, #tpu.memory_space<vmem>>, vector<16xi32>,
      %parallel_loop3A_126 = arith.index_cast %parallel_loop3A_109 : i32 to index
      %parallel_loop3A_127 = arith.constant 64 : index
      %parallel_loop3A_128 = tpu.vector_load %arg6[%parallel_loop3A_126, %parallel_loop3A_127] {strides = array<i32>} : memref<64x512xi32, #tpu.memory_space<vmem>>, vector<16xi32>,
      tpu.vector_store %arg6[%parallel_loop3A_126, %parallel_loop3A_127], %parallel_loop3A_113 {strides = array<i32>} : memref<64x512xi32, #tpu.memory_space<vmem>>, vector<16xi32>,
      %parallel_loop3A_129 = arith.index_cast %parallel_loop3A_109 : i32 to index
      %parallel_loop3A_130 = arith.constant 80 : index
      %parallel_loop3A_131 = tpu.vector_load %arg6[%parallel_loop3A_129, %parallel_loop3A_130] {strides = array<i32>} : memref<64x512xi32, #tpu.memory_space<vmem>>, vector<16xi32>,
      tpu.vector_store %arg6[%parallel_loop3A_129, %parallel_loop3A_130], %parallel_loop3A_113 {strides = array<i32>} : memref<64x512xi32, #tpu.memory_space<vmem>>, vector<16xi32>,
      %parallel_loop3A_132 = arith.index_cast %parallel_loop3A_109 : i32 to index
      %parallel_loop3A_133 = arith.constant 96 : index
      %parallel_loop3A_134 = tpu.vector_load %arg6[%parallel_loop3A_132, %parallel_loop3A_133] {strides = array<i32>} : memref<64x512xi32, #tpu.memory_space<vmem>>, vector<16xi32>,
      tpu.vector_store %arg6[%parallel_loop3A_132, %parallel_loop3A_133], %parallel_loop3A_113 {strides = array<i32>} : memref<64x512xi32, #tpu.memory_space<vmem>>, vector<16xi32>,
      %parallel_loop3A_135 = arith.index_cast %parallel_loop3A_109 : i32 to index
      %parallel_loop3A_136 = arith.constant 112 : index
      %parallel_loop3A_137 = tpu.vector_load %arg6[%parallel_loop3A_135, %parallel_loop3A_136] {strides = array<i32>} : memref<64x512xi32, #tpu.memory_space<vmem>>, vector<16xi32>,
      tpu.vector_store %arg6[%parallel_loop3A_135, %parallel_loop3A_136], %parallel_loop3A_113 {strides = array<i32>} : memref<64x512xi32, #tpu.memory_space<vmem>>, vector<16xi32>,
      %parallel_loop3A_138 = arith.index_cast %parallel_loop3A_109 : i32 to index
      %parallel_loop3A_139 = arith.constant 128 : index
      %parallel_loop3A_140 = tpu.vector_load %arg6[%parallel_loop3A_138, %parallel_loop3A_139] {strides = array<i32>} : memref<64x512xi32, #tpu.memory_space<vmem>>, vector<16xi32>,
      tpu.vector_store %arg6[%parallel_loop3A_138, %parallel_loop3A_139], %parallel_loop3A_113 {strides = array<i32>} : memref<64x512xi32, #tpu.memory_space<vmem>>, vector<16xi32>,
      %parallel_loop3A_141 = arith.index_cast %parallel_loop3A_109 : i32 to index
      %parallel_loop3A_142 = arith.constant 144 : index
      %parallel_loop3A_143 = tpu.vector_load %arg6[%parallel_loop3A_141, %parallel_loop3A_142] {strides = array<i32>} : memref<64x512xi32, #tpu.memory_space<vmem>>, vector<16xi32>,
      tpu.vector_store %arg6[%parallel_loop3A_141, %parallel_loop3A_142], %parallel_loop3A_113 {strides = array<i32>} : memref<64x512xi32, #tpu.memory_space<vmem>>, vector<16xi32>,
      %parallel_loop3A_144 = arith.index_cast %parallel_loop3A_109 : i32 to index
      %parallel_loop3A_145 = arith.constant 160 : index
      %parallel_loop3A_146 = tpu.vector_load %arg6[%parallel_loop3A_144, %parallel_loop3A_145] {strides = array<i32>} : memref<64x512xi32, #tpu.memory_space<vmem>>, vector<16xi32>,
      tpu.vector_store %arg6[%parallel_loop3A_144, %parallel_loop3A_145], %parallel_loop3A_113 {strides = array<i32>} : memref<64x512xi32, #tpu.memory_space<vmem>>, vector<16xi32>,
      %parallel_loop3A_147 = arith.index_cast %parallel_loop3A_109 : i32 to index
      %parallel_loop3A_148 = arith.constant 176 : index
      %parallel_loop3A_149 = tpu.vector_load %arg6[%parallel_loop3A_147, %parallel_loop3A_148] {strides = array<i32>} : memref<64x512xi32, #tpu.memory_space<vmem>>, vector<16xi32>,
      tpu.vector_store %arg6[%parallel_loop3A_147, %parallel_loop3A_148], %parallel_loop3A_113 {strides = array<i32>} : memref<64x512xi32, #tpu.memory_space<vmem>>, vector<16xi32>,
      %parallel_loop3A_150 = arith.index_cast %parallel_loop3A_109 : i32 to index
      %parallel_loop3A_151 = arith.constant 192 : index
      %parallel_loop3A_152 = tpu.vector_load %arg6[%parallel_loop3A_150, %parallel_loop3A_151] {strides = array<i32>} : memref<64x512xi32, #tpu.memory_space<vmem>>, vector<16xi32>,
      tpu.vector_store %arg6[%parallel_loop3A_150, %parallel_loop3A_151], %parallel_loop3A_113 {strides = array<i32>} : memref<64x512xi32, #tpu.memory_space<vmem>>, vector<16xi32>,
      %parallel_loop3A_153 = arith.index_cast %parallel_loop3A_109 : i32 to index
      %parallel_loop3A_154 = arith.constant 208 : index
      %parallel_loop3A_155 = tpu.vector_load %arg6[%parallel_loop3A_153, %parallel_loop3A_154] {strides = array<i32>} : memref<64x512xi32, #tpu.memory_space<vmem>>, vector<16xi32>,
      tpu.vector_store %arg6[%parallel_loop3A_153, %parallel_loop3A_154], %parallel_loop3A_113 {strides = array<i32>} : memref<64x512xi32, #tpu.memory_space<vmem>>, vector<16xi32>,
      %parallel_loop3A_156 = arith.index_cast %parallel_loop3A_109 : i32 to index
      %parallel_loop3A_157 = arith.constant 224 : index
      %parallel_loop3A_158 = tpu.vector_load %arg6[%parallel_loop3A_156, %parallel_loop3A_157] {strides = array<i32>} : memref<64x512xi32, #tpu.memory_space<vmem>>, vector<16xi32>,
      tpu.vector_store %arg6[%parallel_loop3A_156, %parallel_loop3A_157], %parallel_loop3A_113 {strides = array<i32>} : memref<64x512xi32, #tpu.memory_space<vmem>>, vector<16xi32>,
      %parallel_loop3A_159 = arith.index_cast %parallel_loop3A_109 : i32 to index
      %parallel_loop3A_160 = arith.constant 240 : index
      %parallel_loop3A_161 = tpu.vector_load %arg6[%parallel_loop3A_159, %parallel_loop3A_160] {strides = array<i32>} : memref<64x512xi32, #tpu.memory_space<vmem>>, vector<16xi32>,
      tpu.vector_store %arg6[%parallel_loop3A_159, %parallel_loop3A_160], %parallel_loop3A_113 {strides = array<i32>} : memref<64x512xi32, #tpu.memory_space<vmem>>, vector<16xi32>,
      %parallel_loop3A_162 = arith.index_cast %parallel_loop3A_109 : i32 to index
      %parallel_loop3A_163 = arith.constant 256 : index
      %parallel_loop3A_164 = tpu.vector_load %arg6[%parallel_loop3A_162, %parallel_loop3A_163] {strides = array<i32>} : memref<64x512xi32, #tpu.memory_space<vmem>>, vector<16xi32>,
      tpu.vector_store %arg6[%parallel_loop3A_162, %parallel_loop3A_163], %parallel_loop3A_113 {strides = array<i32>} : memref<64x512xi32, #tpu.memory_space<vmem>>, vector<16xi32>,
      %parallel_loop3A_165 = arith.index_cast %parallel_loop3A_109 : i32 to index
      %parallel_loop3A_166 = arith.constant 272 : index
      %parallel_loop3A_167 = tpu.vector_load %arg6[%parallel_loop3A_165, %parallel_loop3A_166] {strides = array<i32>} : memref<64x512xi32, #tpu.memory_space<vmem>>, vector<16xi32>,
      tpu.vector_store %arg6[%parallel_loop3A_165, %parallel_loop3A_166], %parallel_loop3A_113 {strides = array<i32>} : memref<64x512xi32, #tpu.memory_space<vmem>>, vector<16xi32>,
      %parallel_loop3A_168 = arith.index_cast %parallel_loop3A_109 : i32 to index
      %parallel_loop3A_169 = arith.constant 288 : index
      %parallel_loop3A_170 = tpu.vector_load %arg6[%parallel_loop3A_168, %parallel_loop3A_169] {strides = array<i32>} : memref<64x512xi32, #tpu.memory_space<vmem>>, vector<16xi32>,
      tpu.vector_store %arg6[%parallel_loop3A_168, %parallel_loop3A_169], %parallel_loop3A_113 {strides = array<i32>} : memref<64x512xi32, #tpu.memory_space<vmem>>, vector<16xi32>,
      %parallel_loop3A_171 = arith.index_cast %parallel_loop3A_109 : i32 to index
      %parallel_loop3A_172 = arith.constant 304 : index
      %parallel_loop3A_173 = tpu.vector_load %arg6[%parallel_loop3A_171, %parallel_loop3A_172] {strides = array<i32>} : memref<64x512xi32, #tpu.memory_space<vmem>>, vector<16xi32>,
      tpu.vector_store %arg6[%parallel_loop3A_171, %parallel_loop3A_172], %parallel_loop3A_113 {strides = array<i32>} : memref<64x512xi32, #tpu.memory_space<vmem>>, vector<16xi32>,
      %parallel_loop3A_174 = arith.index_cast %parallel_loop3A_109 : i32 to index
      %parallel_loop3A_175 = arith.constant 320 : index
      %parallel_loop3A_176 = tpu.vector_load %arg6[%parallel_loop3A_174, %parallel_loop3A_175] {strides = array<i32>} : memref<64x512xi32, #tpu.memory_space<vmem>>, vector<16xi32>,
      tpu.vector_store %arg6[%parallel_loop3A_174, %parallel_loop3A_175], %parallel_loop3A_113 {strides = array<i32>} : memref<64x512xi32, #tpu.memory_space<vmem>>, vector<16xi32>,
      %parallel_loop3A_177 = arith.index_cast %parallel_loop3A_109 : i32 to index
      %parallel_loop3A_178 = arith.constant 336 : index
      %parallel_loop3A_179 = tpu.vector_load %arg6[%parallel_loop3A_177, %parallel_loop3A_178] {strides = array<i32>} : memref<64x512xi32, #tpu.memory_space<vmem>>, vector<16xi32>,
      tpu.vector_store %arg6[%parallel_loop3A_177, %parallel_loop3A_178], %parallel_loop3A_113 {strides = array<i32>} : memref<64x512xi32, #tpu.memory_space<vmem>>, vector<16xi32>,
      %parallel_loop3A_180 = arith.index_cast %parallel_loop3A_109 : i32 to index
      %parallel_loop3A_181 = arith.constant 352 : index
      %parallel_loop3A_182 = tpu.vector_load %arg6[%parallel_loop3A_180, %parallel_loop3A_181] {strides = array<i32>} : memref<64x512xi32, #tpu.memory_space<vmem>>, vector<16xi32>,
      tpu.vector_store %arg6[%parallel_loop3A_180, %parallel_loop3A_181], %parallel_loop3A_113 {strides = array<i32>} : memref<64x512xi32, #tpu.memory_space<vmem>>, vector<16xi32>,
      %parallel_loop3A_183 = arith.index_cast %parallel_loop3A_109 : i32 to index
      %parallel_loop3A_184 = arith.constant 368 : index
      %parallel_loop3A_185 = tpu.vector_load %arg6[%parallel_loop3A_183, %parallel_loop3A_184] {strides = array<i32>} : memref<64x512xi32, #tpu.memory_space<vmem>>, vector<16xi32>,
      tpu.vector_store %arg6[%parallel_loop3A_183, %parallel_loop3A_184], %parallel_loop3A_113 {strides = array<i32>} : memref<64x512xi32, #tpu.memory_space<vmem>>, vector<16xi32>,
      %parallel_loop3A_186 = arith.index_cast %parallel_loop3A_109 : i32 to index
      %parallel_loop3A_187 = arith.constant 384 : index
      %parallel_loop3A_188 = tpu.vector_load %arg6[%parallel_loop3A_186, %parallel_loop3A_187] {strides = array<i32>} : memref<64x512xi32, #tpu.memory_space<vmem>>, vector<16xi32>,
      tpu.vector_store %arg6[%parallel_loop3A_186, %parallel_loop3A_187], %parallel_loop3A_113 {strides = array<i32>} : memref<64x512xi32, #tpu.memory_space<vmem>>, vector<16xi32>,
      %parallel_loop3A_189 = arith.index_cast %parallel_loop3A_109 : i32 to index
      %parallel_loop3A_190 = arith.constant 400 : index
      %parallel_loop3A_191 = tpu.vector_load %arg6[%parallel_loop3A_189, %parallel_loop3A_190] {strides = array<i32>} : memref<64x512xi32, #tpu.memory_space<vmem>>, vector<16xi32>,
      tpu.vector_store %arg6[%parallel_loop3A_189, %parallel_loop3A_190], %parallel_loop3A_113 {strides = array<i32>} : memref<64x512xi32, #tpu.memory_space<vmem>>, vector<16xi32>,
      %parallel_loop3A_192 = arith.index_cast %parallel_loop3A_109 : i32 to index
      %parallel_loop3A_193 = arith.constant 416 : index
      %parallel_loop3A_194 = tpu.vector_load %arg6[%parallel_loop3A_192, %parallel_loop3A_193] {strides = array<i32>} : memref<64x512xi32, #tpu.memory_space<vmem>>, vector<16xi32>,
      tpu.vector_store %arg6[%parallel_loop3A_192, %parallel_loop3A_193], %parallel_loop3A_113 {strides = array<i32>} : memref<64x512xi32, #tpu.memory_space<vmem>>, vector<16xi32>,
      %parallel_loop3A_195 = arith.index_cast %parallel_loop3A_109 : i32 to index
      %parallel_loop3A_196 = arith.constant 432 : index
      %parallel_loop3A_197 = tpu.vector_load %arg6[%parallel_loop3A_195, %parallel_loop3A_196] {strides = array<i32>} : memref<64x512xi32, #tpu.memory_space<vmem>>, vector<16xi32>,
      tpu.vector_store %arg6[%parallel_loop3A_195, %parallel_loop3A_196], %parallel_loop3A_113 {strides = array<i32>} : memref<64x512xi32, #tpu.memory_space<vmem>>, vector<16xi32>,
      %parallel_loop3A_198 = arith.index_cast %parallel_loop3A_109 : i32 to index
      %parallel_loop3A_199 = arith.constant 448 : index
      %parallel_loop3A_200 = tpu.vector_load %arg6[%parallel_loop3A_198, %parallel_loop3A_199] {strides = array<i32>} : memref<64x512xi32, #tpu.memory_space<vmem>>, vector<16xi32>,
      tpu.vector_store %arg6[%parallel_loop3A_198, %parallel_loop3A_199], %parallel_loop3A_113 {strides = array<i32>} : memref<64x512xi32, #tpu.memory_space<vmem>>, vector<16xi32>,
      %parallel_loop3A_201 = arith.index_cast %parallel_loop3A_109 : i32 to index
      %parallel_loop3A_202 = arith.constant 464 : index
      %parallel_loop3A_203 = tpu.vector_load %arg6[%parallel_loop3A_201, %parallel_loop3A_202] {strides = array<i32>} : memref<64x512xi32, #tpu.memory_space<vmem>>, vector<16xi32>,
      tpu.vector_store %arg6[%parallel_loop3A_201, %parallel_loop3A_202], %parallel_loop3A_113 {strides = array<i32>} : memref<64x512xi32, #tpu.memory_space<vmem>>, vector<16xi32>,
      %parallel_loop3A_204 = arith.index_cast %parallel_loop3A_109 : i32 to index
      %parallel_loop3A_205 = arith.constant 480 : index
      %parallel_loop3A_206 = tpu.vector_load %arg6[%parallel_loop3A_204, %parallel_loop3A_205] {strides = array<i32>} : memref<64x512xi32, #tpu.memory_space<vmem>>, vector<16xi32>,
      tpu.vector_store %arg6[%parallel_loop3A_204, %parallel_loop3A_205], %parallel_loop3A_113 {strides = array<i32>} : memref<64x512xi32, #tpu.memory_space<vmem>>, vector<16xi32>,
      %parallel_loop3A_207 = arith.index_cast %parallel_loop3A_109 : i32 to index
      %parallel_loop3A_208 = arith.constant 496 : index
      %parallel_loop3A_209 = tpu.vector_load %arg6[%parallel_loop3A_207, %parallel_loop3A_208] {strides = array<i32>} : memref<64x512xi32, #tpu.memory_space<vmem>>, vector<16xi32>,
      tpu.vector_store %arg6[%parallel_loop3A_207, %parallel_loop3A_208], %parallel_loop3A_113 {strides = array<i32>} : memref<64x512xi32, #tpu.memory_space<vmem>>, vector<16xi32>,
    } {sc.loop_unroll_factor = 2 : i64, sc.parallel_access}
    %add3A_82 = arith.constant 384 : i32
    %add3A_83 = arith.addi %mul3A_2, %add3A_82 : i32
    %dma_start3A_84 = arith.constant 0 : i32
    %dma_start3A_85 = tpu.memref_slice %arg3[%add3A_83, %dma_start3A_84] : memref<16384x512xi32, #tpu.memory_space<hbm>> -> memref<64x512xi32, #tpu.memory_space<hbm>>
    %dma_start3A_86 = arith.constant 0 : i32
    %dma_start3A_87 = tpu.memref_slice %arg3[%add3A_83, %dma_start3A_86] : memref<16384x512xi32, #tpu.memory_space<hbm>> -> memref<64x512xi32, #tpu.memory_space<hbm>>
    tpu.enqueue_dma source(%arg6 : memref<64x512xi32, #tpu.memory_space<vmem>>) target(%dma_start3A_87 : memref<64x512xi32, #tpu.memory_space<hbm>>) target_semaphore(%arg8 : memref<!tpu.dma_semaphore, #tpu.memory_space<semaphore_mem>>)
    %dma_wait3A_88 = arith.constant 0 : i32
    %dma_wait3A_89 = tpu.memref_slice %arg3[%add3A_70, %dma_wait3A_88] : memref<16384x512xi32, #tpu.memory_space<hbm>> -> memref<64x512xi32, #tpu.memory_space<hbm>>
    %dma_wait3A_90 = arith.constant 0 : i32
    %dma_wait3A_91 = tpu.memref_slice %arg3[%add3A_70, %dma_wait3A_90] : memref<16384x512xi32, #tpu.memory_space<hbm>> -> memref<64x512xi32, #tpu.memory_space<hbm>>
    tpu.wait_dma2 semaphore(%arg9 : memref<!tpu.dma_semaphore, #tpu.memory_space<semaphore_mem>>) src(%arg7 : memref<64x512xi32, #tpu.memory_space<vmem>>) dst(%dma_wait3A_91 : memref<64x512xi32, #tpu.memory_space<hbm>>)
    %parallel_loop3A_92 = arith.constant 0 : i32
    %parallel_loop3A_93 = arith.constant 64 : i32
    %parallel_loop3A_94 = arith.constant 1 : i32
    scf.for %parallel_loop3A_109 = %parallel_loop3A_92 to %parallel_loop3A_93 step %parallel_loop3A_94  : i32 {
      %parallel_loop3A_110 = arith.constant 448 : i32
      %parallel_loop3A_111 = arith.addi %parallel_loop3A_110, %parallel_loop3A_109 : i32
      %parallel_loop3A_112 = vector.broadcast %parallel_loop3A_111 : i32 to vector<16xi32>
      %parallel_loop3A_113 = tpu.vector_load_idx %arg5[%parallel_loop3A_112] : memref<512xi32, #tpu.memory_space<vmem>>[vector<16xi32>], vector<16xi32>,
      %parallel_loop3A_114 = arith.index_cast %parallel_loop3A_109 : i32 to index
      %parallel_loop3A_115 = arith.constant 0 : index
      %parallel_loop3A_116 = tpu.vector_load %arg7[%parallel_loop3A_114, %parallel_loop3A_115] {strides = array<i32>} : memref<64x512xi32, #tpu.memory_space<vmem>>, vector<16xi32>,
      tpu.vector_store %arg7[%parallel_loop3A_114, %parallel_loop3A_115], %parallel_loop3A_113 {strides = array<i32>} : memref<64x512xi32, #tpu.memory_space<vmem>>, vector<16xi32>,
      %parallel_loop3A_117 = arith.index_cast %parallel_loop3A_109 : i32 to index
      %parallel_loop3A_118 = arith.constant 16 : index
      %parallel_loop3A_119 = tpu.vector_load %arg7[%parallel_loop3A_117, %parallel_loop3A_118] {strides = array<i32>} : memref<64x512xi32, #tpu.memory_space<vmem>>, vector<16xi32>,
      tpu.vector_store %arg7[%parallel_loop3A_117, %parallel_loop3A_118], %parallel_loop3A_113 {strides = array<i32>} : memref<64x512xi32, #tpu.memory_space<vmem>>, vector<16xi32>,
      %parallel_loop3A_120 = arith.index_cast %parallel_loop3A_109 : i32 to index
      %parallel_loop3A_121 = arith.constant 32 : index
      %parallel_loop3A_122 = tpu.vector_load %arg7[%parallel_loop3A_120, %parallel_loop3A_121] {strides = array<i32>} : memref<64x512xi32, #tpu.memory_space<vmem>>, vector<16xi32>,
      tpu.vector_store %arg7[%parallel_loop3A_120, %parallel_loop3A_121], %parallel_loop3A_113 {strides = array<i32>} : memref<64x512xi32, #tpu.memory_space<vmem>>, vector<16xi32>,
      %parallel_loop3A_123 = arith.index_cast %parallel_loop3A_109 : i32 to index
      %parallel_loop3A_124 = arith.constant 48 : index
      %parallel_loop3A_125 = tpu.vector_load %arg7[%parallel_loop3A_123, %parallel_loop3A_124] {strides = array<i32>} : memref<64x512xi32, #tpu.memory_space<vmem>>, vector<16xi32>,
      tpu.vector_store %arg7[%parallel_loop3A_123, %parallel_loop3A_124], %parallel_loop3A_113 {strides = array<i32>} : memref<64x512xi32, #tpu.memory_space<vmem>>, vector<16xi32>,
      %parallel_loop3A_126 = arith.index_cast %parallel_loop3A_109 : i32 to index
      %parallel_loop3A_127 = arith.constant 64 : index
      %parallel_loop3A_128 = tpu.vector_load %arg7[%parallel_loop3A_126, %parallel_loop3A_127] {strides = array<i32>} : memref<64x512xi32, #tpu.memory_space<vmem>>, vector<16xi32>,
      tpu.vector_store %arg7[%parallel_loop3A_126, %parallel_loop3A_127], %parallel_loop3A_113 {strides = array<i32>} : memref<64x512xi32, #tpu.memory_space<vmem>>, vector<16xi32>,
      %parallel_loop3A_129 = arith.index_cast %parallel_loop3A_109 : i32 to index
      %parallel_loop3A_130 = arith.constant 80 : index
      %parallel_loop3A_131 = tpu.vector_load %arg7[%parallel_loop3A_129, %parallel_loop3A_130] {strides = array<i32>} : memref<64x512xi32, #tpu.memory_space<vmem>>, vector<16xi32>,
      tpu.vector_store %arg7[%parallel_loop3A_129, %parallel_loop3A_130], %parallel_loop3A_113 {strides = array<i32>} : memref<64x512xi32, #tpu.memory_space<vmem>>, vector<16xi32>,
      %parallel_loop3A_132 = arith.index_cast %parallel_loop3A_109 : i32 to index
      %parallel_loop3A_133 = arith.constant 96 : index
      %parallel_loop3A_134 = tpu.vector_load %arg7[%parallel_loop3A_132, %parallel_loop3A_133] {strides = array<i32>} : memref<64x512xi32, #tpu.memory_space<vmem>>, vector<16xi32>,
      tpu.vector_store %arg7[%parallel_loop3A_132, %parallel_loop3A_133], %parallel_loop3A_113 {strides = array<i32>} : memref<64x512xi32, #tpu.memory_space<vmem>>, vector<16xi32>,
      %parallel_loop3A_135 = arith.index_cast %parallel_loop3A_109 : i32 to index
      %parallel_loop3A_136 = arith.constant 112 : index
      %parallel_loop3A_137 = tpu.vector_load %arg7[%parallel_loop3A_135, %parallel_loop3A_136] {strides = array<i32>} : memref<64x512xi32, #tpu.memory_space<vmem>>, vector<16xi32>,
      tpu.vector_store %arg7[%parallel_loop3A_135, %parallel_loop3A_136], %parallel_loop3A_113 {strides = array<i32>} : memref<64x512xi32, #tpu.memory_space<vmem>>, vector<16xi32>,
      %parallel_loop3A_138 = arith.index_cast %parallel_loop3A_109 : i32 to index
      %parallel_loop3A_139 = arith.constant 128 : index
      %parallel_loop3A_140 = tpu.vector_load %arg7[%parallel_loop3A_138, %parallel_loop3A_139] {strides = array<i32>} : memref<64x512xi32, #tpu.memory_space<vmem>>, vector<16xi32>,
      tpu.vector_store %arg7[%parallel_loop3A_138, %parallel_loop3A_139], %parallel_loop3A_113 {strides = array<i32>} : memref<64x512xi32, #tpu.memory_space<vmem>>, vector<16xi32>,
      %parallel_loop3A_141 = arith.index_cast %parallel_loop3A_109 : i32 to index
      %parallel_loop3A_142 = arith.constant 144 : index
      %parallel_loop3A_143 = tpu.vector_load %arg7[%parallel_loop3A_141, %parallel_loop3A_142] {strides = array<i32>} : memref<64x512xi32, #tpu.memory_space<vmem>>, vector<16xi32>,
      tpu.vector_store %arg7[%parallel_loop3A_141, %parallel_loop3A_142], %parallel_loop3A_113 {strides = array<i32>} : memref<64x512xi32, #tpu.memory_space<vmem>>, vector<16xi32>,
      %parallel_loop3A_144 = arith.index_cast %parallel_loop3A_109 : i32 to index
      %parallel_loop3A_145 = arith.constant 160 : index
      %parallel_loop3A_146 = tpu.vector_load %arg7[%parallel_loop3A_144, %parallel_loop3A_145] {strides = array<i32>} : memref<64x512xi32, #tpu.memory_space<vmem>>, vector<16xi32>,
      tpu.vector_store %arg7[%parallel_loop3A_144, %parallel_loop3A_145], %parallel_loop3A_113 {strides = array<i32>} : memref<64x512xi32, #tpu.memory_space<vmem>>, vector<16xi32>,
      %parallel_loop3A_147 = arith.index_cast %parallel_loop3A_109 : i32 to index
      %parallel_loop3A_148 = arith.constant 176 : index
      %parallel_loop3A_149 = tpu.vector_load %arg7[%parallel_loop3A_147, %parallel_loop3A_148] {strides = array<i32>} : memref<64x512xi32, #tpu.memory_space<vmem>>, vector<16xi32>,
      tpu.vector_store %arg7[%parallel_loop3A_147, %parallel_loop3A_148], %parallel_loop3A_113 {strides = array<i32>} : memref<64x512xi32, #tpu.memory_space<vmem>>, vector<16xi32>,
      %parallel_loop3A_150 = arith.index_cast %parallel_loop3A_109 : i32 to index
      %parallel_loop3A_151 = arith.constant 192 : index
      %parallel_loop3A_152 = tpu.vector_load %arg7[%parallel_loop3A_150, %parallel_loop3A_151] {strides = array<i32>} : memref<64x512xi32, #tpu.memory_space<vmem>>, vector<16xi32>,
      tpu.vector_store %arg7[%parallel_loop3A_150, %parallel_loop3A_151], %parallel_loop3A_113 {strides = array<i32>} : memref<64x512xi32, #tpu.memory_space<vmem>>, vector<16xi32>,
      %parallel_loop3A_153 = arith.index_cast %parallel_loop3A_109 : i32 to index
      %parallel_loop3A_154 = arith.constant 208 : index
      %parallel_loop3A_155 = tpu.vector_load %arg7[%parallel_loop3A_153, %parallel_loop3A_154] {strides = array<i32>} : memref<64x512xi32, #tpu.memory_space<vmem>>, vector<16xi32>,
      tpu.vector_store %arg7[%parallel_loop3A_153, %parallel_loop3A_154], %parallel_loop3A_113 {strides = array<i32>} : memref<64x512xi32, #tpu.memory_space<vmem>>, vector<16xi32>,
      %parallel_loop3A_156 = arith.index_cast %parallel_loop3A_109 : i32 to index
      %parallel_loop3A_157 = arith.constant 224 : index
      %parallel_loop3A_158 = tpu.vector_load %arg7[%parallel_loop3A_156, %parallel_loop3A_157] {strides = array<i32>} : memref<64x512xi32, #tpu.memory_space<vmem>>, vector<16xi32>,
      tpu.vector_store %arg7[%parallel_loop3A_156, %parallel_loop3A_157], %parallel_loop3A_113 {strides = array<i32>} : memref<64x512xi32, #tpu.memory_space<vmem>>, vector<16xi32>,
      %parallel_loop3A_159 = arith.index_cast %parallel_loop3A_109 : i32 to index
      %parallel_loop3A_160 = arith.constant 240 : index
      %parallel_loop3A_161 = tpu.vector_load %arg7[%parallel_loop3A_159, %parallel_loop3A_160] {strides = array<i32>} : memref<64x512xi32, #tpu.memory_space<vmem>>, vector<16xi32>,
      tpu.vector_store %arg7[%parallel_loop3A_159, %parallel_loop3A_160], %parallel_loop3A_113 {strides = array<i32>} : memref<64x512xi32, #tpu.memory_space<vmem>>, vector<16xi32>,
      %parallel_loop3A_162 = arith.index_cast %parallel_loop3A_109 : i32 to index
      %parallel_loop3A_163 = arith.constant 256 : index
      %parallel_loop3A_164 = tpu.vector_load %arg7[%parallel_loop3A_162, %parallel_loop3A_163] {strides = array<i32>} : memref<64x512xi32, #tpu.memory_space<vmem>>, vector<16xi32>,
      tpu.vector_store %arg7[%parallel_loop3A_162, %parallel_loop3A_163], %parallel_loop3A_113 {strides = array<i32>} : memref<64x512xi32, #tpu.memory_space<vmem>>, vector<16xi32>,
      %parallel_loop3A_165 = arith.index_cast %parallel_loop3A_109 : i32 to index
      %parallel_loop3A_166 = arith.constant 272 : index
      %parallel_loop3A_167 = tpu.vector_load %arg7[%parallel_loop3A_165, %parallel_loop3A_166] {strides = array<i32>} : memref<64x512xi32, #tpu.memory_space<vmem>>, vector<16xi32>,
      tpu.vector_store %arg7[%parallel_loop3A_165, %parallel_loop3A_166], %parallel_loop3A_113 {strides = array<i32>} : memref<64x512xi32, #tpu.memory_space<vmem>>, vector<16xi32>,
      %parallel_loop3A_168 = arith.index_cast %parallel_loop3A_109 : i32 to index
      %parallel_loop3A_169 = arith.constant 288 : index
      %parallel_loop3A_170 = tpu.vector_load %arg7[%parallel_loop3A_168, %parallel_loop3A_169] {strides = array<i32>} : memref<64x512xi32, #tpu.memory_space<vmem>>, vector<16xi32>,
      tpu.vector_store %arg7[%parallel_loop3A_168, %parallel_loop3A_169], %parallel_loop3A_113 {strides = array<i32>} : memref<64x512xi32, #tpu.memory_space<vmem>>, vector<16xi32>,
      %parallel_loop3A_171 = arith.index_cast %parallel_loop3A_109 : i32 to index
      %parallel_loop3A_172 = arith.constant 304 : index
      %parallel_loop3A_173 = tpu.vector_load %arg7[%parallel_loop3A_171, %parallel_loop3A_172] {strides = array<i32>} : memref<64x512xi32, #tpu.memory_space<vmem>>, vector<16xi32>,
      tpu.vector_store %arg7[%parallel_loop3A_171, %parallel_loop3A_172], %parallel_loop3A_113 {strides = array<i32>} : memref<64x512xi32, #tpu.memory_space<vmem>>, vector<16xi32>,
      %parallel_loop3A_174 = arith.index_cast %parallel_loop3A_109 : i32 to index
      %parallel_loop3A_175 = arith.constant 320 : index
      %parallel_loop3A_176 = tpu.vector_load %arg7[%parallel_loop3A_174, %parallel_loop3A_175] {strides = array<i32>} : memref<64x512xi32, #tpu.memory_space<vmem>>, vector<16xi32>,
      tpu.vector_store %arg7[%parallel_loop3A_174, %parallel_loop3A_175], %parallel_loop3A_113 {strides = array<i32>} : memref<64x512xi32, #tpu.memory_space<vmem>>, vector<16xi32>,
      %parallel_loop3A_177 = arith.index_cast %parallel_loop3A_109 : i32 to index
      %parallel_loop3A_178 = arith.constant 336 : index
      %parallel_loop3A_179 = tpu.vector_load %arg7[%parallel_loop3A_177, %parallel_loop3A_178] {strides = array<i32>} : memref<64x512xi32, #tpu.memory_space<vmem>>, vector<16xi32>,
      tpu.vector_store %arg7[%parallel_loop3A_177, %parallel_loop3A_178], %parallel_loop3A_113 {strides = array<i32>} : memref<64x512xi32, #tpu.memory_space<vmem>>, vector<16xi32>,
      %parallel_loop3A_180 = arith.index_cast %parallel_loop3A_109 : i32 to index
      %parallel_loop3A_181 = arith.constant 352 : index
      %parallel_loop3A_182 = tpu.vector_load %arg7[%parallel_loop3A_180, %parallel_loop3A_181] {strides = array<i32>} : memref<64x512xi32, #tpu.memory_space<vmem>>, vector<16xi32>,
      tpu.vector_store %arg7[%parallel_loop3A_180, %parallel_loop3A_181], %parallel_loop3A_113 {strides = array<i32>} : memref<64x512xi32, #tpu.memory_space<vmem>>, vector<16xi32>,
      %parallel_loop3A_183 = arith.index_cast %parallel_loop3A_109 : i32 to index
      %parallel_loop3A_184 = arith.constant 368 : index
      %parallel_loop3A_185 = tpu.vector_load %arg7[%parallel_loop3A_183, %parallel_loop3A_184] {strides = array<i32>} : memref<64x512xi32, #tpu.memory_space<vmem>>, vector<16xi32>,
      tpu.vector_store %arg7[%parallel_loop3A_183, %parallel_loop3A_184], %parallel_loop3A_113 {strides = array<i32>} : memref<64x512xi32, #tpu.memory_space<vmem>>, vector<16xi32>,
      %parallel_loop3A_186 = arith.index_cast %parallel_loop3A_109 : i32 to index
      %parallel_loop3A_187 = arith.constant 384 : index
      %parallel_loop3A_188 = tpu.vector_load %arg7[%parallel_loop3A_186, %parallel_loop3A_187] {strides = array<i32>} : memref<64x512xi32, #tpu.memory_space<vmem>>, vector<16xi32>,
      tpu.vector_store %arg7[%parallel_loop3A_186, %parallel_loop3A_187], %parallel_loop3A_113 {strides = array<i32>} : memref<64x512xi32, #tpu.memory_space<vmem>>, vector<16xi32>,
      %parallel_loop3A_189 = arith.index_cast %parallel_loop3A_109 : i32 to index
      %parallel_loop3A_190 = arith.constant 400 : index
      %parallel_loop3A_191 = tpu.vector_load %arg7[%parallel_loop3A_189, %parallel_loop3A_190] {strides = array<i32>} : memref<64x512xi32, #tpu.memory_space<vmem>>, vector<16xi32>,
      tpu.vector_store %arg7[%parallel_loop3A_189, %parallel_loop3A_190], %parallel_loop3A_113 {strides = array<i32>} : memref<64x512xi32, #tpu.memory_space<vmem>>, vector<16xi32>,
      %parallel_loop3A_192 = arith.index_cast %parallel_loop3A_109 : i32 to index
      %parallel_loop3A_193 = arith.constant 416 : index
      %parallel_loop3A_194 = tpu.vector_load %arg7[%parallel_loop3A_192, %parallel_loop3A_193] {strides = array<i32>} : memref<64x512xi32, #tpu.memory_space<vmem>>, vector<16xi32>,
      tpu.vector_store %arg7[%parallel_loop3A_192, %parallel_loop3A_193], %parallel_loop3A_113 {strides = array<i32>} : memref<64x512xi32, #tpu.memory_space<vmem>>, vector<16xi32>,
      %parallel_loop3A_195 = arith.index_cast %parallel_loop3A_109 : i32 to index
      %parallel_loop3A_196 = arith.constant 432 : index
      %parallel_loop3A_197 = tpu.vector_load %arg7[%parallel_loop3A_195, %parallel_loop3A_196] {strides = array<i32>} : memref<64x512xi32, #tpu.memory_space<vmem>>, vector<16xi32>,
      tpu.vector_store %arg7[%parallel_loop3A_195, %parallel_loop3A_196], %parallel_loop3A_113 {strides = array<i32>} : memref<64x512xi32, #tpu.memory_space<vmem>>, vector<16xi32>,
      %parallel_loop3A_198 = arith.index_cast %parallel_loop3A_109 : i32 to index
      %parallel_loop3A_199 = arith.constant 448 : index
      %parallel_loop3A_200 = tpu.vector_load %arg7[%parallel_loop3A_198, %parallel_loop3A_199] {strides = array<i32>} : memref<64x512xi32, #tpu.memory_space<vmem>>, vector<16xi32>,
      tpu.vector_store %arg7[%parallel_loop3A_198, %parallel_loop3A_199], %parallel_loop3A_113 {strides = array<i32>} : memref<64x512xi32, #tpu.memory_space<vmem>>, vector<16xi32>,
      %parallel_loop3A_201 = arith.index_cast %parallel_loop3A_109 : i32 to index
      %parallel_loop3A_202 = arith.constant 464 : index
      %parallel_loop3A_203 = tpu.vector_load %arg7[%parallel_loop3A_201, %parallel_loop3A_202] {strides = array<i32>} : memref<64x512xi32, #tpu.memory_space<vmem>>, vector<16xi32>,
      tpu.vector_store %arg7[%parallel_loop3A_201, %parallel_loop3A_202], %parallel_loop3A_113 {strides = array<i32>} : memref<64x512xi32, #tpu.memory_space<vmem>>, vector<16xi32>,
      %parallel_loop3A_204 = arith.index_cast %parallel_loop3A_109 : i32 to index
      %parallel_loop3A_205 = arith.constant 480 : index
      %parallel_loop3A_206 = tpu.vector_load %arg7[%parallel_loop3A_204, %parallel_loop3A_205] {strides = array<i32>} : memref<64x512xi32, #tpu.memory_space<vmem>>, vector<16xi32>,
      tpu.vector_store %arg7[%parallel_loop3A_204, %parallel_loop3A_205], %parallel_loop3A_113 {strides = array<i32>} : memref<64x512xi32, #tpu.memory_space<vmem>>, vector<16xi32>,
      %parallel_loop3A_207 = arith.index_cast %parallel_loop3A_109 : i32 to index
      %parallel_loop3A_208 = arith.constant 496 : index
      %parallel_loop3A_209 = tpu.vector_load %arg7[%parallel_loop3A_207, %parallel_loop3A_208] {strides = array<i32>} : memref<64x512xi32, #tpu.memory_space<vmem>>, vector<16xi32>,
      tpu.vector_store %arg7[%parallel_loop3A_207, %parallel_loop3A_208], %parallel_loop3A_113 {strides = array<i32>} : memref<64x512xi32, #tpu.memory_space<vmem>>, vector<16xi32>,
    } {sc.loop_unroll_factor = 2 : i64, sc.parallel_access}
    %add3A_95 = arith.constant 448 : i32
    %add3A_96 = arith.addi %mul3A_2, %add3A_95 : i32
    %dma_start3A_97 = arith.constant 0 : i32
    %dma_start3A_98 = tpu.memref_slice %arg3[%add3A_96, %dma_start3A_97] : memref<16384x512xi32, #tpu.memory_space<hbm>> -> memref<64x512xi32, #tpu.memory_space<hbm>>
    %dma_start3A_99 = arith.constant 0 : i32
    %dma_start3A_100 = tpu.memref_slice %arg3[%add3A_96, %dma_start3A_99] : memref<16384x512xi32, #tpu.memory_space<hbm>> -> memref<64x512xi32, #tpu.memory_space<hbm>>
    tpu.enqueue_dma source(%arg7 : memref<64x512xi32, #tpu.memory_space<vmem>>) target(%dma_start3A_100 : memref<64x512xi32, #tpu.memory_space<hbm>>) target_semaphore(%arg9 : memref<!tpu.dma_semaphore, #tpu.memory_space<semaphore_mem>>)
    %dma_wait3A_101 = arith.constant 0 : i32
    %dma_wait3A_102 = tpu.memref_slice %arg3[%add3A_83, %dma_wait3A_101] : memref<16384x512xi32, #tpu.memory_space<hbm>> -> memref<64x512xi32, #tpu.memory_space<hbm>>
    %dma_wait3A_103 = arith.constant 0 : i32
    %dma_wait3A_104 = tpu.memref_slice %arg3[%add3A_83, %dma_wait3A_103] : memref<16384x512xi32, #tpu.memory_space<hbm>> -> memref<64x512xi32, #tpu.memory_space<hbm>>
    tpu.wait_dma2 semaphore(%arg8 : memref<!tpu.dma_semaphore, #tpu.memory_space<semaphore_mem>>) src(%arg6 : memref<64x512xi32, #tpu.memory_space<vmem>>) dst(%dma_wait3A_104 : memref<64x512xi32, #tpu.memory_space<hbm>>)
    %dma_wait3A_105 = arith.constant 0 : i32
    %dma_wait3A_106 = tpu.memref_slice %arg3[%add3A_96, %dma_wait3A_105] : memref<16384x512xi32, #tpu.memory_space<hbm>> -> memref<64x512xi32, #tpu.memory_space<hbm>>
    %dma_wait3A_107 = arith.constant 0 : i32
    %dma_wait3A_108 = tpu.memref_slice %arg3[%add3A_96, %dma_wait3A_107] : memref<16384x512xi32, #tpu.memory_space<hbm>> -> memref<64x512xi32, #tpu.memory_space<hbm>>
    tpu.wait_dma2 semaphore(%arg9 : memref<!tpu.dma_semaphore, #tpu.memory_space<semaphore_mem>>) src(%arg7 : memref<64x512xi32, #tpu.memory_space<vmem>>) dst(%dma_wait3A_108 : memref<64x512xi32, #tpu.memory_space<hbm>>)
    return
  }
}

</mosaic_0001>

<sc_bundles>
// kernel: kernel.3.cloned.1.call-start
scs
__scs_entry_jumppad:
0x0: {  	(pc) =	sbr.rel $0x88, $3  }
0x1: {  	(tag) =	ssettag $0x0;
	lr =	simm.s32 $0x1  }
0x2: {  	[smem:$0x3FA0] =	sst lr;
	_ =	strace $0xD0000000  }
0x3: {  	_ = 	snop  }
0x4: {  	_ = 	snop  }
0x5: {  	_ = 	snop  }
0x6: {  	_ = 	snop  }
0x7: {  	_ = 	snop  }
__scs_overlays_trampoline_lowered:
0x8: {  	[smem:$0x3FAF] =	sst s0  }
0x9: {  	[smem:$0x3FB0] =	sst s1  }
0xa: {  	[smem:$0x3FB1] =	sst s2  }
0xb: {  	[smem:$0x3FB2] =	sst s3  }
0xc: {  	[smem:$0x3FB3] =	sst s4  }
0xd: {  	[smem:$0x3FB4] =	sst s5  }
0xe: {  	[smem:$0x3FB5] =	sst s6  }
0xf: {  	[smem:$0x3FB6] =	sst s7  }
0x10: {  	[smem:$0x3FB7] =	sst s8  }
0x11: {  	[smem:$0x3FB8] =	sst s9;
	s0 =	simm.s32 @!p0 $0x0  }
0x12: {  	s1 =	sld [smem:$0x3F9E];
	s0 =	simm.s32 @p0 $0x1  }
0x13: {  	[smem:$0x3FB9] =	sst s0;
	s0 =	simm.s32 @!p1 $0x0  }
0x14: {  	s2 =	sld [smem:$0x3F9D];
	s0 =	simm.s32 @p1 $0x1  }
0x15: {  	[smem:$0x3FBA] =	sst s0;
	s0 =	simm.s32 @!p2 $0x0  }
0x16: {  	s3 =	sld [smem:$0x3FDB];
	s0 =	simm.s32 @p2 $0x1  }
0x17: {  	s4 =	simm.s32 $0x1BF5;
	[smem:$0x3FBC] =	sst s0  }
0x18: {  	s0 =	sld [smem:$0x3F9F];
	_ =	swait.ge [sflag:s4], $0x0  }
0x19: {  	s7 =	sld [smem:$0x3FA0]  }
0x1a: {  	s8 =	sadd.s32 $0xFFFFE003, lr  }
0x1b: {  	s9 =	sadd.s32 $0xFFFFFEF7, lr;
	s5 =	simm.s32 $0xFFFFFFFF;
	p2 =	slt.u32 s8, $0xFFFFF086  }
0x1c: {  	p1 =	slt.u32 s9, $0xF7A;
	s5 =	simm.s32 @!p2 $0x0  }
0x1d: {  	s5 =	simm.s32 @p1 $0x1;
	p0 =	seq.s32 s7, s2  }
0x1e: {  	s7 =	smul.u32 @!p0 $0xF7A, s2;
	p2 =	seq.s32 @!p0 s5, $0x0  }
0x1f: {  	s9 =	smul.u32 $0xF7A, s1;
	s8 =	simm.s32 @!p0 $0x1BF5;
	p2 =	por !p2, p0  }
0x20: {  	[sflag:s8] =	ssyncset.s32 @!p0 $0xFFFFF086;
	s6 =	sadd.s32 @!p0 s3, s7;
	s7 =	simm.s32 @!p0 $0x108  }
0x21: {  	s3 =	sadd.s32 s3, s9;
	s6 =	sadd.s32 @!p0 $0x88, s6;
	s7 =	simm.s32 @p2 $0x1082  }
0x22: {  	[simem:s7], [sflag:s8] =	dma.local @!p0 [hbm:s6], $0xF7A  }
0x23: {  	s9 =	sor.u32 $0xD0000000, s2;
	s6 =	simm.s32 $0x108;
	_ =	swait.ge @!p0 [sflag:s8], $0x0  }
0x24: {  	s3 =	sadd.s32 $0x88, s3;
	s6 =	simm.s32 @!p1 $0x1082;
	[sflag:s4] =	ssyncset.s32 $0xFFFFF086  }
0x25: {  	[simem:s6], [sflag:s4] =	dma.local [hbm:s3], $0xF7A  }
0x26: {  	[smem:$0x3FA0] =	sst s1;
	(tag) =	ssettag s2;
	_ =	strace s9  }
0x27: {  	s1 =	sld [smem:$0x3FB0]  }
0x28: {  	s2 =	sld [smem:$0x3FB1]  }
0x29: {  	s4 =	sld [smem:$0x3FB3]  }
0x2a: {  	p0 =	seq.s32 s5, $0x0;
	s5 =	sld [smem:$0x3FB4]  }
0x2b: {  	s6 =	sld [smem:$0x3FB5]  }
0x2c: {  	s7 =	sld [smem:$0x3FB6]  }
0x2d: {  	s3 =	simm.s32 $0x108;
	s8 =	sld [smem:$0x3FB7]  }
0x2e: {  	s3 =	simm.s32 @!p0 $0x1082;
	s9 =	sld [smem:$0x3FB8]  }
0x2f: {  	lr =	sadd.s32 s0, s3;
	s0 =	sld [smem:$0x3FAF]  }
0x30: {  	s3 =	sld [smem:$0x3FB2]  }
0x31: {  	[smem:$0x3FBB] =	sst s10  }
0x32: {  	s10 =	sld [smem:$0x3FB9];
	_ =	sdelay $0x3  }
0x33: {  	p0 =	seq.s32 s10, $0x1;
	s10 =	sld [smem:$0x3FBB];
	_ =	sdelay $0x3  }
0x34: {  	[smem:$0x3FBB] =	sst s10  }
0x35: {  	s10 =	sld [smem:$0x3FBA];
	_ =	sdelay $0x3  }
0x36: {  	p1 =	seq.s32 s10, $0x1;
	s10 =	sld [smem:$0x3FBB];
	_ =	sdelay $0x3  }
0x37: {  	[smem:$0x3FBB] =	sst s10  }
0x38: {  	s10 =	sld [smem:$0x3FBC]  }
0x39: {  	_ = 	snop;
	(pc) =	sbr.ind lr, $3  }
0x3a: {  	_ = 	snop  }
0x3b: {  	_ = 	snop  }
0x3c: {  	p2 =	seq.s32 s10, $0x1;
	s10 =	sld [smem:$0x3FBB]  }
0x3d: {  	_ =	shalt  }
0x3e: {  	_ =	shalt  }
0x3f: {  	_ =	shalt  }
0x40: {  	_ =	shalt  }
0x41: {  	_ =	shalt  }
0x42: {  	_ =	shalt  }
0x43: {  	_ =	shalt  }
0x44: {  	_ =	shalt  }
0x45: {  	_ =	shalt  }
0x46: {  	_ =	shalt  }
0x47: {  	_ =	shalt  }
0x48: {  	_ =	shalt  }
0x49: {  	_ =	shalt  }
0x4a: {  	_ =	shalt  }
0x4b: {  	_ =	shalt  }
0x4c: {  	_ =	shalt  }
0x4d: {  	_ =	shalt  }
0x4e: {  	_ =	shalt  }
0x4f: {  	_ =	shalt  }
0x50: {  	_ =	shalt  }
0x51: {  	_ =	shalt  }
0x52: {  	_ =	shalt  }
0x53: {  	_ =	shalt  }
0x54: {  	_ =	shalt  }
0x55: {  	_ =	shalt  }
0x56: {  	_ =	shalt  }
0x57: {  	_ =	shalt  }
0x58: {  	_ =	shalt  }
0x59: {  	_ =	shalt  }
0x5a: {  	_ =	shalt  }
0x5b: {  	_ =	shalt  }
0x5c: {  	_ =	shalt  }
0x5d: {  	_ =	shalt  }
0x5e: {  	_ =	shalt  }
0x5f: {  	_ =	shalt  }
0x60: {  	_ =	shalt  }
0x61: {  	_ =	shalt  }
0x62: {  	_ =	shalt  }
0x63: {  	_ =	shalt  }
0x64: {  	_ =	shalt  }
0x65: {  	_ =	shalt  }
0x66: {  	_ =	shalt  }
0x67: {  	_ =	shalt  }
0x68: {  	_ =	shalt  }
0x69: {  	_ =	shalt  }
0x6a: {  	_ =	shalt  }
0x6b: {  	_ =	shalt  }
0x6c: {  	_ =	shalt  }
0x6d: {  	_ =	shalt  }
0x6e: {  	_ =	shalt  }
0x6f: {  	_ =	shalt  }
0x70: {  	_ =	shalt  }
0x71: {  	_ =	shalt  }
0x72: {  	_ =	shalt  }
0x73: {  	_ =	shalt  }
0x74: {  	_ =	shalt  }
0x75: {  	_ =	shalt  }
0x76: {  	_ =	shalt  }
0x77: {  	_ =	shalt  }
0x78: {  	_ =	shalt  }
0x79: {  	_ =	shalt  }
0x7a: {  	_ =	shalt  }
0x7b: {  	_ =	shalt  }
0x7c: {  	_ =	shalt  }
0x7d: {  	_ =	shalt  }
0x7e: {  	_ =	shalt  }
0x7f: {  	_ =	shalt  }
0x80: {  	_ =	shalt  }
0x81: {  	_ =	shalt  }
0x82: {  	_ =	shalt  }
0x83: {  	_ =	shalt  }
0x84: {  	_ =	shalt  }
0x85: {  	_ =	shalt  }
0x86: {  	_ =	shalt  }
0x87: {  	_ =	shalt  }
.Lfunc_end0:
.L_simem_size_0:
called_computation_lowered:
.L_overlay_start_0:
0x88: {  	s2 =	sld [smem:$0x3FD9]  }
0x89: {  	s3 =	sld [smem:$0x3FFE];
	_ =	sdelay $0x1  }
0x8a: {  	s1 =	srdreg.scid  }
0x8b: {  	s0 =	sand.u32 $0x1, s1  }
0x8c: {  	s17 =	sshll.u32 s0, $0xA;
	s2 =	sadd.s32 s3, s2  }
0x8d: {  	s2 =	sadd.s32 s2, s17  }
0x8e: {  	[smem:$0x3FC7] =	sst s2  }
0x8f: {  	_ = 	snop  }
0x90: {  	s2 =	sld [smem:$0x3FD0];
	(tm) =	ssettm $0x1  }
0x91: {  	s18 =	sld [smem:$0x3FFB];
	_ =	sdelay $0x3  }
0x92: {  	_ =	strace s18  }
0x93: {  	s3 =	sld [smem:$0x3FFC];
	_ =	sdelay $0x3  }
0x94: {  	_ =	strace s3  }
0x95: {  	s3 =	sld [smem:$0x3FFD];
	_ =	sdelay $0x3  }
0x96: {  	_ =	strace s3  }
0x97: {  	_ =	strace $0x8FFFFFFF  }
0x98: {  	s19 =	sld [smem:$0x3FDB];
	_ =	sdelay $0x1  }
0x99: {  	s4 =	simm.s32 $_scs_section_size  }
0x9a: {  	s5 =	simm.s32 $_size__tile_overlayer_lowered;
	s6 =	simm.s32 $_tile_overlayer_lowered  }
0x9b: {  	s22 =	simm.s32 $0x1BFF;
	s21 =	sshll.u32 s6, $0x1;
	s3 =	sadd.s32 s4, s19  }
0x9c: {  	s7 =	simm.s32 $0x0;
	s20 =	sshll.u32 s5, $0x1;
	s5 =	sadd.s32 s21, s3  }
0x9d: {  	[timem:s7], [sflag:s22] =	dma.local [hbm:s5], s20  }
0x9e: {  	_ =	swait.ge [sflag:s22], s20  }
0x9f: {  	s4 =	ssub.s32 $0x0, s20;
	[sflag:s22] =	ssyncset.done $0x0  }
0xa0: {  	[sflag:s22] =	ssyncadd.s32 s4;
	_ =	sdelay $0x1  }
0xa1: {  	s23 =	simm.s32 $0x1B8B  }
0xa2: {  	_ =	swait.ge [sflag:s23], $0x1  }
0xa3: {  	[sflag:s23] =	ssyncset.done $0x0  }
0xa4: {  	s25 =	simm.s32 $0x1B8E;
	s24 =	sld [smem:$0x3FFE];
	[sflag:s23] =	ssyncadd.s32 $0xFFFFFFFF  }
0xa5: {  	s26 =	simm.s32 $execute0_lowered;
	[smem:$0x3FD2] =	sst s25  }
0xa6: {  	s5 =	sshll.u32 s26, $0x1;
	_ =	strace $0x80000046;
	[dreg:$0x1] =	wrdreg $0xFFFFFFFF  }
0xa7: {  	s28 =	simm.s32 $_size_execute0_lowered;
	s3 =	sadd.s32 s3, s5;
	[dreg:$0x0] =	wrdreg $0x0  }
0xa8: {  	s5 =	sshll.u32 s28, $0x1;
	[dreg:$0x2] =	wrdreg s3  }
0xa9: {  	[dreg:$0x3] =	wrdreg s5  }
0xaa: {  	[dreg:$0x4] =	wrdreg $0xC0  }
0xab: {  	_ =	task [dreg:s7], $0x5FFFF  }
0xac: {  	[dreg:$0x1] =	wrdreg $0xFFFFFFFF  }
0xad: {  	[dreg:$0x0] =	wrdreg $0x60  }
0xae: {  	[dreg:$0x2] =	wrdreg s24  }
0xaf: {  	[dreg:$0x3] =	wrdreg s2  }
0xb0: {  	[dreg:$0x4] =	wrdreg $0x9  }
0xb1: {  	_ =	task.clear_ibuf [dreg:s7], $0x5FFFF;
	_ =	strace $0x90000046  }
0xb2: {  	s29 =	simm.s32 $0x9;
	_ =	strace $0x80000048  }
0xb3: {  	_ =	swait.ge [sflag:s29], $0x1  }
0xb4: {  	[sflag:s29] =	ssyncadd.s32 $0xFFFFFFFF  }
0xb5: {  	_ =	strace $0x90000048  }
0xb6: {  	_ =	sfence  }
0xb7: {  	s30 =	sld [smem:$0x0];
	_ =	sdelay $0x2  }
0xb8: {  	s31 =	sshll.u32 s1, $0xD;
	s1 =	sshrl.u32 s1, $0x2  }
0xb9: {  	s3 =	sand.u32 $0x4000, s31;
	s1 =	sadd.s32 s1, s30  }
0xba: {  	s0 =	sor.u32 s3, s0;
	s1 =	sshll.u32 s1, $0x11  }
0xbb: {  	s0 =	sor.u32 s1, s0  }
0xbc: {  	s0 =	sadd.s32 $0x8F2B, s0  }
0xbd: {  	[sflag:s0] =	ssyncadd.remote.s32 $0x1  }
0xbe: {  	_ =	sfence.sel $0xFFFF  }
0xbf: {  	[dreg:$0x0] =	wrdreg $0xFFFFFFFF;
	(pc) =	sbr.abs _section_cstart, $3  }
0xc0: {  	[dreg:$0x1] =	wrdreg $0xFFFFFFFF  }
0xc1: {  	_ =	task.clear_ibuf [dreg:s7], $0x2FFFF;
	_ =	strace $0x9FFFFFFF  }
0xc2: {  	(tm) =	ssettm $0x7FFFFFFF  }
0xc3: {  	_ =	shalt  }
tec
execute0_lowered:
.L_overlay_start_1:
0x0: {  	(tag) =	ssettag $0x1  }
0x1: {  	s0 =	rddreg [dreg:$0x0];
	s20 =	simm.s32 $0x0  }
0x2: {  	[smem:$0x7FF] =	sst s20  }
0x3: {  	s1 =	rddreg [dreg:$0x1];
	v0 =	vimm.f32 $2.000000000e+05;
	_ =	strace $0x80000047  }
0x4: {  	(erf) = vrcp.f32 v0;
	v0 =	vimm.f32 $1.000000000e+08  }
0x5: {  	s2 =	srdreg.scid;
	s3 =	stileid.u32;
	s13 =	simm.s32 $0x3;
	(erf) = vrcp.f32 v0  }
0x6: {  	s14 =	simm.s32 $0x200;
	s15 =	simm.s32 $0x400;
	s16 =	simm.s32 $0x8400  }
0x7: {  	s17 =	simm.s32 $0x1;
	s18 =	simm.s32 $0x2;
	s2 =	sand.u32 $0x1, s2  }
0x8: {  	s3 =	sshll.u32 s3, $0xA;
	s4 =	sshll.u32 s2, $0x9;
	s2 =	ssub.s32 $0x2, s2  }
0x9: {  	s19 =	simm.s32 $0x0;
	s3 =	sor.u32 s4, s3;
	s30 =	sshrl.u32 s2, $0x1  }
0xa: {  	s5 =	sshrl.u32 s3, $0x3;
	s6 =	sshll.u32 s3, $0x6;
	s2 =	ssub.s32 s2, s30  }
0xb: {  	s0 =	sadd.s32 s0, s5;
	s4 =	sadd.s32 s1, s6;
	s12 =	smax.u32 s2, $0x1  }
0xc: {  	[dreg:$0x3] =	wrdreg s0;
	s31 =	sadd.s32 $0x1000, s4;
	s6 =	sadd.s32 $0x2000, s4  }
0xd: {  	s7 =	sadd.s32 $0x3000, s4;
	s8 =	sadd.s32 $0x4000, s4;
	s9 =	sadd.s32 $0x5000, s4;
	v0 =	vpop (erf)  }
0xe: {  	v2 =	vimm.s32 $0x0;
	s10 =	sadd.s32 $0x6000, s4;
	s11 =	sadd.s32 $0x7000, s4;
	[dreg:$0x4] =	wrdreg s31;
	v1 =	vpop (erf)  }
.LBB2_1:
0xf: {  	s0 =	rddreg [dreg:$0x3]  }
0x10: {  	[tilespmem:s20], [sflag:$0x3] =	stream.linear.gather [hbm4b:s0+s20], $0x200, $0x38;
	[tilespmem:$0x10400] =	vst v63  }
0x11: {  	_ =	swait.ge [sflag:s13], $0x200  }
0x12: {  	[sflag:s13] =	ssyncset.done $0x0  }
0x13: {  	s20 =	simm.s32 $0x0;
	[sflag:s13] =	ssyncadd.s32 $0xFFFFFE00  }
0x14: {  	v5 =	vld [tilespmem:s20+$0x0];
	_ =	sdelay $0x4  }
0x15: {  	v3 =	vadd.f32 $1.000000000e+05, v5;
	_ =	sdelay $0x1  }
0x16: {  	v3 =	vmul.f32 v3, v0;
	_ =	sdelay $0x1  }
0x17: {  	v3 =	vmul.f32 $1.000000000e+08, v3;
	_ =	sdelay $0x1  }
0x18: {  	v3 =	vtrunc.f32 v3  }
0x19: {  	v3 =	vcvt.f32.s32 v3;
	_ =	sdelay $0x1  }
0x1a: {  	v3 =	vadd.s32 $0xFFFFFFE0, v3  }
0x1b: {  	vm0 =	vgt.s32 v3, $0x0  }
0x1c: {  	v3 =	vnsel vm0, $0x0, v3  }
0x1d: {  	v8 =	vmin.u32 v3, $0x5F5E0C0  }
0x1e: {  	v3 =	vadd.s32 $0x1F, v8  }
0x1f: {  	s21 =	simm.s32 $0x10;
	v4 =	vcvt.s32.f32 v3  }
0x20: {  	v3 =	vld [tilespmem:s21+$0x0]  }
0x21: {  	v4 =	vmul.f32 v4, v1;
	_ =	sdelay $0x1  }
0x22: {  	v6 =	vsub.f32 $1.000000000e+00, v4;
	_ =	sdelay $0x1  }
0x23: {  	v4 =	vmul.f32 $1.000000000e+05, v4;
	v7 =	vadd.f32 $1.000000000e+05, v3;
	v6 =	vmul.f32 $1.000000000e+05, v6;
	_ =	sdelay $0x1  }
0x24: {  	v4 =	vsub.f32 v4, v6;
	v6 =	vmul.f32 v7, v0;
	_ =	sdelay $0x1  }
0x25: {  	vm0 =	vlt.f32 v4, v5;
	v4 =	vmul.f32 $1.000000000e+08, v6  }
0x26: {  	v6 =	vsel vm0, $0x20, v2  }
0x27: {  	v7 =	vadd.s32 v6, v8;
	v4 =	vtrunc.f32 v4  }
0x28: {  	v7 =	vadd.s32 $0xF, v7;
	v4 =	vcvt.f32.s32 v4  }
0x29: {  	v7 =	vcvt.s32.f32 v7  }
0x2a: {  	v4 =	vadd.s32 $0xFFFFFFE0, v4  }
0x2b: {  	v7 =	vmul.f32 v7, v1;
	vm0 =	vgt.s32 v4, $0x0  }
0x2c: {  	v4 =	vnsel vm0, $0x0, v4  }
0x2d: {  	v9 =	vsub.f32 $1.000000000e+00, v7;
	v12 =	vmin.u32 v4, $0x5F5E0C0  }
0x2e: {  	v4 =	vmul.f32 $1.000000000e+05, v7;
	v7 =	vadd.s32 $0x1F, v12  }
0x2f: {  	v9 =	vmul.f32 $1.000000000e+05, v9;
	v7 =	vcvt.s32.f32 v7;
	_ =	sdelay $0x1  }
0x30: {  	v4 =	vsub.f32 v4, v9;
	v7 =	vmul.f32 v7, v1;
	_ =	sdelay $0x1  }
0x31: {  	vm0 =	vlt.f32 v4, v5;
	v4 =	vsub.f32 $1.000000000e+00, v7  }
0x32: {  	s22 =	simm.s32 $0x20;
	v9 =	vor.u32 $0x10, v6  }
0x33: {  	v7 =	vmul.f32 $1.000000000e+05, v7;
	v6 =	vsel vm0, v9, v6;
	v10 =	vmul.f32 $1.000000000e+05, v4;
	v4 =	vld [tilespmem:s22+$0x0]  }
0x34: {  	v9 =	vadd.s32 v6, v8  }
0x35: {  	v9 =	vadd.s32 $0x7, v9;
	v7 =	vsub.f32 v7, v10  }
0x36: {  	v11 =	vcvt.s32.f32 v9  }
0x37: {  	vm0 =	vlt.f32 v7, v3  }
0x38: {  	v10 =	vmul.f32 v11, v1;
	v11 =	vsel vm0, $0x20, v2;
	v7 =	vadd.f32 $1.000000000e+05, v4  }
0x39: {  	v14 =	vadd.s32 v11, v12  }
0x3a: {  	v13 =	vsub.f32 $1.000000000e+00, v10;
	v14 =	vadd.s32 $0xF, v14;
	v7 =	vmul.f32 v7, v0  }
0x3b: {  	v10 =	vmul.f32 $1.000000000e+05, v10;
	v14 =	vcvt.s32.f32 v14  }
0x3c: {  	v13 =	vmul.f32 $1.000000000e+05, v13;
	v7 =	vmul.f32 $1.000000000e+08, v7  }
0x3d: {  	v14 =	vmul.f32 v14, v1  }
0x3e: {  	v10 =	vsub.f32 v10, v13;
	v7 =	vtrunc.f32 v7  }
0x3f: {  	vm0 =	veq.s32 v9, $0x5F5E0FF;
	v9 =	vsub.f32 $1.000000000e+00, v14;
	v7 =	vcvt.f32.s32 v7  }
0x40: {  	v10 =	vsel vm0, $0x47C35000, v10  }
0x41: {  	v13 =	vmul.f32 $1.000000000e+05, v14;
	v9 =	vmul.f32 $1.000000000e+05, v9;
	v7 =	vadd.s32 $0xFFFFFFE0, v7  }
0x42: {  	vm0 =	vlt.f32 v10, v5;
	v10 =	vor.u32 $0x8, v6;
	vm1 =	vgt.s32 v7, $0x0  }
0x43: {  	v10 =	vsel vm0, v10, v6;
	v6 =	vsub.f32 v13, v9;
	v7 =	vnsel vm1, $0x0, v7  }
0x44: {  	v7 =	vmin.u32 v7, $0x5F5E0C0  }
0x45: {  	v9 =	vadd.s32 v10, v8;
	vm0 =	vlt.f32 v6, v3;
	v6 =	vadd.s32 $0x1F, v7  }
0x46: {  	v13 =	vor.u32 $0x10, v11;
	v9 =	vadd.s32 $0x3, v9;
	v6 =	vcvt.s32.f32 v6  }
0x47: {  	v11 =	vsel vm0, v13, v11;
	v13 =	vcvt.s32.f32 v9  }
0x48: {  	v14 =	vadd.s32 v11, v12;
	v6 =	vmul.f32 v6, v1  }
0x49: {  	v14 =	vadd.s32 $0x7, v14;
	v13 =	vmul.f32 v13, v1  }
0x4a: {  	v15 =	vcvt.s32.f32 v14;
	v16 =	vsub.f32 $1.000000000e+00, v6  }
0x4b: {  	v17 =	vsub.f32 $1.000000000e+00, v13;
	v6 =	vmul.f32 $1.000000000e+05, v6  }
0x4c: {  	v15 =	vmul.f32 v15, v1;
	v16 =	vmul.f32 $1.000000000e+05, v16  }
0x4d: {  	v13 =	vmul.f32 $1.000000000e+05, v13;
	v17 =	vmul.f32 $1.000000000e+05, v17  }
0x4e: {  	v18 =	vsub.f32 $1.000000000e+00, v15;
	v6 =	vsub.f32 v6, v16  }
0x4f: {  	s23 =	simm.s32 $0x30;
	vm0 =	veq.s32 v9, $0x5F5E0FF;
	v9 =	vsub.f32 v13, v17  }
0x50: {  	v15 =	vmul.f32 $1.000000000e+05, v15;
	v13 =	vmul.f32 $1.000000000e+05, v18;
	vm1 =	vlt.f32 v6, v4;
	v6 =	vld [tilespmem:s23+$0x0]  }
0x51: {  	v9 =	vsel vm0, $0x47C35000, v9;
	v16 =	vsel vm1, $0x20, v2  }
0x52: {  	vm0 =	veq.s32 v14, $0x5F5E0FF;
	v13 =	vsub.f32 v15, v13;
	v14 =	vadd.s32 v16, v7  }
0x53: {  	vm1 =	vlt.f32 v9, v5;
	v9 =	vor.u32 $0x4, v10;
	v14 =	vadd.s32 $0xF, v14  }
0x54: {  	v10 =	vsel vm1, v9, v10;
	v9 =	vsel vm0, $0x47C35000, v13;
	v13 =	vcvt.s32.f32 v14  }
0x55: {  	vm0 =	vlt.f32 v9, v3;
	v9 =	vor.u32 $0x8, v11;
	v14 =	vadd.f32 $1.000000000e+05, v6  }
0x56: {  	v15 =	vadd.s32 v10, v8;
	v11 =	vsel vm0, v9, v11;
	v9 =	vmul.f32 v13, v1  }
0x57: {  	v13 =	vadd.s32 $0x1, v15;
	v15 =	vadd.s32 v11, v12;
	v14 =	vmul.f32 v14, v0  }
0x58: {  	v15 =	vadd.s32 $0x3, v15;
	v18 =	vsub.f32 $1.000000000e+00, v9  }
0x59: {  	v19 =	vcvt.s32.f32 v15;
	v14 =	vmul.f32 $1.000000000e+08, v14  }
0x5a: {  	v9 =	vmul.f32 $1.000000000e+05, v9;
	v18 =	vmul.f32 $1.000000000e+05, v18  }
0x5b: {  	v20 =	vor.u32 $0x10, v16;
	v17 =	vcvt.s32.f32 v13;
	v14 =	vtrunc.f32 v14  }
0x5c: {  	v19 =	vmul.f32 v19, v1;
	v14 =	vcvt.f32.s32 v14;
	v9 =	vsub.f32 v9, v18  }
0x5d: {  	vm0 =	veq.s32 v13, $0x5F5E0FF;
	v17 =	vmul.f32 v17, v1;
	v18 =	vadd.s32 $0x2, v10  }
0x5e: {  	v13 =	vsub.f32 $1.000000000e+00, v19;
	v14 =	vadd.s32 $0xFFFFFFE0, v14;
	vm1 =	vlt.f32 v9, v4  }
0x5f: {  	v19 =	vmul.f32 $1.000000000e+05, v19;
	vm2 =	vgt.s32 v14, $0x0;
	v16 =	vsel vm1, v20, v16  }
0x60: {  	v13 =	vmul.f32 $1.000000000e+05, v13;
	v9 =	vnsel vm2, $0x0, v14;
	v14 =	vadd.s32 v16, v7  }
0x61: {  	v20 =	vsub.f32 $1.000000000e+00, v17;
	v9 =	vmin.u32 v9, $0x5F5E0C0;
	v14 =	vadd.s32 $0x7, v14  }
0x62: {  	v13 =	vsub.f32 v19, v13;
	v19 =	vadd.s32 $0x1F, v9;
	v21 =	vcvt.s32.f32 v14  }
0x63: {  	v17 =	vmul.f32 $1.000000000e+05, v17;
	vm1 =	veq.s32 v15, $0x5F5E0FF;
	v15 =	vcvt.s32.f32 v19  }
0x64: {  	v13 =	vsel vm1, $0x47C35000, v13;
	v19 =	vmul.f32 $1.000000000e+05, v20;
	v20 =	vmul.f32 v21, v1  }
0x65: {  	vm1 =	vlt.f32 v13, v3;
	v13 =	vor.u32 $0x4, v11;
	v15 =	vmul.f32 v15, v1  }
0x66: {  	v17 =	vsub.f32 v17, v19;
	v19 =	vsel vm1, v13, v11;
	v11 =	vsub.f32 $1.000000000e+00, v20  }
0x67: {  	v21 =	vadd.s32 v19, v12;
	v20 =	vmul.f32 $1.000000000e+05, v20;
	v13 =	vsub.f32 $1.000000000e+00, v15  }
0x68: {  	v15 =	vmul.f32 $1.000000000e+05, v15;
	v17 =	vsel vm0, $0x47C35000, v17;
	v21 =	vadd.s32 $0x1, v21  }
0x69: {  	v11 =	vmul.f32 $1.000000000e+05, v11;
	vm0 =	vlt.f32 v17, v5;
	v13 =	vmul.f32 $1.000000000e+05, v13  }
0x6a: {  	v17 =	vcvt.s32.f32 v21;
	v10 =	vsel vm0, v18, v10  }
0x6b: {  	s24 =	simm.s32 $0x40;
	v11 =	vsub.f32 v20, v11;
	v10 =	vadd.s32 v8, v10;
	v13 =	vsub.f32 v15, v13  }
0x6c: {  	vm0 =	veq.s32 v14, $0x5F5E0FF;
	v8 =	vld [tilespmem:s24+$0x0];
	v15 =	vcvt.s32.f32 v10  }
0x6d: {  	v14 =	vmul.f32 v17, v1;
	v11 =	vsel vm0, $0x47C35000, v11;
	vm0 =	vlt.f32 v13, v6  }
0x6e: {  	vm1 =	vlt.f32 v11, v4;
	v11 =	vor.u32 $0x8, v16;
	v13 =	vmul.f32 v15, v1  }
0x6f: {  	v11 =	vsel vm1, v11, v16;
	v15 =	vsel vm0, $0x20, v2;
	vm1 =	veq.s32 v21, $0x5F5E0FF  }
0x70: {  	v21 =	vmul.f32 $1.000000000e+05, v14;
	v14 =	vsub.f32 $1.000000000e+00, v14;
	v16 =	vadd.s32 v11, v7  }
0x71: {  	v18 =	vadd.s32 v15, v9;
	v20 =	vadd.f32 $1.000000000e+05, v8;
	v22 =	vsub.f32 $1.000000000e+00, v13  }
0x72: {  	v13 =	vmul.f32 $1.000000000e+05, v13;
	v18 =	vadd.s32 $0xF, v18;
	v14 =	vmul.f32 $1.000000000e+05, v14  }
0x73: {  	v16 =	vadd.s32 $0x3, v16;
	v18 =	vcvt.s32.f32 v18;
	v20 =	vmul.f32 v20, v0  }
0x74: {  	v17 =	vadd.s32 $0x2, v19;
	v22 =	vmul.f32 $1.000000000e+05, v22;
	v24 =	vcvt.s32.f32 v16  }
0x75: {  	vm0 =	veq.s32 v10, $0x5F5E0FF;
	v18 =	vmul.f32 v18, v1;
	v20 =	vmul.f32 $1.000000000e+08, v20  }
0x76: {  	v23 =	vor.u32 $0x10, v15;
	v14 =	vsub.f32 v21, v14;
	v13 =	vsub.f32 v13, v22  }
0x77: {  	v24 =	vmul.f32 v24, v1;
	v22 =	vsub.f32 $1.000000000e+00, v18;
	v20 =	vtrunc.f32 v20  }
0x78: {  	v14 =	vsel vm1, $0x47C35000, v14;
	v13 =	vsel vm0, $0x47C35000, v13;
	v20 =	vcvt.f32.s32 v20  }
0x79: {  	v18 =	vmul.f32 $1.000000000e+05, v18;
	vm2 =	vlt.f32 v13, v5;
	v13 =	vmul.f32 $1.000000000e+05, v22  }
0x7a: {  	vm0 =	veq.s32 v16, $0x5F5E0FF;
	v16 =	vsub.f32 $1.000000000e+00, v24;
	v20 =	vadd.s32 $0xFFFFFFE0, v20  }
0x7b: {  	v22 =	vsel vm2, $0x1, v2;
	vm2 =	vgt.s32 v20, $0x0;
	v18 =	vsub.f32 v18, v13  }
0x7c: {  	v24 =	vmul.f32 $1.000000000e+05, v24;
	vm1 =	vlt.f32 v14, v3;
	v13 =	vnsel vm2, $0x0, v20  }
0x7d: {  	v16 =	vmul.f32 $1.000000000e+05, v16;
	v13 =	vmin.u32 v13, $0x5F5E0C0;
	vm2 =	vlt.f32 v18, v6  }
0x7e: {  	v10 =	vadd.s32 v22, v10;
	v22 =	vadd.s32 $0x1F, v13;
	v18 =	vsel vm2, v23, v15  }
0x7f: {  	v16 =	vsub.f32 v24, v16;
	v15 =	vcvt.s32.f32 v22;
	v22 =	vadd.s32 v18, v9  }
0x80: {  	v17 =	vsel vm1, v17, v19;
	v20 =	vcvt.s32.f32 v10;
	v22 =	vadd.s32 $0x7, v22  }
0x81: {  	v23 =	vsel vm0, $0x47C35000, v16;
	v15 =	vmul.f32 v15, v1;
	v63 =	vcvt.s32.f32 v22  }
0x82: {  	vm2 =	vlt.f32 v23, v4;
	vm0 =	veq.s32 v22, $0x5F5E0FF;
	v22 =	vor.u32 $0x4, v11  }
0x83: {  	v11 =	vsel vm2, v22, v11;
	v21 =	vsub.f32 $1.000000000e+00, v15;
	v23 =	vmul.f32 v63, v1  }
0x84: {  	v20 =	vmul.f32 v20, v1;
	v22 =	vmul.f32 $1.000000000e+05, v15;
	v15 =	vadd.s32 v11, v7  }
0x85: {  	v15 =	vadd.s32 $0x1, v15;
	v21 =	vmul.f32 $1.000000000e+05, v21;
	v24 =	vsub.f32 $1.000000000e+00, v23  }
0x86: {  	v16 =	vmul.f32 $1.000000000e+05, v20;
	v20 =	vsub.f32 $1.000000000e+00, v20;
	v25 =	vcvt.s32.f32 v15  }
0x87: {  	v23 =	vmul.f32 $1.000000000e+05, v23;
	v21 =	vsub.f32 v22, v21;
	v22 =	vmul.f32 $1.000000000e+05, v24  }
0x88: {  	v12 =	vadd.s32 v12, v17;
	v19 =	vmul.f32 $1.000000000e+05, v20  }
0x89: {  	s25 =	simm.s32 $0x140;
	v14 =	vmul.f32 v25, v1;
	vm1 =	vlt.f32 v21, v8;
	v20 =	vsub.f32 v23, v22  }
.LBB2_2:
0x8a: {  	s0 =	sshra.s32 s25, $0x2;
	p0 =	sne.s32 s25, $0x7C0;
	s25 =	sadd.s32 $0x40, s25;
	v21 =	vcvt.s32.f32 v12;
	v17 =	vmov v9;
	v9 =	vmov v13  }
0x8b: {  	v16 =	vsub.f32 v16, v19;
	v13 =	vld [tilespmem:s0+$0x0];
	v20 =	vsel vm0, $0x47C35000, v20;
	vm0 =	veq.s32 v10, $0x5F5E0FF  }
0x8c: {  	v19 =	vor.u32 $0x8, v18;
	vm2 =	vlt.f32 v20, v6;
	v20 =	vmul.f32 v21, v1  }
0x8d: {  	v21 =	vadd.s32 $0x2, v11;
	v16 =	vsel vm0, $0x47C35000, v16;
	v19 =	vsel vm2, v19, v18  }
0x8e: {  	v18 =	vsel vm1, $0x20, v2;
	vm0 =	vlt.f32 v16, v5;
	v5 =	vmovc v3;
	v3 =	vmovc v4;
	v22 =	vadd.s32 v19, v17  }
0x8f: {  	v4 =	vmovc v6;
	v6 =	vmovc v8;
	v16 =	vadd.s32 v18, v9;
	v23 =	vor.u32 $0x10, v18;
	v24 =	vsel vm0, $0x1, v2  }
0x90: {  	v26 =	vsub.f32 $1.000000000e+00, v20;
	v16 =	vadd.s32 $0xF, v16;
	v25 =	vadd.f32 $1.000000000e+05, v13;
	v8 =	vmovc v13  }
0x91: {  	v10 =	vadd.s32 v24, v10;
	v13 =	vcvt.s32.f32 v16;
	v16 =	vmul.f32 $1.000000000e+05, v20  }
0x92: {  	v22 =	vadd.s32 $0x3, v22;
	v24 =	vmul.f32 $1.000000000e+05, v26;
	v20 =	vmul.f32 v25, v0;
	[tilespmem:s20+$0x200] =	vst v10;
	s20 =	smov.u32 s21;
	s21 =	smov.u32 s22;
	s22 =	smov.u32 s23  }
0x93: {  	vm1 =	veq.s32 v15, $0x5F5E0FF;
	v10 =	vmul.f32 v13, v1;
	v13 =	vcvt.s32.f32 v22;
	s23 =	smov.u32 s24;
	s24 =	smov.u32 s0  }
0x94: {  	v16 =	vsub.f32 v16, v24;
	v15 =	vmul.f32 $1.000000000e+08, v20;
	v20 =	vmul.f32 $1.000000000e+05, v14  }
0x95: {  	vm0 =	veq.s32 v12, $0x5F5E0FF;
	v24 =	vsub.f32 $1.000000000e+00, v10;
	v25 =	vmul.f32 $1.000000000e+05, v10  }
0x96: {  	v13 =	vmul.f32 v13, v1;
	v10 =	vtrunc.f32 v15;
	v15 =	vsel vm0, $0x47C35000, v16  }
0x97: {  	vm0 =	veq.s32 v22, $0x5F5E0FF;
	v10 =	vcvt.f32.s32 v10;
	vm2 =	vlt.f32 v15, v5  }
0x98: {  	v16 =	vsub.f32 $1.000000000e+00, v13;
	v15 =	vmul.f32 $1.000000000e+05, v24;
	v22 =	vsel vm2, $0x1, v2  }
0x99: {  	v26 =	vmul.f32 $1.000000000e+05, v13;
	v24 =	vadd.s32 $0xFFFFFFE0, v10;
	v10 =	vadd.s32 v22, v12  }
0x9a: {  	v12 =	vsub.f32 v25, v15;
	v15 =	vmul.f32 $1.000000000e+05, v16;
	vm2 =	vgt.s32 v24, $0x0  }
0x9b: {  	v14 =	vsub.f32 $1.000000000e+00, v14;
	v16 =	vcvt.s32.f32 v10;
	v13 =	vnsel vm2, $0x0, v24  }
0x9c: {  	vm2 =	vlt.f32 v12, v6;
	v12 =	vsub.f32 v26, v15;
	v13 =	vmin.u32 v13, $0x5F5E0C0  }
0x9d: {  	v18 =	vsel vm2, v23, v18;
	v22 =	vmul.f32 v16, v1;
	v15 =	vadd.s32 $0x1F, v13  }
0x9e: {  	v14 =	vmul.f32 $1.000000000e+05, v14;
	v16 =	vadd.s32 v18, v9;
	v15 =	vcvt.s32.f32 v15  }
0x9f: {  	v12 =	vsel vm0, $0x47C35000, v12;
	v23 =	vadd.s32 $0x7, v16;
	v16 =	vmul.f32 $1.000000000e+05, v22  }
0xa0: {  	v24 =	vcvt.s32.f32 v23;
	vm0 =	veq.s32 v23, $0x5F5E0FF;
	v15 =	vmul.f32 v15, v1  }
0xa1: {  	v14 =	vsub.f32 v20, v14;
	vm2 =	vlt.f32 v12, v4;
	v12 =	vor.u32 $0x4, v19  }
0xa2: {  	v12 =	vsel vm2, v12, v19;
	v23 =	vmul.f32 v24, v1;
	v20 =	vsub.f32 $1.000000000e+00, v15  }
0xa3: {  	v14 =	vsel vm1, $0x47C35000, v14;
	v19 =	vmul.f32 $1.000000000e+05, v15;
	v15 =	vadd.s32 v12, v17  }
.Ltmp0:
0xa4: {  	v24 =	vsub.f32 $1.000000000e+00, v23;
	v15 =	vadd.s32 $0x1, v15;
	v20 =	vmul.f32 $1.000000000e+05, v20;
	(pc) =	sbr.rel @p0 .LBB2_2-.Ltmp0, $4  }
0xa5: {  	vm1 =	vlt.f32 v14, v3;
	v22 =	vsub.f32 $1.000000000e+00, v22;
	v25 =	vcvt.s32.f32 v15  }
0xa6: {  	v23 =	vmul.f32 $1.000000000e+05, v23;
	v24 =	vmul.f32 $1.000000000e+05, v24;
	v20 =	vsub.f32 v19, v20  }
0xa7: {  	v21 =	vsel vm1, v21, v11;
	v11 =	vmovc v12;
	v14 =	vmul.f32 v25, v1;
	v19 =	vmul.f32 $1.000000000e+05, v22  }
0xa8: {  	v12 =	vadd.s32 v7, v21;
	v7 =	vmovc v17;
	vm1 =	vlt.f32 v20, v8;
	v20 =	vsub.f32 v23, v24  }
0xa9: {  	v17 =	vsel vm1, $0x20, v2  }
0xaa: {  	v21 =	vadd.s32 v17, v13  }
0xab: {  	v21 =	vadd.s32 $0xF, v21  }
0xac: {  	v21 =	vcvt.s32.f32 v21;
	_ =	sdelay $0x1  }
0xad: {  	v21 =	vmul.f32 v21, v1;
	_ =	sdelay $0x1  }
0xae: {  	v22 =	vsub.f32 $1.000000000e+00, v21;
	_ =	sdelay $0x1  }
0xaf: {  	v21 =	vmul.f32 $1.000000000e+05, v21;
	v22 =	vmul.f32 $1.000000000e+05, v22;
	_ =	sdelay $0x1  }
0xb0: {  	v21 =	vsub.f32 v21, v22;
	_ =	sdelay $0x1  }
0xb1: {  	v39 =	vor.u32 $0x10, v17;
	vm5 =	vlt.f32 v21, v8  }
0xb2: {  	v17 =	vsel vm5, v39, v17  }
0xb3: {  	v40 =	vadd.s32 v17, v13  }
0xb4: {  	v21 =	vadd.s32 $0x7, v40  }
0xb5: {  	v41 =	vcvt.s32.f32 v21;
	_ =	sdelay $0x1  }
0xb6: {  	v22 =	vmul.f32 v41, v1;
	_ =	sdelay $0x1  }
0xb7: {  	v23 =	vsub.f32 $1.000000000e+00, v22;
	_ =	sdelay $0x1  }
0xb8: {  	v22 =	vmul.f32 $1.000000000e+05, v22;
	v23 =	vmul.f32 $1.000000000e+05, v23;
	_ =	sdelay $0x1  }
0xb9: {  	v22 =	vsub.f32 v22, v23  }
0xba: {  	v20 =	vsel vm0, $0x47C35000, v20;
	vm6 =	veq.s32 v21, $0x5F5E0FF  }
0xbb: {  	v42 =	vor.u32 $0x8, v18;
	vm7 =	vlt.f32 v20, v6;
	v21 =	vsel vm6, $0x47C35000, v22  }
0xbc: {  	v18 =	vsel vm7, v42, v18;
	v43 =	vor.u32 $0x8, v17;
	vm0 =	vlt.f32 v21, v8  }
0xbd: {  	v44 =	vadd.s32 v18, v9;
	v17 =	vsel vm0, v43, v17  }
0xbe: {  	v45 =	vadd.s32 $0x3, v44;
	v46 =	vadd.s32 v17, v13  }
0xbf: {  	v47 =	vcvt.s32.f32 v45;
	v21 =	vadd.s32 $0x3, v46  }
0xc0: {  	v48 =	vcvt.s32.f32 v21  }
0xc1: {  	v22 =	vmul.f32 v47, v1  }
0xc2: {  	v23 =	vmul.f32 v48, v1  }
0xc3: {  	v25 =	vsub.f32 $1.000000000e+00, v22  }
0xc4: {  	v24 =	vcvt.s32.f32 v12;
	v26 =	vsub.f32 $1.000000000e+00, v23  }
0xc5: {  	v22 =	vmul.f32 $1.000000000e+05, v22;
	v25 =	vmul.f32 $1.000000000e+05, v25  }
0xc6: {  	v23 =	vmul.f32 $1.000000000e+05, v23;
	v26 =	vmul.f32 $1.000000000e+05, v26  }
0xc7: {  	v55 =	vmul.f32 $1.000000000e+05, v14;
	v57 =	vsub.f32 $1.000000000e+00, v14;
	v22 =	vsub.f32 v22, v25  }
0xc8: {  	vm12 =	veq.s32 v15, $0x5F5E0FF;
	vm8 =	veq.s32 v45, $0x5F5E0FF;
	v23 =	vsub.f32 v23, v26  }
0xc9: {  	v14 =	vmul.f32 $1.000000000e+05, v57;
	vm9 =	veq.s32 v21, $0x5F5E0FF;
	v22 =	vsel vm8, $0x47C35000, v22  }
0xca: {  	v52 =	vor.u32 $0x4, v18;
	vm10 =	vlt.f32 v22, v6;
	v53 =	vsel vm9, $0x47C35000, v23  }
0xcb: {  	v54 =	vor.u32 $0x4, v17;
	v18 =	vsel vm10, v52, v18;
	vm0 =	vlt.f32 v53, v8  }
0xcc: {  	v24 =	vmul.f32 v24, v1;
	v56 =	vadd.s32 v18, v9;
	v17 =	vsel vm0, v54, v17  }
0xcd: {  	v14 =	vsub.f32 v55, v14;
	v58 =	vadd.s32 $0x1, v56;
	v59 =	vadd.s32 v17, v13  }
0xce: {  	v31 =	vadd.s32 $0x2, v11;
	v60 =	vcvt.s32.f32 v58;
	v23 =	vadd.s32 $0x1, v59  }
0xcf: {  	v49 =	vsub.f32 $1.000000000e+00, v24;
	v14 =	vsel vm12, $0x47C35000, v14;
	v61 =	vcvt.s32.f32 v23  }
0xd0: {  	v50 =	vmul.f32 $1.000000000e+05, v24;
	vm13 =	vlt.f32 v14, v4;
	v63 =	vmul.f32 v60, v1  }
0xd1: {  	v51 =	vmul.f32 $1.000000000e+05, v49;
	v11 =	vsel vm13, v31, v11;
	v24 =	vmul.f32 v61, v1  }
0xd2: {  	vm11 =	veq.s32 v12, $0x5F5E0FF;
	v7 =	vadd.s32 v7, v11;
	v26 =	vsub.f32 $1.000000000e+00, v63  }
0xd3: {  	v20 =	vsub.f32 v50, v51;
	v34 =	vcvt.s32.f32 v7;
	v28 =	vsub.f32 $1.000000000e+00, v24  }
0xd4: {  	v16 =	vsub.f32 v16, v19;
	v29 =	vmul.f32 $1.000000000e+05, v63;
	v30 =	vmul.f32 $1.000000000e+05, v26  }
0xd5: {  	v62 =	vsel vm11, $0x47C35000, v20;
	v19 =	vmul.f32 $1.000000000e+05, v24;
	v15 =	vmul.f32 $1.000000000e+05, v28  }
0xd6: {  	v37 =	vmul.f32 v34, v1;
	v35 =	vadd.s32 $0x2, v18;
	v14 =	vsub.f32 v29, v30  }
0xd7: {  	vm14 =	veq.s32 v58, $0x5F5E0FF;
	vm0 =	vlt.f32 v62, v3;
	v33 =	vsub.f32 v19, v15  }
0xd8: {  	v25 =	vsel vm0, $0x1, v2;
	vm15 =	veq.s32 v23, $0x5F5E0FF;
	v14 =	vsel vm14, $0x47C35000, v14  }
0xd9: {  	v36 =	vadd.s32 $0x2, v17;
	vm4 =	vlt.f32 v14, v6;
	v11 =	vsel vm15, $0x47C35000, v33  }
0xda: {  	v27 =	vadd.s32 v25, v12;
	v14 =	vsel vm4, v35, v18;
	vm0 =	vlt.f32 v11, v8  }
0xdb: {  	v32 =	vcvt.s32.f32 v27;
	v38 =	vadd.s32 v9, v14;
	v39 =	vsel vm0, v36, v17  }
0xdc: {  	vm5 =	veq.s32 v10, $0x5F5E0FF;
	v40 =	vcvt.s32.f32 v38;
	v41 =	vadd.s32 v13, v39  }
0xdd: {  	v43 =	vsub.f32 $1.000000000e+00, v37;
	v42 =	vmul.f32 v32, v1;
	v44 =	vcvt.s32.f32 v41  }
0xde: {  	v16 =	vsel vm5, $0x47C35000, v16;
	v15 =	vmul.f32 v40, v1;
	v11 =	vmul.f32 $1.000000000e+05, v37  }
0xdf: {  	vm0 =	vlt.f32 v16, v5;
	v5 =	vmul.f32 $1.000000000e+05, v43;
	v45 =	vmul.f32 v44, v1  }
0xe0: {  	vm6 =	veq.s32 v7, $0x5F5E0FF;
	v47 =	vsub.f32 $1.000000000e+00, v15  }
0xe1: {  	v48 =	vmul.f32 $1.000000000e+05, v42;
	v5 =	vsub.f32 v11, v5;
	v49 =	vsub.f32 $1.000000000e+00, v45  }
0xe2: {  	v14 =	vsub.f32 $1.000000000e+00, v42;
	v15 =	vmul.f32 $1.000000000e+05, v15;
	v18 =	vmul.f32 $1.000000000e+05, v47  }
0xe3: {  	v5 =	vsel vm6, $0x47C35000, v5;
	v16 =	vmul.f32 $1.000000000e+05, v45;
	v11 =	vmul.f32 $1.000000000e+05, v49  }
0xe4: {  	v46 =	vsel vm0, $0x1, v2;
	vm0 =	vlt.f32 v5, v4;
	v5 =	vsub.f32 v15, v18  }
0xe5: {  	vm7 =	veq.s32 v38, $0x5F5E0FF;
	v50 =	vsel vm0, $0x1, v2;
	v11 =	vsub.f32 v16, v11  }
0xe6: {  	vm8 =	veq.s32 v41, $0x5F5E0FF;
	v7 =	vadd.s32 v50, v7;
	v5 =	vsel vm7, $0x47C35000, v5  }
0xe7: {  	v15 =	vcvt.s32.f32 v7;
	vm9 =	vlt.f32 v5, v6;
	v5 =	vsel vm8, $0x47C35000, v11  }
0xe8: {  	v51 =	vmul.f32 $1.000000000e+05, v14;
	v52 =	vsel vm9, $0x1, v2;
	vm0 =	vlt.f32 v5, v8  }
0xe9: {  	v9 =	vadd.s32 v52, v38;
	v5 =	vmul.f32 v15, v1;
	v53 =	vsel vm0, $0x1, v2  }
0xea: {  	v54 =	vcvt.s32.f32 v9;
	v11 =	vsub.f32 v48, v51;
	v13 =	vadd.s32 v53, v41  }
0xeb: {  	vm10 =	veq.s32 v27, $0x5F5E0FF;
	v55 =	vsub.f32 $1.000000000e+00, v5;
	v56 =	vcvt.s32.f32 v13  }
0xec: {  	v15 =	vmul.f32 v54, v1;
	v11 =	vsel vm10, $0x47C35000, v11;
	v5 =	vmul.f32 $1.000000000e+05, v5  }
0xed: {  	vm0 =	vlt.f32 v11, v3;
	v3 =	vmul.f32 $1.000000000e+05, v55;
	v57 =	vmul.f32 v56, v1  }
0xee: {  	v58 =	vadd.s32 v46, v10;
	vm11 =	veq.s32 v7, $0x5F5E0FF;
	v60 =	vsub.f32 $1.000000000e+00, v15  }
0xef: {  	vm12 =	veq.s32 v9, $0x5F5E0FF;
	v3 =	vsub.f32 v5, v3;
	v5 =	vsub.f32 $1.000000000e+00, v57  }
0xf0: {  	v61 =	vmul.f32 $1.000000000e+05, v15;
	v59 =	vsel vm0, $0x1, v2;
	v62 =	vmul.f32 $1.000000000e+05, v60  }
0xf1: {  	s25 =	simm.s32 $0x0;
	v11 =	vmul.f32 $1.000000000e+05, v57;
	v3 =	vsel vm11, $0x47C35000, v3;
	v5 =	vmul.f32 $1.000000000e+05, v5  }
0xf2: {  	vm0 =	vlt.f32 v3, v4;
	v3 =	vsub.f32 v61, v62;
	v4 =	vmov s25  }
0xf3: {  	vm13 =	veq.s32 v13, $0x5F5E0FF;
	v4 =	vand.u32 $0xFFFFFFFE, v4;
	v5 =	vsub.f32 v11, v5  }
0xf4: {  	v12 =	vadd.s32 v59, v27;
	v3 =	vsel vm12, $0x47C35000, v3;
	v4 =	vbroadcast v4, $0x0  }
0xf5: {  	[tilespmem:s20+$0x200] =	vst v58;
	v63 =	vsel vm0, $0x1, v2;
	vm14 =	vlt.f32 v3, v6;
	v3 =	vsel vm13, $0x47C35000, v5  }
0xf6: {  	[tilespmem:s21+$0x200] =	vst v12;
	v5 =	vadd.s32 v63, v7;
	v6 =	vsel vm14, $0x1, v2;
	vm15 =	vlt.f32 v3, v8  }
0xf7: {  	[tilespmem:s22+$0x200] =	vst v5;
	v3 =	vadd.s32 v6, v9;
	v5 =	vsel vm15, $0x1, v2  }
0xf8: {  	[tilespmem:s23+$0x200] =	vst v3;
	v3 =	vadd.s32 v5, v13  }
0xf9: {  	[tilespmem:s24+$0x200] =	vst v3  }
0xfa: {  	v3 =	vld.idx.msk [tilespmem:v4+s14+$0x0], $0xffff;
	_ =	sdelay $0x1  }
0xfb: {  	s1 =	simm.s32 $0x0;
	s0 =	sand.u32 $0x7000, s25  }
0xfc: {  	s1 =	sand.u32 $0x300, s1;
	s0 =	sor.u32 $0x400, s0  }
0xfd: {  	s1 =	sor.u32 s1, s0  }
0xfe: {  	[tilespmem:s1+$0x0] =	vst v3  }
0xff: {  	[tilespmem:s1+$0x10] =	vst v3  }
0x100: {  	[tilespmem:s1+$0x20] =	vst v3  }
0x101: {  	[tilespmem:s1+$0x30] =	vst v3  }
0x102: {  	[tilespmem:s1+$0x40] =	vst v3  }
0x103: {  	[tilespmem:s1+$0x50] =	vst v3  }
0x104: {  	[tilespmem:s1+$0x60] =	vst v3  }
0x105: {  	[tilespmem:s1+$0x70] =	vst v3  }
0x106: {  	[tilespmem:s1+$0x400] =	vst v3  }
0x107: {  	[tilespmem:s1+$0x410] =	vst v3  }
0x108: {  	[tilespmem:s1+$0x420] =	vst v3  }
0x109: {  	[tilespmem:s1+$0x430] =	vst v3  }
0x10a: {  	[tilespmem:s1+$0x440] =	vst v3  }
0x10b: {  	[tilespmem:s1+$0x450] =	vst v3  }
0x10c: {  	[tilespmem:s1+$0x460] =	vst v3  }
0x10d: {  	[tilespmem:s1+$0x470] =	vst v3  }
0x10e: {  	[tilespmem:s1+$0x800] =	vst v3  }
0x10f: {  	[tilespmem:s1+$0x810] =	vst v3  }
0x110: {  	s24 =	simm.s32 $0x1;
	[tilespmem:s1+$0x820] =	vst v3  }
0x111: {  	v4 =	vmov s24;
	[tilespmem:s1+$0x830] =	vst v3  }
0x112: {  	s2 =	sand.u32 $0x3, s25;
	[tilespmem:s1+$0x840] =	vst v3  }
0x113: {  	s2 =	sshll.u32 s2, $0x8;
	[tilespmem:s1+$0x850] =	vst v3  }
0x114: {  	s2 =	sadd.s32 $0x0, s2;
	[tilespmem:s1+$0x860] =	vst v3  }
0x115: {  	s26 =	sor.u32 $0xC00, s2;
	[tilespmem:s1+$0x870] =	vst v3  }
0x116: {  	s29 =	sor.u32 $0xC10, s2;
	v4 =	vld.idx.msk [tilespmem:v4+s14+$0x0], $0xffff;
	[tilespmem:s26+$0x400] =	vst v3  }
0x117: {  	s30 =	sor.u32 $0xC20, s2;
	[tilespmem:s29+$0x400] =	vst v3  }
0x118: {  	s31 =	sor.u32 $0xC30, s2;
	s20 =	simm.s32 $0x80;
	[tilespmem:s30+$0x400] =	vst v3  }
0x119: {  	s3 =	sor.u32 $0xC40, s2;
	s22 =	sand.u32 $0x380, s20;
	[tilespmem:s31+$0x400] =	vst v3  }
0x11a: {  	s0 =	sor.u32 s22, s0;
	[tilespmem:s3+$0x400] =	vst v3  }
0x11b: {  	[tilespmem:s0+$0x0] =	vst v4  }
0x11c: {  	[tilespmem:s0+$0x10] =	vst v4  }
0x11d: {  	[tilespmem:s0+$0x20] =	vst v4  }
0x11e: {  	[tilespmem:s0+$0x30] =	vst v4  }
0x11f: {  	[tilespmem:s0+$0x40] =	vst v4  }
0x120: {  	[tilespmem:s0+$0x50] =	vst v4  }
0x121: {  	[tilespmem:s0+$0x60] =	vst v4  }
0x122: {  	[tilespmem:s0+$0x70] =	vst v4  }
0x123: {  	[tilespmem:s0+$0x400] =	vst v4  }
0x124: {  	[tilespmem:s0+$0x410] =	vst v4  }
0x125: {  	[tilespmem:s0+$0x420] =	vst v4  }
0x126: {  	[tilespmem:s0+$0x430] =	vst v4  }
0x127: {  	[tilespmem:s0+$0x440] =	vst v4  }
0x128: {  	[tilespmem:s0+$0x450] =	vst v4  }
0x129: {  	[tilespmem:s0+$0x460] =	vst v4  }
0x12a: {  	[tilespmem:s0+$0x470] =	vst v4  }
0x12b: {  	[tilespmem:s0+$0x800] =	vst v4  }
0x12c: {  	[tilespmem:s0+$0x810] =	vst v4  }
0x12d: {  	[tilespmem:s0+$0x820] =	vst v4  }
0x12e: {  	s5 =	sor.u32 $0xC50, s2;
	[tilespmem:s0+$0x830] =	vst v4  }
0x12f: {  	s21 =	sor.u32 $0xC60, s2;
	[tilespmem:s5+$0x400] =	vst v3  }
0x130: {  	s23 =	sor.u32 $0xC70, s2;
	[tilespmem:s21+$0x400] =	vst v3;
	s21 =	simm.s32 $0x2  }
0x131: {  	[tilespmem:s23+$0x400] =	vst v3;
	v3 =	vmov s21  }
0x132: {  	s24 =	sand.u32 $0x7, s25;
	[tilespmem:s0+$0x840] =	vst v4;
	v3 =	vand.u32 $0xFFFFFFFE, v3  }
0x133: {  	s1 =	sshll.u32 s24, $0x7;
	[tilespmem:s0+$0x850] =	vst v4;
	v3 =	vbroadcast v3, $0x0  }
0x134: {  	s1 =	sadd.s32 $0x80, s1;
	[tilespmem:s0+$0x860] =	vst v4  }
0x135: {  	s26 =	sor.u32 $0xC00, s1;
	[tilespmem:s0+$0x870] =	vst v4  }
0x136: {  	s29 =	sor.u32 $0xC10, s1;
	[tilespmem:s26+$0x400] =	vst v4  }
0x137: {  	s30 =	sor.u32 $0xC20, s1;
	[tilespmem:s29+$0x400] =	vst v4  }
0x138: {  	s31 =	sor.u32 $0xC30, s1;
	[tilespmem:s30+$0x400] =	vst v4  }
0x139: {  	s2 =	sor.u32 $0xC40, s1;
	[tilespmem:s31+$0x400] =	vst v4;
	v3 =	vld.idx.msk [tilespmem:v3+s14+$0x0], $0xffff  }
0x13a: {  	s3 =	sor.u32 $0xC50, s1;
	s23 =	simm.s32 $0x400;
	[tilespmem:s2+$0x400] =	vst v4  }
0x13b: {  	s5 =	sor.u32 $0xC60, s1;
	s29 =	simm.s32 $0x100;
	s26 =	sand.u32 $0x7000, s23;
	[tilespmem:s3+$0x400] =	vst v4  }
0x13c: {  	s1 =	sor.u32 $0xC70, s1;
	s30 =	sand.u32 $0x300, s29;
	s22 =	sor.u32 $0x400, s26;
	[tilespmem:s5+$0x400] =	vst v4  }
0x13d: {  	s0 =	sor.u32 s30, s22;
	[tilespmem:s1+$0x400] =	vst v4  }
0x13e: {  	[tilespmem:s0+$0x0] =	vst v3  }
0x13f: {  	[tilespmem:s0+$0x10] =	vst v3  }
0x140: {  	[tilespmem:s0+$0x20] =	vst v3  }
0x141: {  	[tilespmem:s0+$0x30] =	vst v3  }
0x142: {  	[tilespmem:s0+$0x40] =	vst v3  }
0x143: {  	[tilespmem:s0+$0x50] =	vst v3  }
0x144: {  	[tilespmem:s0+$0x60] =	vst v3  }
0x145: {  	[tilespmem:s0+$0x70] =	vst v3  }
0x146: {  	[tilespmem:s0+$0x400] =	vst v3  }
0x147: {  	[tilespmem:s0+$0x410] =	vst v3  }
0x148: {  	[tilespmem:s0+$0x420] =	vst v3  }
0x149: {  	[tilespmem:s0+$0x430] =	vst v3  }
0x14a: {  	[tilespmem:s0+$0x440] =	vst v3  }
0x14b: {  	[tilespmem:s0+$0x450] =	vst v3  }
0x14c: {  	[tilespmem:s0+$0x460] =	vst v3  }
0x14d: {  	s26 =	simm.s32 $0x180;
	[tilespmem:s0+$0x470] =	vst v3  }
0x14e: {  	s31 =	sand.u32 $0x380, s26;
	[tilespmem:s0+$0x800] =	vst v3  }
0x14f: {  	s28 =	simm.s32 $0x4;
	s24 =	sor.u32 s31, s22;
	s22 =	simm.s32 $0x0;
	[tilespmem:s0+$0x810] =	vst v3  }
.LBB2_4:
0x150: {  	p0 =	slt.u32 s28, $0x3E;
	[tilespmem:s0+$0x820] =	vst v3  }
0x151: {  	s25 =	sadd.s32 $0x1, s25;
	[tilespmem:s0+$0x830] =	vst v3  }
0x152: {  	s2 =	sadd.s32 $0x1, s21;
	s21 =	smov.u32 s28;
	s1 =	sand.u32 $0x3, s25;
	[tilespmem:s0+$0x840] =	vst v3  }
0x153: {  	v4 =	vmov s2;
	s1 =	sshll.u32 s1, $0x8;
	[tilespmem:s0+$0x850] =	vst v3  }
0x154: {  	s1 =	sadd.s32 s1, s23;
	[tilespmem:s0+$0x860] =	vst v3  }
0x155: {  	[tilespmem:s0+$0x870] =	vst v3;
	s0 =	sor.u32 $0xC00, s1  }
0x156: {  	[tilespmem:s0+$0x400] =	vst v3;
	s0 =	sor.u32 $0xC10, s1  }
0x157: {  	[tilespmem:s0+$0x400] =	vst v3;
	s0 =	sor.u32 $0xC20, s1  }
0x158: {  	[tilespmem:s0+$0x400] =	vst v3;
	s0 =	sor.u32 $0xC30, s1;
	v4 =	vld.idx.msk [tilespmem:v4+s14+$0x0], $0xffff  }
0x159: {  	[tilespmem:s0+$0x400] =	vst v3;
	s0 =	sor.u32 $0xC40, s1  }
0x15a: {  	[tilespmem:s0+$0x400] =	vst v3;
	s0 =	sor.u32 $0xC50, s1  }
0x15b: {  	[tilespmem:s0+$0x400] =	vst v3;
	s0 =	sor.u32 $0xC60, s1  }
0x15c: {  	[tilespmem:s0+$0x400] =	vst v3;
	s0 =	sor.u32 $0xC70, s1  }
0x15d: {  	[tilespmem:s0+$0x400] =	vst v3  }
0x15e: {  	[tilespmem:s24+$0x0] =	vst v4  }
0x15f: {  	[tilespmem:s24+$0x10] =	vst v4  }
0x160: {  	[tilespmem:s24+$0x20] =	vst v4  }
0x161: {  	[tilespmem:s24+$0x30] =	vst v4  }
0x162: {  	[tilespmem:s24+$0x40] =	vst v4  }
0x163: {  	[tilespmem:s24+$0x50] =	vst v4  }
0x164: {  	[tilespmem:s24+$0x60] =	vst v4  }
0x165: {  	[tilespmem:s24+$0x70] =	vst v4  }
0x166: {  	[tilespmem:s24+$0x400] =	vst v4  }
0x167: {  	[tilespmem:s24+$0x410] =	vst v4  }
0x168: {  	[tilespmem:s24+$0x420] =	vst v4  }
0x169: {  	[tilespmem:s24+$0x430] =	vst v4  }
0x16a: {  	[tilespmem:s24+$0x440] =	vst v4  }
0x16b: {  	[tilespmem:s24+$0x450] =	vst v4  }
0x16c: {  	[tilespmem:s24+$0x460] =	vst v4  }
0x16d: {  	[tilespmem:s24+$0x470] =	vst v4  }
0x16e: {  	[tilespmem:s24+$0x800] =	vst v4  }
0x16f: {  	[tilespmem:s24+$0x810] =	vst v4  }
0x170: {  	v3 =	vmov s28;
	[tilespmem:s24+$0x820] =	vst v4  }
0x171: {  	s22 =	sadd.s32 $0x2, s22;
	v3 =	vand.u32 $0xFFFFFFFE, v3;
	[tilespmem:s24+$0x830] =	vst v4  }
0x172: {  	s0 =	sand.u32 $0x7, s22;
	v3 =	vbroadcast v3, $0x0;
	[tilespmem:s24+$0x840] =	vst v4  }
0x173: {  	s20 =	sadd.s32 $0x400, s20;
	s0 =	sshll.u32 s0, $0x7;
	[tilespmem:s24+$0x850] =	vst v4  }
0x174: {  	s0 =	sadd.s32 s0, s20;
	[tilespmem:s24+$0x860] =	vst v4  }
0x175: {  	s1 =	sor.u32 $0xC00, s0;
	[tilespmem:s24+$0x870] =	vst v4  }
0x176: {  	[tilespmem:s1+$0x400] =	vst v4;
	s1 =	sor.u32 $0xC10, s0  }
0x177: {  	[tilespmem:s1+$0x400] =	vst v4;
	s1 =	sor.u32 $0xC20, s0  }
0x178: {  	v3 =	vld.idx.msk [tilespmem:v3+s14+$0x0], $0xffff;
	[tilespmem:s1+$0x400] =	vst v4;
	s1 =	sor.u32 $0xC30, s0  }
0x179: {  	s2 =	sor.u32 $0xC50, s0;
	[tilespmem:s1+$0x400] =	vst v4;
	s1 =	sor.u32 $0xC40, s0  }
0x17a: {  	s26 =	sadd.s32 $0x100, s26;
	s23 =	sadd.s32 $0x400, s23;
	[tilespmem:s1+$0x400] =	vst v4;
	s1 =	sor.u32 $0xC60, s0  }
0x17b: {  	s29 =	sadd.s32 $0xFFFFFF80, s26;
	s30 =	sand.u32 $0x380, s26;
	s24 =	sand.u32 $0x7000, s23;
	[tilespmem:s2+$0x400] =	vst v4  }
0x17c: {  	s24 =	sor.u32 $0x400, s24;
	s2 =	sand.u32 $0x300, s29;
	[tilespmem:s1+$0x400] =	vst v4;
	s1 =	sor.u32 $0xC70, s0  }
0x17d: {  	s0 =	sor.u32 s2, s24;
	s24 =	sor.u32 s30, s24;
	[tilespmem:s1+$0x400] =	vst v4  }
0x17e: {  	[tilespmem:s0+$0x0] =	vst v3  }
0x17f: {  	[tilespmem:s0+$0x10] =	vst v3  }
0x180: {  	[tilespmem:s0+$0x20] =	vst v3  }
0x181: {  	[tilespmem:s0+$0x30] =	vst v3  }
0x182: {  	[tilespmem:s0+$0x40] =	vst v3  }
0x183: {  	[tilespmem:s0+$0x50] =	vst v3  }
0x184: {  	[tilespmem:s0+$0x60] =	vst v3  }
0x185: {  	[tilespmem:s0+$0x70] =	vst v3  }
0x186: {  	[tilespmem:s0+$0x400] =	vst v3  }
0x187: {  	[tilespmem:s0+$0x410] =	vst v3  }
0x188: {  	[tilespmem:s0+$0x420] =	vst v3  }
0x189: {  	[tilespmem:s0+$0x430] =	vst v3  }
0x18a: {  	[tilespmem:s0+$0x440] =	vst v3  }
.Ltmp1:
0x18b: {  	[tilespmem:s0+$0x450] =	vst v3;
	(pc) =	sbr.rel @p0 .LBB2_4-.Ltmp1, $4  }
0x18c: {  	[tilespmem:s0+$0x460] =	vst v3  }
0x18d: {  	[tilespmem:s0+$0x470] =	vst v3  }
0x18e: {  	[tilespmem:s0+$0x800] =	vst v3  }
0x18f: {  	s28 =	sadd.s32 $0x2, s28;
	[tilespmem:s0+$0x810] =	vst v3  }
0x190: {  	[tilespmem:s0+$0x820] =	vst v3  }
0x191: {  	[tilespmem:s0+$0x830] =	vst v3;
	s1 =	sadd.s32 $0x1, s25  }
0x192: {  	[tilespmem:s0+$0x840] =	vst v3;
	s2 =	sadd.s32 $0x1, s21;
	s1 =	sand.u32 $0x3, s1  }
0x193: {  	[tilespmem:s0+$0x850] =	vst v3;
	v4 =	vmov s2;
	s1 =	sshll.u32 s1, $0x8  }
0x194: {  	[tilespmem:s0+$0x860] =	vst v3;
	s1 =	sadd.s32 s1, s23  }
0x195: {  	[tilespmem:s0+$0x870] =	vst v3;
	s21 =	sor.u32 $0xC00, s1  }
0x196: {  	s23 =	sor.u32 $0xC10, s1;
	[tilespmem:s21+$0x400] =	vst v3  }
0x197: {  	s25 =	sor.u32 $0xC20, s1;
	[tilespmem:s23+$0x400] =	vst v3  }
0x198: {  	s26 =	sor.u32 $0xC30, s1;
	v4 =	vld.idx.msk [tilespmem:v4+s14+$0x0], $0xffff;
	[tilespmem:s25+$0x400] =	vst v3  }
0x199: {  	s2 =	sor.u32 $0xC40, s1;
	[tilespmem:s26+$0x400] =	vst v3  }
0x19a: {  	s3 =	sor.u32 $0xC50, s1;
	[tilespmem:s2+$0x400] =	vst v3  }
0x19b: {  	s5 =	sor.u32 $0xC60, s1;
	[tilespmem:s3+$0x400] =	vst v3  }
0x19c: {  	[tilespmem:s5+$0x400] =	vst v3  }
0x19d: {  	[tilespmem:s24+$0x0] =	vst v4  }
0x19e: {  	[tilespmem:s24+$0x10] =	vst v4  }
0x19f: {  	[tilespmem:s24+$0x20] =	vst v4  }
0x1a0: {  	[tilespmem:s24+$0x30] =	vst v4  }
0x1a1: {  	[tilespmem:s24+$0x40] =	vst v4  }
0x1a2: {  	[tilespmem:s24+$0x50] =	vst v4  }
0x1a3: {  	[tilespmem:s24+$0x60] =	vst v4  }
0x1a4: {  	[tilespmem:s24+$0x70] =	vst v4  }
0x1a5: {  	[tilespmem:s24+$0x400] =	vst v4  }
0x1a6: {  	[tilespmem:s24+$0x410] =	vst v4  }
0x1a7: {  	[tilespmem:s24+$0x420] =	vst v4  }
0x1a8: {  	[tilespmem:s24+$0x430] =	vst v4  }
0x1a9: {  	[tilespmem:s24+$0x440] =	vst v4  }
0x1aa: {  	[tilespmem:s24+$0x450] =	vst v4  }
0x1ab: {  	[tilespmem:s24+$0x460] =	vst v4  }
0x1ac: {  	[tilespmem:s24+$0x470] =	vst v4  }
0x1ad: {  	[tilespmem:s24+$0x800] =	vst v4  }
0x1ae: {  	[tilespmem:s24+$0x810] =	vst v4  }
0x1af: {  	[tilespmem:s24+$0x820] =	vst v4  }
0x1b0: {  	[tilespmem:s24+$0x830] =	vst v4  }
0x1b1: {  	s22 =	sadd.s32 $0x2, s22;
	[tilespmem:s24+$0x840] =	vst v4  }
0x1b2: {  	s0 =	sand.u32 $0x7, s22;
	[tilespmem:s24+$0x850] =	vst v4  }
0x1b3: {  	s0 =	sshll.u32 s0, $0x7;
	s23 =	sadd.s32 $0x400, s20;
	[tilespmem:s24+$0x860] =	vst v4  }
0x1b4: {  	s21 =	sor.u32 $0xC70, s1;
	s0 =	sadd.s32 s0, s23;
	[tilespmem:s24+$0x870] =	vst v4  }
0x1b5: {  	s1 =	sor.u32 $0xC00, s0;
	[tilespmem:s21+$0x400] =	vst v3  }
0x1b6: {  	s25 =	simm.s32 $0x40;
	s24 =	sor.u32 $0xC10, s0;
	[tilespmem:s1+$0x400] =	vst v4  }
0x1b7: {  	s26 =	sor.u32 $0xC20, s0;
	v3 =	vmov s25;
	[tilespmem:s24+$0x400] =	vst v4  }
0x1b8: {  	s2 =	sor.u32 $0xC30, s0;
	v3 =	vand.u32 $0xFFFFFFFE, v3;
	[tilespmem:s26+$0x400] =	vst v4  }
0x1b9: {  	s3 =	sor.u32 $0xC40, s0;
	v3 =	vbroadcast v3, $0x0;
	[tilespmem:s2+$0x400] =	vst v4  }
0x1ba: {  	s5 =	sor.u32 $0xC50, s0;
	[tilespmem:s3+$0x400] =	vst v4  }
0x1bb: {  	s20 =	sor.u32 $0xC60, s0;
	[tilespmem:s5+$0x400] =	vst v4  }
0x1bc: {  	s0 =	sor.u32 $0xC70, s0;
	[tilespmem:s20+$0x400] =	vst v4  }
0x1bd: {  	s20 =	simm.s32 $0x0;
	[tilespmem:s0+$0x400] =	vst v4  }
0x1be: {  	[hbm4b:s4+s20] =	stream.linear.scatter [tilespmem:s15], [sflag:$0x1], $0x8000, $0x38;
	[tilespmem:$0x10400] =	vst v63  }
0x1bf: {  	v4 =	vld.idx.msk [tilespmem:v3+s14+$0x0], $0xffff;
	_ =	sdelay $0x2  }
0x1c0: {  	s21 =	sand.u32 $0x7000, s20;
	s22 =	sand.u32 $0x300, s20  }
0x1c1: {  	s21 =	sor.u32 s22, s21  }
0x1c2: {  	[tilespmem:s21+$0x8400] =	vst v4  }
0x1c3: {  	[tilespmem:s21+$0x8410] =	vst v4  }
0x1c4: {  	[tilespmem:s21+$0x8420] =	vst v4  }
0x1c5: {  	[tilespmem:s21+$0x8430] =	vst v4  }
0x1c6: {  	[tilespmem:s21+$0x8440] =	vst v4  }
0x1c7: {  	[tilespmem:s21+$0x8450] =	vst v4  }
0x1c8: {  	[tilespmem:s21+$0x8460] =	vst v4  }
0x1c9: {  	[tilespmem:s21+$0x8470] =	vst v4  }
0x1ca: {  	[tilespmem:s21+$0x8800] =	vst v4  }
0x1cb: {  	[tilespmem:s21+$0x8810] =	vst v4  }
0x1cc: {  	[tilespmem:s21+$0x8820] =	vst v4  }
0x1cd: {  	[tilespmem:s21+$0x8830] =	vst v4  }
0x1ce: {  	[tilespmem:s21+$0x8840] =	vst v4  }
0x1cf: {  	[tilespmem:s21+$0x8850] =	vst v4  }
0x1d0: {  	[tilespmem:s21+$0x8860] =	vst v4  }
0x1d1: {  	[tilespmem:s21+$0x8870] =	vst v4  }
0x1d2: {  	[tilespmem:s21+$0x8C00] =	vst v4  }
0x1d3: {  	[tilespmem:s21+$0x8C10] =	vst v4  }
0x1d4: {  	s24 =	simm.s32 $0x41;
	[tilespmem:s21+$0x8C20] =	vst v4  }
0x1d5: {  	v3 =	vmov s24;
	[tilespmem:s21+$0x8C30] =	vst v4  }
0x1d6: {  	s23 =	sand.u32 $0x3, s20;
	[tilespmem:s21+$0x8C40] =	vst v4  }
0x1d7: {  	s0 =	sshll.u32 s23, $0x8;
	[tilespmem:s21+$0x8C50] =	vst v4  }
0x1d8: {  	s0 =	sadd.s32 $0x0, s0;
	[tilespmem:s21+$0x8C60] =	vst v4  }
0x1d9: {  	s25 =	sor.u32 $0xC00, s0;
	[tilespmem:s21+$0x8C70] =	vst v4  }
0x1da: {  	s26 =	sor.u32 $0xC10, s0;
	v3 =	vld.idx.msk [tilespmem:v3+s14+$0x0], $0xffff;
	[tilespmem:s25+$0x8400] =	vst v4  }
0x1db: {  	s2 =	sor.u32 $0xC20, s0;
	[tilespmem:s26+$0x8400] =	vst v4  }
0x1dc: {  	s3 =	sor.u32 $0xC30, s0;
	[tilespmem:s2+$0x8400] =	vst v4  }
0x1dd: {  	s5 =	sor.u32 $0xC40, s0;
	[tilespmem:s3+$0x8400] =	vst v4  }
0x1de: {  	[tilespmem:s5+$0x8400] =	vst v4  }
0x1df: {  	[tilespmem:s21+$0x8480] =	vst v3  }
0x1e0: {  	[tilespmem:s21+$0x8490] =	vst v3  }
0x1e1: {  	[tilespmem:s21+$0x84A0] =	vst v3  }
0x1e2: {  	[tilespmem:s21+$0x84B0] =	vst v3  }
0x1e3: {  	[tilespmem:s21+$0x84C0] =	vst v3  }
0x1e4: {  	[tilespmem:s21+$0x84D0] =	vst v3  }
0x1e5: {  	[tilespmem:s21+$0x84E0] =	vst v3  }
0x1e6: {  	[tilespmem:s21+$0x84F0] =	vst v3  }
0x1e7: {  	[tilespmem:s21+$0x8880] =	vst v3  }
0x1e8: {  	[tilespmem:s21+$0x8890] =	vst v3  }
0x1e9: {  	[tilespmem:s21+$0x88A0] =	vst v3  }
0x1ea: {  	[tilespmem:s21+$0x88B0] =	vst v3  }
0x1eb: {  	[tilespmem:s21+$0x88C0] =	vst v3  }
0x1ec: {  	[tilespmem:s21+$0x88D0] =	vst v3  }
0x1ed: {  	[tilespmem:s21+$0x88E0] =	vst v3  }
0x1ee: {  	s22 =	sor.u32 $0xC50, s0;
	s23 =	sor.u32 $0xC60, s0;
	s25 =	sadd.s32 $0x80, s0;
	[tilespmem:s21+$0x88F0] =	vst v3  }
0x1ef: {  	s24 =	sor.u32 $0xC70, s0;
	s28 =	sor.u32 $0xC00, s25;
	s29 =	sor.u32 $0xC10, s25;
	[tilespmem:s21+$0x8C80] =	vst v3  }
0x1f0: {  	s31 =	sor.u32 $0xC20, s25;
	s30 =	sor.u32 $0xC30, s25;
	s0 =	sor.u32 $0xC50, s25;
	[tilespmem:s22+$0x8400] =	vst v4  }
0x1f1: {  	s26 =	sor.u32 $0xC60, s25;
	s2 =	sor.u32 $0xC40, s25;
	s25 =	sor.u32 $0xC70, s25;
	[tilespmem:s23+$0x8400] =	vst v4  }
0x1f2: {  	s22 =	simm.s32 $0x0;
	s23 =	simm.s32 $0x0;
	[tilespmem:s24+$0x8400] =	vst v4;
	s24 =	simm.s32 $0x0  }
.LBB2_6:
0x1f3: {  	s3 =	sadd.s32 $0x42, s22;
	[tilespmem:s21+$0x8C90] =	vst v3;
	s1 =	smov.u32 s22  }
0x1f4: {  	v4 =	vmov s3;
	[tilespmem:s21+$0x8CA0] =	vst v3  }
0x1f5: {  	v4 =	vand.u32 $0xFFFFFFFE, v4;
	[tilespmem:s21+$0x8CB0] =	vst v3  }
0x1f6: {  	v4 =	vbroadcast v4, $0x0;
	[tilespmem:s21+$0x8CC0] =	vst v3  }
0x1f7: {  	[tilespmem:s21+$0x8CD0] =	vst v3  }
0x1f8: {  	[tilespmem:s21+$0x8CE0] =	vst v3  }
0x1f9: {  	[tilespmem:s21+$0x8CF0] =	vst v3  }
0x1fa: {  	[tilespmem:s28+$0x8400] =	vst v3  }
0x1fb: {  	[tilespmem:s29+$0x8400] =	vst v3  }
0x1fc: {  	v4 =	vld.idx.msk [tilespmem:v4+s14+$0x0], $0xffff;
	[tilespmem:s31+$0x8400] =	vst v3  }
0x1fd: {  	[tilespmem:s30+$0x8400] =	vst v3  }
0x1fe: {  	[tilespmem:s2+$0x8400] =	vst v3  }
0x1ff: {  	s20 =	sadd.s32 $0x100, s20;
	s23 =	sadd.s32 $0x400, s23;
	[tilespmem:s0+$0x8400] =	vst v3  }
0x200: {  	s2 =	sand.u32 $0x300, s20;
	s0 =	sand.u32 $0x7000, s23;
	[tilespmem:s26+$0x8400] =	vst v3  }
0x201: {  	s21 =	sor.u32 s2, s0;
	[tilespmem:s25+$0x8400] =	vst v3  }
0x202: {  	[tilespmem:s21+$0x8400] =	vst v4  }
0x203: {  	[tilespmem:s21+$0x8410] =	vst v4  }
0x204: {  	[tilespmem:s21+$0x8420] =	vst v4  }
0x205: {  	[tilespmem:s21+$0x8430] =	vst v4  }
0x206: {  	[tilespmem:s21+$0x8440] =	vst v4  }
0x207: {  	[tilespmem:s21+$0x8450] =	vst v4  }
0x208: {  	[tilespmem:s21+$0x8460] =	vst v4  }
0x209: {  	[tilespmem:s21+$0x8470] =	vst v4  }
0x20a: {  	[tilespmem:s21+$0x8800] =	vst v4  }
0x20b: {  	[tilespmem:s21+$0x8810] =	vst v4  }
0x20c: {  	[tilespmem:s21+$0x8820] =	vst v4  }
0x20d: {  	[tilespmem:s21+$0x8830] =	vst v4  }
0x20e: {  	[tilespmem:s21+$0x8840] =	vst v4  }
0x20f: {  	[tilespmem:s21+$0x8850] =	vst v4  }
0x210: {  	[tilespmem:s21+$0x8860] =	vst v4  }
0x211: {  	[tilespmem:s21+$0x8870] =	vst v4  }
0x212: {  	s22 =	sadd.s32 $0x2, s22;
	[tilespmem:s21+$0x8C00] =	vst v4  }
0x213: {  	p0 =	slt.u32 s22, $0x3E;
	[tilespmem:s21+$0x8C10] =	vst v4  }
0x214: {  	[tilespmem:s21+$0x8C20] =	vst v4  }
0x215: {  	s24 =	sadd.s32 $0x1, s24;
	[tilespmem:s21+$0x8C30] =	vst v4  }
0x216: {  	s1 =	sadd.s32 $0x43, s1;
	s0 =	sand.u32 $0x3, s24;
	[tilespmem:s21+$0x8C40] =	vst v4  }
0x217: {  	s0 =	sshll.u32 s0, $0x8;
	v3 =	vmov s1;
	[tilespmem:s21+$0x8C50] =	vst v4  }
0x218: {  	s1 =	sadd.s32 s0, s23;
	[tilespmem:s21+$0x8C60] =	vst v4  }
0x219: {  	s0 =	sor.u32 $0xC00, s1;
	s3 =	sadd.s32 $0x80, s1;
	[tilespmem:s21+$0x8C70] =	vst v4  }
0x21a: {  	s28 =	sor.u32 $0xC00, s3;
	s29 =	sor.u32 $0xC10, s3;
	[tilespmem:s0+$0x8400] =	vst v4;
	s0 =	sor.u32 $0xC10, s1  }
0x21b: {  	s31 =	sor.u32 $0xC20, s3;
	s30 =	sor.u32 $0xC30, s3;
	[tilespmem:s0+$0x8400] =	vst v4;
	s0 =	sor.u32 $0xC20, s1  }
0x21c: {  	s25 =	sor.u32 $0xC30, s1;
	s2 =	sor.u32 $0xC40, s3;
	[tilespmem:s0+$0x8400] =	vst v4;
	v3 =	vld.idx.msk [tilespmem:v3+s14+$0x0], $0xffff;
	s0 =	sor.u32 $0xC50, s3  }
0x21d: {  	s5 =	sor.u32 $0xC40, s1;
	s26 =	sor.u32 $0xC60, s3;
	[tilespmem:s25+$0x8400] =	vst v4;
	s25 =	sor.u32 $0xC70, s3  }
0x21e: {  	s3 =	sor.u32 $0xC50, s1;
	[tilespmem:s5+$0x8400] =	vst v4  }
0x21f: {  	[tilespmem:s3+$0x8400] =	vst v4;
	s3 =	sor.u32 $0xC60, s1  }
0x220: {  	s1 =	sor.u32 $0xC70, s1;
	[tilespmem:s3+$0x8400] =	vst v4  }
0x221: {  	[tilespmem:s1+$0x8400] =	vst v4  }
0x222: {  	[tilespmem:s21+$0x8480] =	vst v3  }
0x223: {  	[tilespmem:s21+$0x8490] =	vst v3  }
0x224: {  	[tilespmem:s21+$0x84A0] =	vst v3  }
0x225: {  	[tilespmem:s21+$0x84B0] =	vst v3  }
0x226: {  	[tilespmem:s21+$0x84C0] =	vst v3  }
0x227: {  	[tilespmem:s21+$0x84D0] =	vst v3  }
0x228: {  	[tilespmem:s21+$0x84E0] =	vst v3  }
0x229: {  	[tilespmem:s21+$0x84F0] =	vst v3  }
0x22a: {  	[tilespmem:s21+$0x8880] =	vst v3  }
0x22b: {  	[tilespmem:s21+$0x8890] =	vst v3  }
0x22c: {  	[tilespmem:s21+$0x88A0] =	vst v3  }
0x22d: {  	[tilespmem:s21+$0x88B0] =	vst v3  }
.Ltmp2:
0x22e: {  	[tilespmem:s21+$0x88C0] =	vst v3;
	(pc) =	sbr.rel @p0 .LBB2_6-.Ltmp2, $4  }
0x22f: {  	[tilespmem:s21+$0x88D0] =	vst v3  }
0x230: {  	[tilespmem:s21+$0x88E0] =	vst v3  }
0x231: {  	[tilespmem:s21+$0x88F0] =	vst v3  }
0x232: {  	[tilespmem:s21+$0x8C80] =	vst v3  }
0x233: {  	[tilespmem:s21+$0x8C90] =	vst v3  }
0x234: {  	[tilespmem:s21+$0x8CA0] =	vst v3  }
0x235: {  	[tilespmem:s21+$0x8CB0] =	vst v3  }
0x236: {  	[tilespmem:s21+$0x8CC0] =	vst v3  }
0x237: {  	[tilespmem:s21+$0x8CD0] =	vst v3  }
0x238: {  	[tilespmem:s21+$0x8CE0] =	vst v3  }
0x239: {  	[tilespmem:s21+$0x8CF0] =	vst v3  }
0x23a: {  	[tilespmem:s28+$0x8400] =	vst v3  }
0x23b: {  	[tilespmem:s29+$0x8400] =	vst v3  }
0x23c: {  	[tilespmem:s31+$0x8400] =	vst v3  }
0x23d: {  	[tilespmem:s30+$0x8400] =	vst v3  }
0x23e: {  	s1 =	simm.s32 $0x80;
	[tilespmem:s2+$0x8400] =	vst v3  }
0x23f: {  	v4 =	vmov s1;
	[tilespmem:s0+$0x8400] =	vst v3  }
0x240: {  	v4 =	vand.u32 $0xFFFFFFFE, v4;
	[tilespmem:s26+$0x8400] =	vst v3  }
0x241: {  	v4 =	vbroadcast v4, $0x0;
	[tilespmem:s25+$0x8400] =	vst v3  }
0x242: {  	s20 =	simm.s32 $0x0;
	s0 =	rddreg [dreg:$0x4]  }
0x243: {  	[hbm4b:s0+s20] =	stream.linear.scatter [tilespmem:s16], [sflag:$0x2], $0x8000, $0x38;
	[tilespmem:$0x10400] =	vst v63  }
0x244: {  	_ =	swait.ge [sflag:s17], $0x8000  }
0x245: {  	[sflag:s17] =	ssyncset.done $0x0  }
0x246: {  	[sflag:s17] =	ssyncadd.s32 $0xFFFF8000  }
0x247: {  	v4 =	vld.idx.msk [tilespmem:v4+s14+$0x0], $0xffff;
	_ =	sdelay $0x2  }
0x248: {  	s21 =	sand.u32 $0x7000, s20;
	s22 =	sand.u32 $0x300, s20  }
0x249: {  	s21 =	sor.u32 s22, s21  }
0x24a: {  	[tilespmem:s21+$0x400] =	vst v4  }
0x24b: {  	[tilespmem:s21+$0x410] =	vst v4  }
0x24c: {  	[tilespmem:s21+$0x420] =	vst v4  }
0x24d: {  	[tilespmem:s21+$0x430] =	vst v4  }
0x24e: {  	[tilespmem:s21+$0x440] =	vst v4  }
0x24f: {  	[tilespmem:s21+$0x450] =	vst v4  }
0x250: {  	[tilespmem:s21+$0x460] =	vst v4  }
0x251: {  	[tilespmem:s21+$0x470] =	vst v4  }
0x252: {  	[tilespmem:s21+$0x800] =	vst v4  }
0x253: {  	[tilespmem:s21+$0x810] =	vst v4  }
0x254: {  	[tilespmem:s21+$0x820] =	vst v4  }
0x255: {  	[tilespmem:s21+$0x830] =	vst v4  }
0x256: {  	[tilespmem:s21+$0x840] =	vst v4  }
0x257: {  	s24 =	simm.s32 $0x81;
	[tilespmem:s21+$0x850] =	vst v4  }
0x258: {  	v3 =	vmov s24;
	[tilespmem:s21+$0x860] =	vst v4  }
0x259: {  	[tilespmem:s21+$0x870] =	vst v4  }
0x25a: {  	[tilespmem:s21+$0xC00] =	vst v4  }
0x25b: {  	[tilespmem:s21+$0xC10] =	vst v4  }
0x25c: {  	[tilespmem:s21+$0xC20] =	vst v4  }
0x25d: {  	v3 =	vld.idx.msk [tilespmem:v3+s14+$0x0], $0xffff;
	[tilespmem:s21+$0xC30] =	vst v4  }
0x25e: {  	[tilespmem:s21+$0xC40] =	vst v4  }
0x25f: {  	[tilespmem:s21+$0xC50] =	vst v4  }
0x260: {  	[tilespmem:s21+$0xC60] =	vst v4  }
0x261: {  	[tilespmem:s21+$0xC70] =	vst v4  }
0x262: {  	[tilespmem:s21+$0x480] =	vst v3  }
0x263: {  	[tilespmem:s21+$0x490] =	vst v3  }
0x264: {  	[tilespmem:s21+$0x4A0] =	vst v3  }
0x265: {  	[tilespmem:s21+$0x4B0] =	vst v3  }
0x266: {  	[tilespmem:s21+$0x4C0] =	vst v3  }
0x267: {  	[tilespmem:s21+$0x4D0] =	vst v3  }
0x268: {  	[tilespmem:s21+$0x4E0] =	vst v3  }
0x269: {  	[tilespmem:s21+$0x4F0] =	vst v3  }
0x26a: {  	[tilespmem:s21+$0x880] =	vst v3  }
0x26b: {  	[tilespmem:s21+$0x890] =	vst v3  }
0x26c: {  	[tilespmem:s21+$0x8A0] =	vst v3  }
0x26d: {  	[tilespmem:s21+$0x8B0] =	vst v3  }
0x26e: {  	[tilespmem:s21+$0x8C0] =	vst v3  }
0x26f: {  	s23 =	sand.u32 $0x3, s20;
	[tilespmem:s21+$0x8D0] =	vst v3  }
0x270: {  	s0 =	sshll.u32 s23, $0x8;
	[tilespmem:s21+$0x8E0] =	vst v3  }
0x271: {  	s0 =	sadd.s32 $0x0, s0;
	[tilespmem:s21+$0x8F0] =	vst v3  }
0x272: {  	s25 =	sor.u32 $0xC00, s0;
	[tilespmem:s21+$0xC80] =	vst v3  }
0x273: {  	s26 =	sor.u32 $0xC10, s0;
	[tilespmem:s25+$0x400] =	vst v4  }
0x274: {  	s2 =	sor.u32 $0xC20, s0;
	[tilespmem:s26+$0x400] =	vst v4  }
0x275: {  	s3 =	sor.u32 $0xC30, s0;
	s5 =	sor.u32 $0xC40, s0;
	[tilespmem:s2+$0x400] =	vst v4  }
0x276: {  	s22 =	sor.u32 $0xC50, s0;
	s23 =	sor.u32 $0xC60, s0;
	s25 =	sadd.s32 $0x80, s0;
	[tilespmem:s3+$0x400] =	vst v4  }
0x277: {  	s24 =	sor.u32 $0xC70, s0;
	s28 =	sor.u32 $0xC00, s25;
	s29 =	sor.u32 $0xC10, s25;
	[tilespmem:s5+$0x400] =	vst v4  }
0x278: {  	s0 =	sor.u32 $0xC20, s25;
	s30 =	sor.u32 $0xC30, s25;
	s31 =	sor.u32 $0xC50, s25;
	[tilespmem:s22+$0x400] =	vst v4  }
0x279: {  	s26 =	sor.u32 $0xC60, s25;
	s2 =	sor.u32 $0xC40, s25;
	s25 =	sor.u32 $0xC70, s25;
	[tilespmem:s23+$0x400] =	vst v4  }
0x27a: {  	s22 =	simm.s32 $0x0;
	s23 =	simm.s32 $0x0;
	[tilespmem:s24+$0x400] =	vst v4;
	s24 =	simm.s32 $0x0  }
.LBB2_8:
0x27b: {  	s3 =	sadd.s32 $0x82, s22;
	[tilespmem:s21+$0xC90] =	vst v3;
	s1 =	smov.u32 s22  }
0x27c: {  	v4 =	vmov s3;
	[tilespmem:s21+$0xCA0] =	vst v3  }
0x27d: {  	v4 =	vand.u32 $0xFFFFFFFE, v4;
	[tilespmem:s21+$0xCB0] =	vst v3  }
0x27e: {  	v4 =	vbroadcast v4, $0x0;
	[tilespmem:s21+$0xCC0] =	vst v3  }
0x27f: {  	[tilespmem:s21+$0xCD0] =	vst v3  }
0x280: {  	[tilespmem:s21+$0xCE0] =	vst v3  }
0x281: {  	[tilespmem:s21+$0xCF0] =	vst v3  }
0x282: {  	[tilespmem:s28+$0x400] =	vst v3  }
0x283: {  	[tilespmem:s29+$0x400] =	vst v3  }
0x284: {  	v4 =	vld.idx.msk [tilespmem:v4+s14+$0x0], $0xffff;
	[tilespmem:s0+$0x400] =	vst v3  }
0x285: {  	[tilespmem:s30+$0x400] =	vst v3  }
0x286: {  	[tilespmem:s2+$0x400] =	vst v3  }
0x287: {  	s20 =	sadd.s32 $0x100, s20;
	s23 =	sadd.s32 $0x400, s23;
	[tilespmem:s31+$0x400] =	vst v3  }
0x288: {  	s0 =	sand.u32 $0x7000, s23;
	s2 =	sand.u32 $0x300, s20;
	[tilespmem:s26+$0x400] =	vst v3  }
0x289: {  	s21 =	sor.u32 s2, s0;
	[tilespmem:s25+$0x400] =	vst v3  }
0x28a: {  	[tilespmem:s21+$0x400] =	vst v4  }
0x28b: {  	[tilespmem:s21+$0x410] =	vst v4  }
0x28c: {  	[tilespmem:s21+$0x420] =	vst v4  }
0x28d: {  	[tilespmem:s21+$0x430] =	vst v4  }
0x28e: {  	[tilespmem:s21+$0x440] =	vst v4  }
0x28f: {  	[tilespmem:s21+$0x450] =	vst v4  }
0x290: {  	[tilespmem:s21+$0x460] =	vst v4  }
0x291: {  	[tilespmem:s21+$0x470] =	vst v4  }
0x292: {  	[tilespmem:s21+$0x800] =	vst v4  }
0x293: {  	[tilespmem:s21+$0x810] =	vst v4  }
0x294: {  	[tilespmem:s21+$0x820] =	vst v4  }
0x295: {  	[tilespmem:s21+$0x830] =	vst v4  }
0x296: {  	[tilespmem:s21+$0x840] =	vst v4  }
0x297: {  	[tilespmem:s21+$0x850] =	vst v4  }
0x298: {  	[tilespmem:s21+$0x860] =	vst v4  }
0x299: {  	[tilespmem:s21+$0x870] =	vst v4  }
0x29a: {  	s22 =	sadd.s32 $0x2, s22;
	[tilespmem:s21+$0xC00] =	vst v4  }
0x29b: {  	p0 =	slt.u32 s22, $0x3E;
	[tilespmem:s21+$0xC10] =	vst v4  }
0x29c: {  	[tilespmem:s21+$0xC20] =	vst v4  }
0x29d: {  	s24 =	sadd.s32 $0x1, s24;
	[tilespmem:s21+$0xC30] =	vst v4  }
0x29e: {  	s1 =	sadd.s32 $0x83, s1;
	s0 =	sand.u32 $0x3, s24;
	[tilespmem:s21+$0xC40] =	vst v4  }
0x29f: {  	s0 =	sshll.u32 s0, $0x8;
	v3 =	vmov s1;
	[tilespmem:s21+$0xC50] =	vst v4  }
0x2a0: {  	s1 =	sadd.s32 s0, s23;
	[tilespmem:s21+$0xC60] =	vst v4  }
0x2a1: {  	s0 =	sor.u32 $0xC00, s1;
	s3 =	sadd.s32 $0x80, s1;
	[tilespmem:s21+$0xC70] =	vst v4  }
0x2a2: {  	s28 =	sor.u32 $0xC00, s3;
	s29 =	sor.u32 $0xC10, s3;
	[tilespmem:s0+$0x400] =	vst v4;
	s0 =	sor.u32 $0xC10, s1  }
0x2a3: {  	s2 =	sor.u32 $0xC20, s1;
	s30 =	sor.u32 $0xC30, s3;
	[tilespmem:s0+$0x400] =	vst v4;
	s0 =	sor.u32 $0xC20, s3  }
0x2a4: {  	s5 =	sor.u32 $0xC30, s1;
	s31 =	sor.u32 $0xC50, s3;
	[tilespmem:s2+$0x400] =	vst v4;
	v3 =	vld.idx.msk [tilespmem:v3+s14+$0x0], $0xffff;
	s2 =	sor.u32 $0xC40, s3  }
0x2a5: {  	s26 =	sor.u32 $0xC60, s3;
	s25 =	sor.u32 $0xC70, s3;
	[tilespmem:s5+$0x400] =	vst v4;
	s5 =	sor.u32 $0xC40, s1  }
0x2a6: {  	s3 =	sor.u32 $0xC50, s1;
	[tilespmem:s5+$0x400] =	vst v4  }
0x2a7: {  	[tilespmem:s3+$0x400] =	vst v4;
	s3 =	sor.u32 $0xC60, s1  }
0x2a8: {  	s1 =	sor.u32 $0xC70, s1;
	[tilespmem:s3+$0x400] =	vst v4  }
0x2a9: {  	[tilespmem:s1+$0x400] =	vst v4  }
0x2aa: {  	[tilespmem:s21+$0x480] =	vst v3  }
0x2ab: {  	[tilespmem:s21+$0x490] =	vst v3  }
0x2ac: {  	[tilespmem:s21+$0x4A0] =	vst v3  }
0x2ad: {  	[tilespmem:s21+$0x4B0] =	vst v3  }
0x2ae: {  	[tilespmem:s21+$0x4C0] =	vst v3  }
0x2af: {  	[tilespmem:s21+$0x4D0] =	vst v3  }
0x2b0: {  	[tilespmem:s21+$0x4E0] =	vst v3  }
0x2b1: {  	[tilespmem:s21+$0x4F0] =	vst v3  }
0x2b2: {  	[tilespmem:s21+$0x880] =	vst v3  }
0x2b3: {  	[tilespmem:s21+$0x890] =	vst v3  }
0x2b4: {  	[tilespmem:s21+$0x8A0] =	vst v3  }
0x2b5: {  	[tilespmem:s21+$0x8B0] =	vst v3  }
.Ltmp3:
0x2b6: {  	[tilespmem:s21+$0x8C0] =	vst v3;
	(pc) =	sbr.rel @p0 .LBB2_8-.Ltmp3, $4  }
0x2b7: {  	[tilespmem:s21+$0x8D0] =	vst v3  }
0x2b8: {  	[tilespmem:s21+$0x8E0] =	vst v3  }
0x2b9: {  	[tilespmem:s21+$0x8F0] =	vst v3  }
0x2ba: {  	[tilespmem:s21+$0xC80] =	vst v3  }
0x2bb: {  	[tilespmem:s21+$0xC90] =	vst v3  }
0x2bc: {  	[tilespmem:s21+$0xCA0] =	vst v3  }
0x2bd: {  	[tilespmem:s21+$0xCB0] =	vst v3  }
0x2be: {  	[tilespmem:s21+$0xCC0] =	vst v3  }
0x2bf: {  	[tilespmem:s21+$0xCD0] =	vst v3  }
0x2c0: {  	[tilespmem:s21+$0xCE0] =	vst v3  }
0x2c1: {  	[tilespmem:s21+$0xCF0] =	vst v3  }
0x2c2: {  	[tilespmem:s28+$0x400] =	vst v3  }
0x2c3: {  	[tilespmem:s29+$0x400] =	vst v3  }
0x2c4: {  	[tilespmem:s0+$0x400] =	vst v3  }
0x2c5: {  	s21 =	simm.s32 $0xC0;
	[tilespmem:s30+$0x400] =	vst v3  }
0x2c6: {  	v4 =	vmov s21;
	[tilespmem:s2+$0x400] =	vst v3  }
0x2c7: {  	v4 =	vand.u32 $0xFFFFFFFE, v4;
	[tilespmem:s31+$0x400] =	vst v3  }
0x2c8: {  	v4 =	vbroadcast v4, $0x0;
	[tilespmem:s26+$0x400] =	vst v3  }
0x2c9: {  	s20 =	simm.s32 $0x0;
	[tilespmem:s25+$0x400] =	vst v3  }
0x2ca: {  	[hbm4b:s6+s20] =	stream.linear.scatter [tilespmem:s15], [sflag:$0x1], $0x8000, $0x38;
	[tilespmem:$0x10400] =	vst v63  }
0x2cb: {  	_ =	swait.ge [sflag:s18], $0x8000  }
0x2cc: {  	[sflag:s18] =	ssyncset.done $0x0  }
0x2cd: {  	[sflag:s18] =	ssyncadd.s32 $0xFFFF8000  }
0x2ce: {  	v4 =	vld.idx.msk [tilespmem:v4+s14+$0x0], $0xffff;
	_ =	sdelay $0x2  }
0x2cf: {  	s22 =	sand.u32 $0x7000, s20;
	s1 =	sand.u32 $0x300, s20  }
0x2d0: {  	s21 =	sor.u32 s1, s22  }
0x2d1: {  	[tilespmem:s21+$0x8400] =	vst v4  }
0x2d2: {  	[tilespmem:s21+$0x8410] =	vst v4  }
0x2d3: {  	[tilespmem:s21+$0x8420] =	vst v4  }
0x2d4: {  	[tilespmem:s21+$0x8430] =	vst v4  }
0x2d5: {  	[tilespmem:s21+$0x8440] =	vst v4  }
0x2d6: {  	[tilespmem:s21+$0x8450] =	vst v4  }
0x2d7: {  	[tilespmem:s21+$0x8460] =	vst v4  }
0x2d8: {  	[tilespmem:s21+$0x8470] =	vst v4  }
0x2d9: {  	[tilespmem:s21+$0x8800] =	vst v4  }
0x2da: {  	[tilespmem:s21+$0x8810] =	vst v4  }
0x2db: {  	[tilespmem:s21+$0x8820] =	vst v4  }
0x2dc: {  	[tilespmem:s21+$0x8830] =	vst v4  }
0x2dd: {  	[tilespmem:s21+$0x8840] =	vst v4  }
0x2de: {  	s24 =	simm.s32 $0xC1;
	[tilespmem:s21+$0x8850] =	vst v4  }
0x2df: {  	v3 =	vmov s24;
	[tilespmem:s21+$0x8860] =	vst v4  }
0x2e0: {  	[tilespmem:s21+$0x8870] =	vst v4  }
0x2e1: {  	[tilespmem:s21+$0x8C00] =	vst v4  }
0x2e2: {  	[tilespmem:s21+$0x8C10] =	vst v4  }
0x2e3: {  	[tilespmem:s21+$0x8C20] =	vst v4  }
0x2e4: {  	v3 =	vld.idx.msk [tilespmem:v3+s14+$0x0], $0xffff;
	[tilespmem:s21+$0x8C30] =	vst v4  }
0x2e5: {  	[tilespmem:s21+$0x8C40] =	vst v4  }
0x2e6: {  	[tilespmem:s21+$0x8C50] =	vst v4  }
0x2e7: {  	[tilespmem:s21+$0x8C60] =	vst v4  }
0x2e8: {  	[tilespmem:s21+$0x8C70] =	vst v4  }
0x2e9: {  	[tilespmem:s21+$0x8480] =	vst v3  }
0x2ea: {  	[tilespmem:s21+$0x8490] =	vst v3  }
0x2eb: {  	[tilespmem:s21+$0x84A0] =	vst v3  }
0x2ec: {  	[tilespmem:s21+$0x84B0] =	vst v3  }
0x2ed: {  	[tilespmem:s21+$0x84C0] =	vst v3  }
0x2ee: {  	[tilespmem:s21+$0x84D0] =	vst v3  }
0x2ef: {  	[tilespmem:s21+$0x84E0] =	vst v3  }
0x2f0: {  	[tilespmem:s21+$0x84F0] =	vst v3  }
0x2f1: {  	[tilespmem:s21+$0x8880] =	vst v3  }
0x2f2: {  	[tilespmem:s21+$0x8890] =	vst v3  }
0x2f3: {  	[tilespmem:s21+$0x88A0] =	vst v3  }
0x2f4: {  	[tilespmem:s21+$0x88B0] =	vst v3  }
0x2f5: {  	[tilespmem:s21+$0x88C0] =	vst v3  }
0x2f6: {  	s23 =	sand.u32 $0x3, s20;
	[tilespmem:s21+$0x88D0] =	vst v3  }
0x2f7: {  	s0 =	sshll.u32 s23, $0x8;
	[tilespmem:s21+$0x88E0] =	vst v3  }
0x2f8: {  	s0 =	sadd.s32 $0x0, s0;
	[tilespmem:s21+$0x88F0] =	vst v3  }
0x2f9: {  	s25 =	sor.u32 $0xC00, s0;
	[tilespmem:s21+$0x8C80] =	vst v3  }
0x2fa: {  	s26 =	sor.u32 $0xC10, s0;
	[tilespmem:s25+$0x8400] =	vst v4  }
0x2fb: {  	s2 =	sor.u32 $0xC20, s0;
	[tilespmem:s26+$0x8400] =	vst v4  }
0x2fc: {  	s3 =	sor.u32 $0xC30, s0;
	s5 =	sor.u32 $0xC40, s0;
	[tilespmem:s2+$0x8400] =	vst v4  }
0x2fd: {  	s22 =	sor.u32 $0xC50, s0;
	s23 =	sor.u32 $0xC60, s0;
	s25 =	sadd.s32 $0x80, s0;
	[tilespmem:s3+$0x8400] =	vst v4  }
0x2fe: {  	s24 =	sor.u32 $0xC70, s0;
	s28 =	sor.u32 $0xC00, s25;
	s29 =	sor.u32 $0xC10, s25;
	[tilespmem:s5+$0x8400] =	vst v4  }
0x2ff: {  	s0 =	sor.u32 $0xC20, s25;
	s30 =	sor.u32 $0xC30, s25;
	s31 =	sor.u32 $0xC50, s25;
	[tilespmem:s22+$0x8400] =	vst v4  }
0x300: {  	s26 =	sor.u32 $0xC60, s25;
	s2 =	sor.u32 $0xC40, s25;
	s25 =	sor.u32 $0xC70, s25;
	[tilespmem:s23+$0x8400] =	vst v4  }
0x301: {  	s22 =	simm.s32 $0x0;
	s23 =	simm.s32 $0x0;
	[tilespmem:s24+$0x8400] =	vst v4;
	s24 =	simm.s32 $0x0  }
.LBB2_10:
0x302: {  	s3 =	sadd.s32 $0xC2, s22;
	[tilespmem:s21+$0x8C90] =	vst v3;
	s1 =	smov.u32 s22  }
0x303: {  	v4 =	vmov s3;
	[tilespmem:s21+$0x8CA0] =	vst v3  }
0x304: {  	v4 =	vand.u32 $0xFFFFFFFE, v4;
	[tilespmem:s21+$0x8CB0] =	vst v3  }
0x305: {  	v4 =	vbroadcast v4, $0x0;
	[tilespmem:s21+$0x8CC0] =	vst v3  }
0x306: {  	[tilespmem:s21+$0x8CD0] =	vst v3  }
0x307: {  	[tilespmem:s21+$0x8CE0] =	vst v3  }
0x308: {  	[tilespmem:s21+$0x8CF0] =	vst v3  }
0x309: {  	[tilespmem:s28+$0x8400] =	vst v3  }
0x30a: {  	[tilespmem:s29+$0x8400] =	vst v3  }
0x30b: {  	v4 =	vld.idx.msk [tilespmem:v4+s14+$0x0], $0xffff;
	[tilespmem:s0+$0x8400] =	vst v3  }
0x30c: {  	[tilespmem:s30+$0x8400] =	vst v3  }
0x30d: {  	[tilespmem:s2+$0x8400] =	vst v3  }
0x30e: {  	s20 =	sadd.s32 $0x100, s20;
	s23 =	sadd.s32 $0x400, s23;
	[tilespmem:s31+$0x8400] =	vst v3  }
0x30f: {  	s0 =	sand.u32 $0x7000, s23;
	s2 =	sand.u32 $0x300, s20;
	[tilespmem:s26+$0x8400] =	vst v3  }
0x310: {  	s21 =	sor.u32 s2, s0;
	[tilespmem:s25+$0x8400] =	vst v3  }
0x311: {  	[tilespmem:s21+$0x8400] =	vst v4  }
0x312: {  	[tilespmem:s21+$0x8410] =	vst v4  }
0x313: {  	[tilespmem:s21+$0x8420] =	vst v4  }
0x314: {  	[tilespmem:s21+$0x8430] =	vst v4  }
0x315: {  	[tilespmem:s21+$0x8440] =	vst v4  }
0x316: {  	[tilespmem:s21+$0x8450] =	vst v4  }
0x317: {  	[tilespmem:s21+$0x8460] =	vst v4  }
0x318: {  	[tilespmem:s21+$0x8470] =	vst v4  }
0x319: {  	[tilespmem:s21+$0x8800] =	vst v4  }
0x31a: {  	[tilespmem:s21+$0x8810] =	vst v4  }
0x31b: {  	[tilespmem:s21+$0x8820] =	vst v4  }
0x31c: {  	[tilespmem:s21+$0x8830] =	vst v4  }
0x31d: {  	[tilespmem:s21+$0x8840] =	vst v4  }
0x31e: {  	[tilespmem:s21+$0x8850] =	vst v4  }
0x31f: {  	[tilespmem:s21+$0x8860] =	vst v4  }
0x320: {  	[tilespmem:s21+$0x8870] =	vst v4  }
0x321: {  	s22 =	sadd.s32 $0x2, s22;
	[tilespmem:s21+$0x8C00] =	vst v4  }
0x322: {  	p0 =	slt.u32 s22, $0x3E;
	[tilespmem:s21+$0x8C10] =	vst v4  }
0x323: {  	[tilespmem:s21+$0x8C20] =	vst v4  }
0x324: {  	s24 =	sadd.s32 $0x1, s24;
	[tilespmem:s21+$0x8C30] =	vst v4  }
0x325: {  	s1 =	sadd.s32 $0xC3, s1;
	s0 =	sand.u32 $0x3, s24;
	[tilespmem:s21+$0x8C40] =	vst v4  }
0x326: {  	s0 =	sshll.u32 s0, $0x8;
	v3 =	vmov s1;
	[tilespmem:s21+$0x8C50] =	vst v4  }
0x327: {  	s1 =	sadd.s32 s0, s23;
	[tilespmem:s21+$0x8C60] =	vst v4  }
0x328: {  	s0 =	sor.u32 $0xC00, s1;
	s3 =	sadd.s32 $0x80, s1;
	[tilespmem:s21+$0x8C70] =	vst v4  }
0x329: {  	s28 =	sor.u32 $0xC00, s3;
	s29 =	sor.u32 $0xC10, s3;
	[tilespmem:s0+$0x8400] =	vst v4;
	s0 =	sor.u32 $0xC10, s1  }
0x32a: {  	s2 =	sor.u32 $0xC20, s1;
	s30 =	sor.u32 $0xC30, s3;
	[tilespmem:s0+$0x8400] =	vst v4;
	s0 =	sor.u32 $0xC20, s3  }
0x32b: {  	s5 =	sor.u32 $0xC30, s1;
	s31 =	sor.u32 $0xC50, s3;
	[tilespmem:s2+$0x8400] =	vst v4;
	v3 =	vld.idx.msk [tilespmem:v3+s14+$0x0], $0xffff;
	s2 =	sor.u32 $0xC40, s3  }
0x32c: {  	s26 =	sor.u32 $0xC60, s3;
	s25 =	sor.u32 $0xC70, s3;
	[tilespmem:s5+$0x8400] =	vst v4;
	s5 =	sor.u32 $0xC40, s1  }
0x32d: {  	s3 =	sor.u32 $0xC50, s1;
	[tilespmem:s5+$0x8400] =	vst v4  }
0x32e: {  	[tilespmem:s3+$0x8400] =	vst v4;
	s3 =	sor.u32 $0xC60, s1  }
0x32f: {  	s1 =	sor.u32 $0xC70, s1;
	[tilespmem:s3+$0x8400] =	vst v4  }
0x330: {  	[tilespmem:s1+$0x8400] =	vst v4  }
0x331: {  	[tilespmem:s21+$0x8480] =	vst v3  }
0x332: {  	[tilespmem:s21+$0x8490] =	vst v3  }
0x333: {  	[tilespmem:s21+$0x84A0] =	vst v3  }
0x334: {  	[tilespmem:s21+$0x84B0] =	vst v3  }
0x335: {  	[tilespmem:s21+$0x84C0] =	vst v3  }
0x336: {  	[tilespmem:s21+$0x84D0] =	vst v3  }
0x337: {  	[tilespmem:s21+$0x84E0] =	vst v3  }
0x338: {  	[tilespmem:s21+$0x84F0] =	vst v3  }
0x339: {  	[tilespmem:s21+$0x8880] =	vst v3  }
0x33a: {  	[tilespmem:s21+$0x8890] =	vst v3  }
0x33b: {  	[tilespmem:s21+$0x88A0] =	vst v3  }
0x33c: {  	[tilespmem:s21+$0x88B0] =	vst v3  }
.Ltmp4:
0x33d: {  	[tilespmem:s21+$0x88C0] =	vst v3;
	(pc) =	sbr.rel @p0 .LBB2_10-.Ltmp4, $4  }
0x33e: {  	[tilespmem:s21+$0x88D0] =	vst v3  }
0x33f: {  	[tilespmem:s21+$0x88E0] =	vst v3  }
0x340: {  	[tilespmem:s21+$0x88F0] =	vst v3  }
0x341: {  	[tilespmem:s21+$0x8C80] =	vst v3  }
0x342: {  	[tilespmem:s21+$0x8C90] =	vst v3  }
0x343: {  	[tilespmem:s21+$0x8CA0] =	vst v3  }
0x344: {  	[tilespmem:s21+$0x8CB0] =	vst v3  }
0x345: {  	[tilespmem:s21+$0x8CC0] =	vst v3  }
0x346: {  	[tilespmem:s21+$0x8CD0] =	vst v3  }
0x347: {  	[tilespmem:s21+$0x8CE0] =	vst v3  }
0x348: {  	[tilespmem:s21+$0x8CF0] =	vst v3  }
0x349: {  	[tilespmem:s28+$0x8400] =	vst v3  }
0x34a: {  	[tilespmem:s29+$0x8400] =	vst v3  }
0x34b: {  	[tilespmem:s0+$0x8400] =	vst v3  }
0x34c: {  	s21 =	simm.s32 $0x100;
	[tilespmem:s30+$0x8400] =	vst v3  }
0x34d: {  	v4 =	vmov s21;
	[tilespmem:s2+$0x8400] =	vst v3  }
0x34e: {  	v4 =	vand.u32 $0xFFFFFFFE, v4;
	[tilespmem:s31+$0x8400] =	vst v3  }
0x34f: {  	v4 =	vbroadcast v4, $0x0;
	[tilespmem:s26+$0x8400] =	vst v3  }
0x350: {  	s20 =	simm.s32 $0x0;
	[tilespmem:s25+$0x8400] =	vst v3  }
0x351: {  	[hbm4b:s7+s20] =	stream.linear.scatter [tilespmem:s16], [sflag:$0x2], $0x8000, $0x38;
	[tilespmem:$0x10400] =	vst v63  }
0x352: {  	_ =	swait.ge [sflag:s17], $0x8000  }
0x353: {  	[sflag:s17] =	ssyncset.done $0x0  }
0x354: {  	[sflag:s17] =	ssyncadd.s32 $0xFFFF8000  }
0x355: {  	v4 =	vld.idx.msk [tilespmem:v4+s14+$0x0], $0xffff;
	_ =	sdelay $0x2  }
0x356: {  	s22 =	sand.u32 $0x7000, s20;
	s1 =	sand.u32 $0x300, s20  }
0x357: {  	s21 =	sor.u32 s1, s22  }
0x358: {  	[tilespmem:s21+$0x400] =	vst v4  }
0x359: {  	[tilespmem:s21+$0x410] =	vst v4  }
0x35a: {  	[tilespmem:s21+$0x420] =	vst v4  }
0x35b: {  	[tilespmem:s21+$0x430] =	vst v4  }
0x35c: {  	[tilespmem:s21+$0x440] =	vst v4  }
0x35d: {  	[tilespmem:s21+$0x450] =	vst v4  }
0x35e: {  	[tilespmem:s21+$0x460] =	vst v4  }
0x35f: {  	[tilespmem:s21+$0x470] =	vst v4  }
0x360: {  	[tilespmem:s21+$0x800] =	vst v4  }
0x361: {  	[tilespmem:s21+$0x810] =	vst v4  }
0x362: {  	[tilespmem:s21+$0x820] =	vst v4  }
0x363: {  	[tilespmem:s21+$0x830] =	vst v4  }
0x364: {  	[tilespmem:s21+$0x840] =	vst v4  }
0x365: {  	s24 =	simm.s32 $0x101;
	[tilespmem:s21+$0x850] =	vst v4  }
0x366: {  	v3 =	vmov s24;
	[tilespmem:s21+$0x860] =	vst v4  }
0x367: {  	[tilespmem:s21+$0x870] =	vst v4  }
0x368: {  	[tilespmem:s21+$0xC00] =	vst v4  }
0x369: {  	[tilespmem:s21+$0xC10] =	vst v4  }
0x36a: {  	[tilespmem:s21+$0xC20] =	vst v4  }
0x36b: {  	v3 =	vld.idx.msk [tilespmem:v3+s14+$0x0], $0xffff;
	[tilespmem:s21+$0xC30] =	vst v4  }
0x36c: {  	[tilespmem:s21+$0xC40] =	vst v4  }
0x36d: {  	[tilespmem:s21+$0xC50] =	vst v4  }
0x36e: {  	[tilespmem:s21+$0xC60] =	vst v4  }
0x36f: {  	[tilespmem:s21+$0xC70] =	vst v4  }
0x370: {  	[tilespmem:s21+$0x480] =	vst v3  }
0x371: {  	[tilespmem:s21+$0x490] =	vst v3  }
0x372: {  	[tilespmem:s21+$0x4A0] =	vst v3  }
0x373: {  	[tilespmem:s21+$0x4B0] =	vst v3  }
0x374: {  	[tilespmem:s21+$0x4C0] =	vst v3  }
0x375: {  	[tilespmem:s21+$0x4D0] =	vst v3  }
0x376: {  	[tilespmem:s21+$0x4E0] =	vst v3  }
0x377: {  	[tilespmem:s21+$0x4F0] =	vst v3  }
0x378: {  	[tilespmem:s21+$0x880] =	vst v3  }
0x379: {  	[tilespmem:s21+$0x890] =	vst v3  }
0x37a: {  	[tilespmem:s21+$0x8A0] =	vst v3  }
0x37b: {  	[tilespmem:s21+$0x8B0] =	vst v3  }
0x37c: {  	[tilespmem:s21+$0x8C0] =	vst v3  }
0x37d: {  	s23 =	sand.u32 $0x3, s20;
	[tilespmem:s21+$0x8D0] =	vst v3  }
0x37e: {  	s0 =	sshll.u32 s23, $0x8;
	[tilespmem:s21+$0x8E0] =	vst v3  }
0x37f: {  	s0 =	sadd.s32 $0x0, s0;
	[tilespmem:s21+$0x8F0] =	vst v3  }
0x380: {  	s25 =	sor.u32 $0xC00, s0;
	[tilespmem:s21+$0xC80] =	vst v3  }
0x381: {  	s26 =	sor.u32 $0xC10, s0;
	[tilespmem:s25+$0x400] =	vst v4  }
0x382: {  	s2 =	sor.u32 $0xC20, s0;
	[tilespmem:s26+$0x400] =	vst v4  }
0x383: {  	s3 =	sor.u32 $0xC30, s0;
	s5 =	sor.u32 $0xC40, s0;
	[tilespmem:s2+$0x400] =	vst v4  }
0x384: {  	s22 =	sor.u32 $0xC50, s0;
	s23 =	sor.u32 $0xC60, s0;
	s25 =	sadd.s32 $0x80, s0;
	[tilespmem:s3+$0x400] =	vst v4  }
0x385: {  	s24 =	sor.u32 $0xC70, s0;
	s28 =	sor.u32 $0xC00, s25;
	s29 =	sor.u32 $0xC10, s25;
	[tilespmem:s5+$0x400] =	vst v4  }
0x386: {  	s0 =	sor.u32 $0xC20, s25;
	s30 =	sor.u32 $0xC30, s25;
	s31 =	sor.u32 $0xC50, s25;
	[tilespmem:s22+$0x400] =	vst v4  }
0x387: {  	s26 =	sor.u32 $0xC60, s25;
	s2 =	sor.u32 $0xC40, s25;
	s25 =	sor.u32 $0xC70, s25;
	[tilespmem:s23+$0x400] =	vst v4  }
0x388: {  	s22 =	simm.s32 $0x0;
	s23 =	simm.s32 $0x0;
	[tilespmem:s24+$0x400] =	vst v4;
	s24 =	simm.s32 $0x0  }
.LBB2_12:
0x389: {  	s3 =	sadd.s32 $0x102, s22;
	[tilespmem:s21+$0xC90] =	vst v3;
	s1 =	smov.u32 s22  }
0x38a: {  	v4 =	vmov s3;
	[tilespmem:s21+$0xCA0] =	vst v3  }
0x38b: {  	v4 =	vand.u32 $0xFFFFFFFE, v4;
	[tilespmem:s21+$0xCB0] =	vst v3  }
0x38c: {  	v4 =	vbroadcast v4, $0x0;
	[tilespmem:s21+$0xCC0] =	vst v3  }
0x38d: {  	[tilespmem:s21+$0xCD0] =	vst v3  }
0x38e: {  	[tilespmem:s21+$0xCE0] =	vst v3  }
0x38f: {  	[tilespmem:s21+$0xCF0] =	vst v3  }
0x390: {  	[tilespmem:s28+$0x400] =	vst v3  }
0x391: {  	[tilespmem:s29+$0x400] =	vst v3  }
0x392: {  	v4 =	vld.idx.msk [tilespmem:v4+s14+$0x0], $0xffff;
	[tilespmem:s0+$0x400] =	vst v3  }
0x393: {  	[tilespmem:s30+$0x400] =	vst v3  }
0x394: {  	[tilespmem:s2+$0x400] =	vst v3  }
0x395: {  	s20 =	sadd.s32 $0x100, s20;
	s23 =	sadd.s32 $0x400, s23;
	[tilespmem:s31+$0x400] =	vst v3  }
0x396: {  	s0 =	sand.u32 $0x7000, s23;
	s2 =	sand.u32 $0x300, s20;
	[tilespmem:s26+$0x400] =	vst v3  }
0x397: {  	s21 =	sor.u32 s2, s0;
	[tilespmem:s25+$0x400] =	vst v3  }
0x398: {  	[tilespmem:s21+$0x400] =	vst v4  }
0x399: {  	[tilespmem:s21+$0x410] =	vst v4  }
0x39a: {  	[tilespmem:s21+$0x420] =	vst v4  }
0x39b: {  	[tilespmem:s21+$0x430] =	vst v4  }
0x39c: {  	[tilespmem:s21+$0x440] =	vst v4  }
0x39d: {  	[tilespmem:s21+$0x450] =	vst v4  }
0x39e: {  	[tilespmem:s21+$0x460] =	vst v4  }
0x39f: {  	[tilespmem:s21+$0x470] =	vst v4  }
0x3a0: {  	[tilespmem:s21+$0x800] =	vst v4  }
0x3a1: {  	[tilespmem:s21+$0x810] =	vst v4  }
0x3a2: {  	[tilespmem:s21+$0x820] =	vst v4  }
0x3a3: {  	[tilespmem:s21+$0x830] =	vst v4  }
0x3a4: {  	[tilespmem:s21+$0x840] =	vst v4  }
0x3a5: {  	[tilespmem:s21+$0x850] =	vst v4  }
0x3a6: {  	[tilespmem:s21+$0x860] =	vst v4  }
0x3a7: {  	[tilespmem:s21+$0x870] =	vst v4  }
0x3a8: {  	s22 =	sadd.s32 $0x2, s22;
	[tilespmem:s21+$0xC00] =	vst v4  }
0x3a9: {  	p0 =	slt.u32 s22, $0x3E;
	[tilespmem:s21+$0xC10] =	vst v4  }
0x3aa: {  	[tilespmem:s21+$0xC20] =	vst v4  }
0x3ab: {  	s24 =	sadd.s32 $0x1, s24;
	[tilespmem:s21+$0xC30] =	vst v4  }
0x3ac: {  	s1 =	sadd.s32 $0x103, s1;
	s0 =	sand.u32 $0x3, s24;
	[tilespmem:s21+$0xC40] =	vst v4  }
0x3ad: {  	s0 =	sshll.u32 s0, $0x8;
	v3 =	vmov s1;
	[tilespmem:s21+$0xC50] =	vst v4  }
0x3ae: {  	s1 =	sadd.s32 s0, s23;
	[tilespmem:s21+$0xC60] =	vst v4  }
0x3af: {  	s0 =	sor.u32 $0xC00, s1;
	s3 =	sadd.s32 $0x80, s1;
	[tilespmem:s21+$0xC70] =	vst v4  }
0x3b0: {  	s28 =	sor.u32 $0xC00, s3;
	s29 =	sor.u32 $0xC10, s3;
	[tilespmem:s0+$0x400] =	vst v4;
	s0 =	sor.u32 $0xC10, s1  }
0x3b1: {  	s2 =	sor.u32 $0xC20, s1;
	s30 =	sor.u32 $0xC30, s3;
	[tilespmem:s0+$0x400] =	vst v4;
	s0 =	sor.u32 $0xC20, s3  }
0x3b2: {  	s5 =	sor.u32 $0xC30, s1;
	s31 =	sor.u32 $0xC50, s3;
	[tilespmem:s2+$0x400] =	vst v4;
	v3 =	vld.idx.msk [tilespmem:v3+s14+$0x0], $0xffff;
	s2 =	sor.u32 $0xC40, s3  }
0x3b3: {  	s26 =	sor.u32 $0xC60, s3;
	s25 =	sor.u32 $0xC70, s3;
	[tilespmem:s5+$0x400] =	vst v4;
	s5 =	sor.u32 $0xC40, s1  }
0x3b4: {  	s3 =	sor.u32 $0xC50, s1;
	[tilespmem:s5+$0x400] =	vst v4  }
0x3b5: {  	[tilespmem:s3+$0x400] =	vst v4;
	s3 =	sor.u32 $0xC60, s1  }
0x3b6: {  	s1 =	sor.u32 $0xC70, s1;
	[tilespmem:s3+$0x400] =	vst v4  }
0x3b7: {  	[tilespmem:s1+$0x400] =	vst v4  }
0x3b8: {  	[tilespmem:s21+$0x480] =	vst v3  }
0x3b9: {  	[tilespmem:s21+$0x490] =	vst v3  }
0x3ba: {  	[tilespmem:s21+$0x4A0] =	vst v3  }
0x3bb: {  	[tilespmem:s21+$0x4B0] =	vst v3  }
0x3bc: {  	[tilespmem:s21+$0x4C0] =	vst v3  }
0x3bd: {  	[tilespmem:s21+$0x4D0] =	vst v3  }
0x3be: {  	[tilespmem:s21+$0x4E0] =	vst v3  }
0x3bf: {  	[tilespmem:s21+$0x4F0] =	vst v3  }
0x3c0: {  	[tilespmem:s21+$0x880] =	vst v3  }
0x3c1: {  	[tilespmem:s21+$0x890] =	vst v3  }
0x3c2: {  	[tilespmem:s21+$0x8A0] =	vst v3  }
0x3c3: {  	[tilespmem:s21+$0x8B0] =	vst v3  }
.Ltmp5:
0x3c4: {  	[tilespmem:s21+$0x8C0] =	vst v3;
	(pc) =	sbr.rel @p0 .LBB2_12-.Ltmp5, $4  }
0x3c5: {  	[tilespmem:s21+$0x8D0] =	vst v3  }
0x3c6: {  	[tilespmem:s21+$0x8E0] =	vst v3  }
0x3c7: {  	[tilespmem:s21+$0x8F0] =	vst v3  }
0x3c8: {  	[tilespmem:s21+$0xC80] =	vst v3  }
0x3c9: {  	[tilespmem:s21+$0xC90] =	vst v3  }
0x3ca: {  	[tilespmem:s21+$0xCA0] =	vst v3  }
0x3cb: {  	[tilespmem:s21+$0xCB0] =	vst v3  }
0x3cc: {  	[tilespmem:s21+$0xCC0] =	vst v3  }
0x3cd: {  	[tilespmem:s21+$0xCD0] =	vst v3  }
0x3ce: {  	[tilespmem:s21+$0xCE0] =	vst v3  }
0x3cf: {  	[tilespmem:s21+$0xCF0] =	vst v3  }
0x3d0: {  	[tilespmem:s28+$0x400] =	vst v3  }
0x3d1: {  	[tilespmem:s29+$0x400] =	vst v3  }
0x3d2: {  	[tilespmem:s0+$0x400] =	vst v3  }
0x3d3: {  	s21 =	simm.s32 $0x140;
	[tilespmem:s30+$0x400] =	vst v3  }
0x3d4: {  	v4 =	vmov s21;
	[tilespmem:s2+$0x400] =	vst v3  }
0x3d5: {  	v4 =	vand.u32 $0xFFFFFFFE, v4;
	[tilespmem:s31+$0x400] =	vst v3  }
0x3d6: {  	v4 =	vbroadcast v4, $0x0;
	[tilespmem:s26+$0x400] =	vst v3  }
0x3d7: {  	s20 =	simm.s32 $0x0;
	[tilespmem:s25+$0x400] =	vst v3  }
0x3d8: {  	[hbm4b:s8+s20] =	stream.linear.scatter [tilespmem:s15], [sflag:$0x1], $0x8000, $0x38;
	[tilespmem:$0x10400] =	vst v63  }
0x3d9: {  	_ =	swait.ge [sflag:s18], $0x8000  }
0x3da: {  	[sflag:s18] =	ssyncset.done $0x0  }
0x3db: {  	[sflag:s18] =	ssyncadd.s32 $0xFFFF8000  }
0x3dc: {  	v4 =	vld.idx.msk [tilespmem:v4+s14+$0x0], $0xffff;
	_ =	sdelay $0x2  }
0x3dd: {  	s22 =	sand.u32 $0x7000, s20;
	s1 =	sand.u32 $0x300, s20  }
0x3de: {  	s21 =	sor.u32 s1, s22  }
0x3df: {  	[tilespmem:s21+$0x8400] =	vst v4  }
0x3e0: {  	[tilespmem:s21+$0x8410] =	vst v4  }
0x3e1: {  	[tilespmem:s21+$0x8420] =	vst v4  }
0x3e2: {  	[tilespmem:s21+$0x8430] =	vst v4  }
0x3e3: {  	[tilespmem:s21+$0x8440] =	vst v4  }
0x3e4: {  	[tilespmem:s21+$0x8450] =	vst v4  }
0x3e5: {  	[tilespmem:s21+$0x8460] =	vst v4  }
0x3e6: {  	[tilespmem:s21+$0x8470] =	vst v4  }
0x3e7: {  	[tilespmem:s21+$0x8800] =	vst v4  }
0x3e8: {  	[tilespmem:s21+$0x8810] =	vst v4  }
0x3e9: {  	[tilespmem:s21+$0x8820] =	vst v4  }
0x3ea: {  	[tilespmem:s21+$0x8830] =	vst v4  }
0x3eb: {  	[tilespmem:s21+$0x8840] =	vst v4  }
0x3ec: {  	s24 =	simm.s32 $0x141;
	[tilespmem:s21+$0x8850] =	vst v4  }
0x3ed: {  	v3 =	vmov s24;
	[tilespmem:s21+$0x8860] =	vst v4  }
0x3ee: {  	[tilespmem:s21+$0x8870] =	vst v4  }
0x3ef: {  	[tilespmem:s21+$0x8C00] =	vst v4  }
0x3f0: {  	[tilespmem:s21+$0x8C10] =	vst v4  }
0x3f1: {  	[tilespmem:s21+$0x8C20] =	vst v4  }
0x3f2: {  	v3 =	vld.idx.msk [tilespmem:v3+s14+$0x0], $0xffff;
	[tilespmem:s21+$0x8C30] =	vst v4  }
0x3f3: {  	[tilespmem:s21+$0x8C40] =	vst v4  }
0x3f4: {  	[tilespmem:s21+$0x8C50] =	vst v4  }
0x3f5: {  	[tilespmem:s21+$0x8C60] =	vst v4  }
0x3f6: {  	[tilespmem:s21+$0x8C70] =	vst v4  }
0x3f7: {  	[tilespmem:s21+$0x8480] =	vst v3  }
0x3f8: {  	[tilespmem:s21+$0x8490] =	vst v3  }
0x3f9: {  	[tilespmem:s21+$0x84A0] =	vst v3  }
0x3fa: {  	[tilespmem:s21+$0x84B0] =	vst v3  }
0x3fb: {  	[tilespmem:s21+$0x84C0] =	vst v3  }
0x3fc: {  	[tilespmem:s21+$0x84D0] =	vst v3  }
0x3fd: {  	[tilespmem:s21+$0x84E0] =	vst v3  }
0x3fe: {  	[tilespmem:s21+$0x84F0] =	vst v3  }
0x3ff: {  	[tilespmem:s21+$0x8880] =	vst v3  }
0x400: {  	[tilespmem:s21+$0x8890] =	vst v3  }
0x401: {  	[tilespmem:s21+$0x88A0] =	vst v3  }
0x402: {  	[tilespmem:s21+$0x88B0] =	vst v3  }
0x403: {  	[tilespmem:s21+$0x88C0] =	vst v3  }
0x404: {  	s23 =	sand.u32 $0x3, s20;
	[tilespmem:s21+$0x88D0] =	vst v3  }
0x405: {  	s0 =	sshll.u32 s23, $0x8;
	[tilespmem:s21+$0x88E0] =	vst v3  }
0x406: {  	s0 =	sadd.s32 $0x0, s0;
	[tilespmem:s21+$0x88F0] =	vst v3  }
0x407: {  	s25 =	sor.u32 $0xC00, s0;
	[tilespmem:s21+$0x8C80] =	vst v3  }
0x408: {  	s26 =	sor.u32 $0xC10, s0;
	[tilespmem:s25+$0x8400] =	vst v4  }
0x409: {  	s2 =	sor.u32 $0xC20, s0;
	[tilespmem:s26+$0x8400] =	vst v4  }
0x40a: {  	s3 =	sor.u32 $0xC30, s0;
	s5 =	sor.u32 $0xC40, s0;
	[tilespmem:s2+$0x8400] =	vst v4  }
0x40b: {  	s22 =	sor.u32 $0xC50, s0;
	s23 =	sor.u32 $0xC60, s0;
	s25 =	sadd.s32 $0x80, s0;
	[tilespmem:s3+$0x8400] =	vst v4  }
0x40c: {  	s24 =	sor.u32 $0xC70, s0;
	s28 =	sor.u32 $0xC00, s25;
	s29 =	sor.u32 $0xC10, s25;
	[tilespmem:s5+$0x8400] =	vst v4  }
0x40d: {  	s0 =	sor.u32 $0xC20, s25;
	s30 =	sor.u32 $0xC30, s25;
	s31 =	sor.u32 $0xC50, s25;
	[tilespmem:s22+$0x8400] =	vst v4  }
0x40e: {  	s26 =	sor.u32 $0xC60, s25;
	s2 =	sor.u32 $0xC40, s25;
	s25 =	sor.u32 $0xC70, s25;
	[tilespmem:s23+$0x8400] =	vst v4  }
0x40f: {  	s22 =	simm.s32 $0x0;
	s23 =	simm.s32 $0x0;
	[tilespmem:s24+$0x8400] =	vst v4;
	s24 =	simm.s32 $0x0  }
.LBB2_14:
0x410: {  	s3 =	sadd.s32 $0x142, s22;
	[tilespmem:s21+$0x8C90] =	vst v3;
	s1 =	smov.u32 s22  }
0x411: {  	v4 =	vmov s3;
	[tilespmem:s21+$0x8CA0] =	vst v3  }
0x412: {  	v4 =	vand.u32 $0xFFFFFFFE, v4;
	[tilespmem:s21+$0x8CB0] =	vst v3  }
0x413: {  	v4 =	vbroadcast v4, $0x0;
	[tilespmem:s21+$0x8CC0] =	vst v3  }
0x414: {  	[tilespmem:s21+$0x8CD0] =	vst v3  }
0x415: {  	[tilespmem:s21+$0x8CE0] =	vst v3  }
0x416: {  	[tilespmem:s21+$0x8CF0] =	vst v3  }
0x417: {  	[tilespmem:s28+$0x8400] =	vst v3  }
0x418: {  	[tilespmem:s29+$0x8400] =	vst v3  }
0x419: {  	v4 =	vld.idx.msk [tilespmem:v4+s14+$0x0], $0xffff;
	[tilespmem:s0+$0x8400] =	vst v3  }
0x41a: {  	[tilespmem:s30+$0x8400] =	vst v3  }
0x41b: {  	[tilespmem:s2+$0x8400] =	vst v3  }
0x41c: {  	s20 =	sadd.s32 $0x100, s20;
	s23 =	sadd.s32 $0x400, s23;
	[tilespmem:s31+$0x8400] =	vst v3  }
0x41d: {  	s0 =	sand.u32 $0x7000, s23;
	s2 =	sand.u32 $0x300, s20;
	[tilespmem:s26+$0x8400] =	vst v3  }
0x41e: {  	s21 =	sor.u32 s2, s0;
	[tilespmem:s25+$0x8400] =	vst v3  }
0x41f: {  	[tilespmem:s21+$0x8400] =	vst v4  }
0x420: {  	[tilespmem:s21+$0x8410] =	vst v4  }
0x421: {  	[tilespmem:s21+$0x8420] =	vst v4  }
0x422: {  	[tilespmem:s21+$0x8430] =	vst v4  }
0x423: {  	[tilespmem:s21+$0x8440] =	vst v4  }
0x424: {  	[tilespmem:s21+$0x8450] =	vst v4  }
0x425: {  	[tilespmem:s21+$0x8460] =	vst v4  }
0x426: {  	[tilespmem:s21+$0x8470] =	vst v4  }
0x427: {  	[tilespmem:s21+$0x8800] =	vst v4  }
0x428: {  	[tilespmem:s21+$0x8810] =	vst v4  }
0x429: {  	[tilespmem:s21+$0x8820] =	vst v4  }
0x42a: {  	[tilespmem:s21+$0x8830] =	vst v4  }
0x42b: {  	[tilespmem:s21+$0x8840] =	vst v4  }
0x42c: {  	[tilespmem:s21+$0x8850] =	vst v4  }
0x42d: {  	[tilespmem:s21+$0x8860] =	vst v4  }
0x42e: {  	[tilespmem:s21+$0x8870] =	vst v4  }
0x42f: {  	s22 =	sadd.s32 $0x2, s22;
	[tilespmem:s21+$0x8C00] =	vst v4  }
0x430: {  	p0 =	slt.u32 s22, $0x3E;
	[tilespmem:s21+$0x8C10] =	vst v4  }
0x431: {  	[tilespmem:s21+$0x8C20] =	vst v4  }
0x432: {  	s24 =	sadd.s32 $0x1, s24;
	[tilespmem:s21+$0x8C30] =	vst v4  }
0x433: {  	s1 =	sadd.s32 $0x143, s1;
	s0 =	sand.u32 $0x3, s24;
	[tilespmem:s21+$0x8C40] =	vst v4  }
0x434: {  	s0 =	sshll.u32 s0, $0x8;
	v3 =	vmov s1;
	[tilespmem:s21+$0x8C50] =	vst v4  }
0x435: {  	s1 =	sadd.s32 s0, s23;
	[tilespmem:s21+$0x8C60] =	vst v4  }
0x436: {  	s0 =	sor.u32 $0xC00, s1;
	s3 =	sadd.s32 $0x80, s1;
	[tilespmem:s21+$0x8C70] =	vst v4  }
0x437: {  	s28 =	sor.u32 $0xC00, s3;
	s29 =	sor.u32 $0xC10, s3;
	[tilespmem:s0+$0x8400] =	vst v4;
	s0 =	sor.u32 $0xC10, s1  }
0x438: {  	s2 =	sor.u32 $0xC20, s1;
	s30 =	sor.u32 $0xC30, s3;
	[tilespmem:s0+$0x8400] =	vst v4;
	s0 =	sor.u32 $0xC20, s3  }
0x439: {  	s5 =	sor.u32 $0xC30, s1;
	s31 =	sor.u32 $0xC50, s3;
	[tilespmem:s2+$0x8400] =	vst v4;
	v3 =	vld.idx.msk [tilespmem:v3+s14+$0x0], $0xffff;
	s2 =	sor.u32 $0xC40, s3  }
0x43a: {  	s26 =	sor.u32 $0xC60, s3;
	s25 =	sor.u32 $0xC70, s3;
	[tilespmem:s5+$0x8400] =	vst v4;
	s5 =	sor.u32 $0xC40, s1  }
0x43b: {  	s3 =	sor.u32 $0xC50, s1;
	[tilespmem:s5+$0x8400] =	vst v4  }
0x43c: {  	[tilespmem:s3+$0x8400] =	vst v4;
	s3 =	sor.u32 $0xC60, s1  }
0x43d: {  	s1 =	sor.u32 $0xC70, s1;
	[tilespmem:s3+$0x8400] =	vst v4  }
0x43e: {  	[tilespmem:s1+$0x8400] =	vst v4  }
0x43f: {  	[tilespmem:s21+$0x8480] =	vst v3  }
0x440: {  	[tilespmem:s21+$0x8490] =	vst v3  }
0x441: {  	[tilespmem:s21+$0x84A0] =	vst v3  }
0x442: {  	[tilespmem:s21+$0x84B0] =	vst v3  }
0x443: {  	[tilespmem:s21+$0x84C0] =	vst v3  }
0x444: {  	[tilespmem:s21+$0x84D0] =	vst v3  }
0x445: {  	[tilespmem:s21+$0x84E0] =	vst v3  }
0x446: {  	[tilespmem:s21+$0x84F0] =	vst v3  }
0x447: {  	[tilespmem:s21+$0x8880] =	vst v3  }
0x448: {  	[tilespmem:s21+$0x8890] =	vst v3  }
0x449: {  	[tilespmem:s21+$0x88A0] =	vst v3  }
0x44a: {  	[tilespmem:s21+$0x88B0] =	vst v3  }
.Ltmp6:
0x44b: {  	[tilespmem:s21+$0x88C0] =	vst v3;
	(pc) =	sbr.rel @p0 .LBB2_14-.Ltmp6, $4  }
0x44c: {  	[tilespmem:s21+$0x88D0] =	vst v3  }
0x44d: {  	[tilespmem:s21+$0x88E0] =	vst v3  }
0x44e: {  	[tilespmem:s21+$0x88F0] =	vst v3  }
0x44f: {  	[tilespmem:s21+$0x8C80] =	vst v3  }
0x450: {  	[tilespmem:s21+$0x8C90] =	vst v3  }
0x451: {  	[tilespmem:s21+$0x8CA0] =	vst v3  }
0x452: {  	[tilespmem:s21+$0x8CB0] =	vst v3  }
0x453: {  	[tilespmem:s21+$0x8CC0] =	vst v3  }
0x454: {  	[tilespmem:s21+$0x8CD0] =	vst v3  }
0x455: {  	[tilespmem:s21+$0x8CE0] =	vst v3  }
0x456: {  	[tilespmem:s21+$0x8CF0] =	vst v3  }
0x457: {  	[tilespmem:s28+$0x8400] =	vst v3  }
0x458: {  	[tilespmem:s29+$0x8400] =	vst v3  }
0x459: {  	[tilespmem:s0+$0x8400] =	vst v3  }
0x45a: {  	s21 =	simm.s32 $0x180;
	[tilespmem:s30+$0x8400] =	vst v3  }
0x45b: {  	v4 =	vmov s21;
	[tilespmem:s2+$0x8400] =	vst v3  }
0x45c: {  	v4 =	vand.u32 $0xFFFFFFFE, v4;
	[tilespmem:s31+$0x8400] =	vst v3  }
0x45d: {  	v4 =	vbroadcast v4, $0x0;
	[tilespmem:s26+$0x8400] =	vst v3  }
0x45e: {  	s20 =	simm.s32 $0x0;
	[tilespmem:s25+$0x8400] =	vst v3  }
0x45f: {  	[hbm4b:s9+s20] =	stream.linear.scatter [tilespmem:s16], [sflag:$0x2], $0x8000, $0x38;
	[tilespmem:$0x10400] =	vst v63  }
0x460: {  	_ =	swait.ge [sflag:s17], $0x8000  }
0x461: {  	[sflag:s17] =	ssyncset.done $0x0  }
0x462: {  	[sflag:s17] =	ssyncadd.s32 $0xFFFF8000  }
0x463: {  	v4 =	vld.idx.msk [tilespmem:v4+s14+$0x0], $0xffff;
	_ =	sdelay $0x2  }
0x464: {  	s22 =	sand.u32 $0x7000, s20;
	s1 =	sand.u32 $0x300, s20  }
0x465: {  	s21 =	sor.u32 s1, s22  }
0x466: {  	[tilespmem:s21+$0x400] =	vst v4  }
0x467: {  	[tilespmem:s21+$0x410] =	vst v4  }
0x468: {  	[tilespmem:s21+$0x420] =	vst v4  }
0x469: {  	[tilespmem:s21+$0x430] =	vst v4  }
0x46a: {  	[tilespmem:s21+$0x440] =	vst v4  }
0x46b: {  	[tilespmem:s21+$0x450] =	vst v4  }
0x46c: {  	[tilespmem:s21+$0x460] =	vst v4  }
0x46d: {  	[tilespmem:s21+$0x470] =	vst v4  }
0x46e: {  	[tilespmem:s21+$0x800] =	vst v4  }
0x46f: {  	[tilespmem:s21+$0x810] =	vst v4  }
0x470: {  	[tilespmem:s21+$0x820] =	vst v4  }
0x471: {  	[tilespmem:s21+$0x830] =	vst v4  }
0x472: {  	[tilespmem:s21+$0x840] =	vst v4  }
0x473: {  	s24 =	simm.s32 $0x181;
	[tilespmem:s21+$0x850] =	vst v4  }
0x474: {  	v3 =	vmov s24;
	[tilespmem:s21+$0x860] =	vst v4  }
0x475: {  	[tilespmem:s21+$0x870] =	vst v4  }
0x476: {  	[tilespmem:s21+$0xC00] =	vst v4  }
0x477: {  	[tilespmem:s21+$0xC10] =	vst v4  }
0x478: {  	[tilespmem:s21+$0xC20] =	vst v4  }
0x479: {  	v3 =	vld.idx.msk [tilespmem:v3+s14+$0x0], $0xffff;
	[tilespmem:s21+$0xC30] =	vst v4  }
0x47a: {  	[tilespmem:s21+$0xC40] =	vst v4  }
0x47b: {  	[tilespmem:s21+$0xC50] =	vst v4  }
0x47c: {  	[tilespmem:s21+$0xC60] =	vst v4  }
0x47d: {  	[tilespmem:s21+$0xC70] =	vst v4  }
0x47e: {  	[tilespmem:s21+$0x480] =	vst v3  }
0x47f: {  	[tilespmem:s21+$0x490] =	vst v3  }
0x480: {  	[tilespmem:s21+$0x4A0] =	vst v3  }
0x481: {  	[tilespmem:s21+$0x4B0] =	vst v3  }
0x482: {  	[tilespmem:s21+$0x4C0] =	vst v3  }
0x483: {  	[tilespmem:s21+$0x4D0] =	vst v3  }
0x484: {  	[tilespmem:s21+$0x4E0] =	vst v3  }
0x485: {  	[tilespmem:s21+$0x4F0] =	vst v3  }
0x486: {  	[tilespmem:s21+$0x880] =	vst v3  }
0x487: {  	[tilespmem:s21+$0x890] =	vst v3  }
0x488: {  	[tilespmem:s21+$0x8A0] =	vst v3  }
0x489: {  	[tilespmem:s21+$0x8B0] =	vst v3  }
0x48a: {  	[tilespmem:s21+$0x8C0] =	vst v3  }
0x48b: {  	s23 =	sand.u32 $0x3, s20;
	[tilespmem:s21+$0x8D0] =	vst v3  }
0x48c: {  	s0 =	sshll.u32 s23, $0x8;
	[tilespmem:s21+$0x8E0] =	vst v3  }
0x48d: {  	s0 =	sadd.s32 $0x0, s0;
	[tilespmem:s21+$0x8F0] =	vst v3  }
0x48e: {  	s25 =	sor.u32 $0xC00, s0;
	[tilespmem:s21+$0xC80] =	vst v3  }
0x48f: {  	s26 =	sor.u32 $0xC10, s0;
	[tilespmem:s25+$0x400] =	vst v4  }
0x490: {  	s2 =	sor.u32 $0xC20, s0;
	[tilespmem:s26+$0x400] =	vst v4  }
0x491: {  	s3 =	sor.u32 $0xC30, s0;
	s5 =	sor.u32 $0xC40, s0;
	[tilespmem:s2+$0x400] =	vst v4  }
0x492: {  	s22 =	sor.u32 $0xC50, s0;
	s23 =	sor.u32 $0xC60, s0;
	s25 =	sadd.s32 $0x80, s0;
	[tilespmem:s3+$0x400] =	vst v4  }
0x493: {  	s24 =	sor.u32 $0xC70, s0;
	s28 =	sor.u32 $0xC00, s25;
	s29 =	sor.u32 $0xC10, s25;
	[tilespmem:s5+$0x400] =	vst v4  }
0x494: {  	s0 =	sor.u32 $0xC20, s25;
	s30 =	sor.u32 $0xC30, s25;
	s31 =	sor.u32 $0xC50, s25;
	[tilespmem:s22+$0x400] =	vst v4  }
0x495: {  	s26 =	sor.u32 $0xC60, s25;
	s2 =	sor.u32 $0xC40, s25;
	s25 =	sor.u32 $0xC70, s25;
	[tilespmem:s23+$0x400] =	vst v4  }
0x496: {  	s22 =	simm.s32 $0x0;
	s23 =	simm.s32 $0x0;
	[tilespmem:s24+$0x400] =	vst v4;
	s24 =	simm.s32 $0x0  }
.LBB2_16:
0x497: {  	s3 =	sadd.s32 $0x182, s22;
	[tilespmem:s21+$0xC90] =	vst v3;
	s1 =	smov.u32 s22  }
0x498: {  	v4 =	vmov s3;
	[tilespmem:s21+$0xCA0] =	vst v3  }
0x499: {  	v4 =	vand.u32 $0xFFFFFFFE, v4;
	[tilespmem:s21+$0xCB0] =	vst v3  }
0x49a: {  	v4 =	vbroadcast v4, $0x0;
	[tilespmem:s21+$0xCC0] =	vst v3  }
0x49b: {  	[tilespmem:s21+$0xCD0] =	vst v3  }
0x49c: {  	[tilespmem:s21+$0xCE0] =	vst v3  }
0x49d: {  	[tilespmem:s21+$0xCF0] =	vst v3  }
0x49e: {  	[tilespmem:s28+$0x400] =	vst v3  }
0x49f: {  	[tilespmem:s29+$0x400] =	vst v3  }
0x4a0: {  	v4 =	vld.idx.msk [tilespmem:v4+s14+$0x0], $0xffff;
	[tilespmem:s0+$0x400] =	vst v3  }
0x4a1: {  	[tilespmem:s30+$0x400] =	vst v3  }
0x4a2: {  	[tilespmem:s2+$0x400] =	vst v3  }
0x4a3: {  	s20 =	sadd.s32 $0x100, s20;
	s23 =	sadd.s32 $0x400, s23;
	[tilespmem:s31+$0x400] =	vst v3  }
0x4a4: {  	s0 =	sand.u32 $0x7000, s23;
	s2 =	sand.u32 $0x300, s20;
	[tilespmem:s26+$0x400] =	vst v3  }
0x4a5: {  	s21 =	sor.u32 s2, s0;
	[tilespmem:s25+$0x400] =	vst v3  }
0x4a6: {  	[tilespmem:s21+$0x400] =	vst v4  }
0x4a7: {  	[tilespmem:s21+$0x410] =	vst v4  }
0x4a8: {  	[tilespmem:s21+$0x420] =	vst v4  }
0x4a9: {  	[tilespmem:s21+$0x430] =	vst v4  }
0x4aa: {  	[tilespmem:s21+$0x440] =	vst v4  }
0x4ab: {  	[tilespmem:s21+$0x450] =	vst v4  }
0x4ac: {  	[tilespmem:s21+$0x460] =	vst v4  }
0x4ad: {  	[tilespmem:s21+$0x470] =	vst v4  }
0x4ae: {  	[tilespmem:s21+$0x800] =	vst v4  }
0x4af: {  	[tilespmem:s21+$0x810] =	vst v4  }
0x4b0: {  	[tilespmem:s21+$0x820] =	vst v4  }
0x4b1: {  	[tilespmem:s21+$0x830] =	vst v4  }
0x4b2: {  	[tilespmem:s21+$0x840] =	vst v4  }
0x4b3: {  	[tilespmem:s21+$0x850] =	vst v4  }
0x4b4: {  	[tilespmem:s21+$0x860] =	vst v4  }
0x4b5: {  	[tilespmem:s21+$0x870] =	vst v4  }
0x4b6: {  	s22 =	sadd.s32 $0x2, s22;
	[tilespmem:s21+$0xC00] =	vst v4  }
0x4b7: {  	p0 =	slt.u32 s22, $0x3E;
	[tilespmem:s21+$0xC10] =	vst v4  }
0x4b8: {  	[tilespmem:s21+$0xC20] =	vst v4  }
0x4b9: {  	s24 =	sadd.s32 $0x1, s24;
	[tilespmem:s21+$0xC30] =	vst v4  }
0x4ba: {  	s1 =	sadd.s32 $0x183, s1;
	s0 =	sand.u32 $0x3, s24;
	[tilespmem:s21+$0xC40] =	vst v4  }
0x4bb: {  	s0 =	sshll.u32 s0, $0x8;
	v3 =	vmov s1;
	[tilespmem:s21+$0xC50] =	vst v4  }
0x4bc: {  	s1 =	sadd.s32 s0, s23;
	[tilespmem:s21+$0xC60] =	vst v4  }
0x4bd: {  	s0 =	sor.u32 $0xC00, s1;
	s3 =	sadd.s32 $0x80, s1;
	[tilespmem:s21+$0xC70] =	vst v4  }
0x4be: {  	s28 =	sor.u32 $0xC00, s3;
	s29 =	sor.u32 $0xC10, s3;
	[tilespmem:s0+$0x400] =	vst v4;
	s0 =	sor.u32 $0xC10, s1  }
0x4bf: {  	s2 =	sor.u32 $0xC20, s1;
	s30 =	sor.u32 $0xC30, s3;
	[tilespmem:s0+$0x400] =	vst v4;
	s0 =	sor.u32 $0xC20, s3  }
0x4c0: {  	s5 =	sor.u32 $0xC30, s1;
	s31 =	sor.u32 $0xC50, s3;
	[tilespmem:s2+$0x400] =	vst v4;
	v3 =	vld.idx.msk [tilespmem:v3+s14+$0x0], $0xffff;
	s2 =	sor.u32 $0xC40, s3  }
0x4c1: {  	s26 =	sor.u32 $0xC60, s3;
	s25 =	sor.u32 $0xC70, s3;
	[tilespmem:s5+$0x400] =	vst v4;
	s5 =	sor.u32 $0xC40, s1  }
0x4c2: {  	s3 =	sor.u32 $0xC50, s1;
	[tilespmem:s5+$0x400] =	vst v4  }
0x4c3: {  	[tilespmem:s3+$0x400] =	vst v4;
	s3 =	sor.u32 $0xC60, s1  }
0x4c4: {  	s1 =	sor.u32 $0xC70, s1;
	[tilespmem:s3+$0x400] =	vst v4  }
0x4c5: {  	[tilespmem:s1+$0x400] =	vst v4  }
0x4c6: {  	[tilespmem:s21+$0x480] =	vst v3  }
0x4c7: {  	[tilespmem:s21+$0x490] =	vst v3  }
0x4c8: {  	[tilespmem:s21+$0x4A0] =	vst v3  }
0x4c9: {  	[tilespmem:s21+$0x4B0] =	vst v3  }
0x4ca: {  	[tilespmem:s21+$0x4C0] =	vst v3  }
0x4cb: {  	[tilespmem:s21+$0x4D0] =	vst v3  }
0x4cc: {  	[tilespmem:s21+$0x4E0] =	vst v3  }
0x4cd: {  	[tilespmem:s21+$0x4F0] =	vst v3  }
0x4ce: {  	[tilespmem:s21+$0x880] =	vst v3  }
0x4cf: {  	[tilespmem:s21+$0x890] =	vst v3  }
0x4d0: {  	[tilespmem:s21+$0x8A0] =	vst v3  }
0x4d1: {  	[tilespmem:s21+$0x8B0] =	vst v3  }
.Ltmp7:
0x4d2: {  	[tilespmem:s21+$0x8C0] =	vst v3;
	(pc) =	sbr.rel @p0 .LBB2_16-.Ltmp7, $4  }
0x4d3: {  	[tilespmem:s21+$0x8D0] =	vst v3  }
0x4d4: {  	[tilespmem:s21+$0x8E0] =	vst v3  }
0x4d5: {  	[tilespmem:s21+$0x8F0] =	vst v3  }
0x4d6: {  	[tilespmem:s21+$0xC80] =	vst v3  }
0x4d7: {  	[tilespmem:s21+$0xC90] =	vst v3  }
0x4d8: {  	[tilespmem:s21+$0xCA0] =	vst v3  }
0x4d9: {  	[tilespmem:s21+$0xCB0] =	vst v3  }
0x4da: {  	[tilespmem:s21+$0xCC0] =	vst v3  }
0x4db: {  	[tilespmem:s21+$0xCD0] =	vst v3  }
0x4dc: {  	[tilespmem:s21+$0xCE0] =	vst v3  }
0x4dd: {  	[tilespmem:s21+$0xCF0] =	vst v3  }
0x4de: {  	[tilespmem:s28+$0x400] =	vst v3  }
0x4df: {  	[tilespmem:s29+$0x400] =	vst v3  }
0x4e0: {  	[tilespmem:s0+$0x400] =	vst v3  }
0x4e1: {  	s20 =	simm.s32 $0x1C0;
	[tilespmem:s30+$0x400] =	vst v3  }
0x4e2: {  	v4 =	vmov s20;
	[tilespmem:s2+$0x400] =	vst v3  }
0x4e3: {  	v4 =	vand.u32 $0xFFFFFFFE, v4;
	[tilespmem:s31+$0x400] =	vst v3  }
0x4e4: {  	v4 =	vbroadcast v4, $0x0;
	[tilespmem:s26+$0x400] =	vst v3  }
0x4e5: {  	s20 =	simm.s32 $0x0;
	[tilespmem:s25+$0x400] =	vst v3  }
0x4e6: {  	[hbm4b:s10+s20] =	stream.linear.scatter [tilespmem:s15], [sflag:$0x1], $0x8000, $0x38;
	[tilespmem:$0x10400] =	vst v63  }
0x4e7: {  	_ =	swait.ge [sflag:s18], $0x8000  }
0x4e8: {  	[sflag:s18] =	ssyncset.done $0x0  }
0x4e9: {  	[sflag:s18] =	ssyncadd.s32 $0xFFFF8000  }
0x4ea: {  	v4 =	vld.idx.msk [tilespmem:v4+s14+$0x0], $0xffff;
	_ =	sdelay $0x2  }
0x4eb: {  	s21 =	sand.u32 $0x7000, s20;
	s1 =	sand.u32 $0x300, s20  }
0x4ec: {  	s21 =	sor.u32 s1, s21  }
0x4ed: {  	[tilespmem:s21+$0x8400] =	vst v4  }
0x4ee: {  	[tilespmem:s21+$0x8410] =	vst v4  }
0x4ef: {  	[tilespmem:s21+$0x8420] =	vst v4  }
0x4f0: {  	[tilespmem:s21+$0x8430] =	vst v4  }
0x4f1: {  	[tilespmem:s21+$0x8440] =	vst v4  }
0x4f2: {  	[tilespmem:s21+$0x8450] =	vst v4  }
0x4f3: {  	[tilespmem:s21+$0x8460] =	vst v4  }
0x4f4: {  	[tilespmem:s21+$0x8470] =	vst v4  }
0x4f5: {  	[tilespmem:s21+$0x8800] =	vst v4  }
0x4f6: {  	[tilespmem:s21+$0x8810] =	vst v4  }
0x4f7: {  	[tilespmem:s21+$0x8820] =	vst v4  }
0x4f8: {  	[tilespmem:s21+$0x8830] =	vst v4  }
0x4f9: {  	[tilespmem:s21+$0x8840] =	vst v4  }
0x4fa: {  	s23 =	simm.s32 $0x1C1;
	[tilespmem:s21+$0x8850] =	vst v4  }
0x4fb: {  	v3 =	vmov s23;
	[tilespmem:s21+$0x8860] =	vst v4  }
0x4fc: {  	[tilespmem:s21+$0x8870] =	vst v4  }
0x4fd: {  	[tilespmem:s21+$0x8C00] =	vst v4  }
0x4fe: {  	[tilespmem:s21+$0x8C10] =	vst v4  }
0x4ff: {  	[tilespmem:s21+$0x8C20] =	vst v4  }
0x500: {  	v3 =	vld.idx.msk [tilespmem:v3+s14+$0x0], $0xffff;
	[tilespmem:s21+$0x8C30] =	vst v4  }
0x501: {  	[tilespmem:s21+$0x8C40] =	vst v4  }
0x502: {  	[tilespmem:s21+$0x8C50] =	vst v4  }
0x503: {  	[tilespmem:s21+$0x8C60] =	vst v4  }
0x504: {  	[tilespmem:s21+$0x8C70] =	vst v4  }
0x505: {  	[tilespmem:s21+$0x8480] =	vst v3  }
0x506: {  	[tilespmem:s21+$0x8490] =	vst v3  }
0x507: {  	[tilespmem:s21+$0x84A0] =	vst v3  }
0x508: {  	[tilespmem:s21+$0x84B0] =	vst v3  }
0x509: {  	[tilespmem:s21+$0x84C0] =	vst v3  }
0x50a: {  	[tilespmem:s21+$0x84D0] =	vst v3  }
0x50b: {  	[tilespmem:s21+$0x84E0] =	vst v3  }
0x50c: {  	[tilespmem:s21+$0x84F0] =	vst v3  }
0x50d: {  	[tilespmem:s21+$0x8880] =	vst v3  }
0x50e: {  	[tilespmem:s21+$0x8890] =	vst v3  }
0x50f: {  	[tilespmem:s21+$0x88A0] =	vst v3  }
0x510: {  	[tilespmem:s21+$0x88B0] =	vst v3  }
0x511: {  	[tilespmem:s21+$0x88C0] =	vst v3  }
0x512: {  	s22 =	sand.u32 $0x3, s20;
	[tilespmem:s21+$0x88D0] =	vst v3  }
0x513: {  	s0 =	sshll.u32 s22, $0x8;
	[tilespmem:s21+$0x88E0] =	vst v3  }
0x514: {  	s0 =	sadd.s32 $0x0, s0;
	[tilespmem:s21+$0x88F0] =	vst v3  }
0x515: {  	s24 =	sor.u32 $0xC00, s0;
	[tilespmem:s21+$0x8C80] =	vst v3  }
0x516: {  	s25 =	sor.u32 $0xC10, s0;
	[tilespmem:s24+$0x8400] =	vst v4  }
0x517: {  	s26 =	sor.u32 $0xC20, s0;
	[tilespmem:s25+$0x8400] =	vst v4  }
0x518: {  	s2 =	sor.u32 $0xC30, s0;
	s3 =	sor.u32 $0xC40, s0;
	[tilespmem:s26+$0x8400] =	vst v4  }
0x519: {  	s5 =	sor.u32 $0xC50, s0;
	s22 =	sor.u32 $0xC60, s0;
	s24 =	sadd.s32 $0x80, s0;
	[tilespmem:s2+$0x8400] =	vst v4  }
0x51a: {  	s23 =	sor.u32 $0xC70, s0;
	s25 =	sor.u32 $0xC00, s24;
	s0 =	sor.u32 $0xC20, s24;
	[tilespmem:s3+$0x8400] =	vst v4  }
0x51b: {  	s28 =	sor.u32 $0xC30, s24;
	s31 =	sor.u32 $0xC40, s24;
	s30 =	sor.u32 $0xC60, s24;
	[tilespmem:s5+$0x8400] =	vst v4  }
0x51c: {  	s29 =	sor.u32 $0xC70, s24;
	s26 =	sor.u32 $0xC10, s24;
	s2 =	sor.u32 $0xC50, s24;
	[tilespmem:s22+$0x8400] =	vst v4  }
0x51d: {  	s24 =	simm.s32 $0x0;
	s22 =	simm.s32 $0x0;
	[tilespmem:s23+$0x8400] =	vst v4;
	s23 =	simm.s32 $0x0  }
.LBB2_18:
0x51e: {  	s3 =	sadd.s32 $0x1C2, s22;
	[tilespmem:s21+$0x8C90] =	vst v3;
	s1 =	smov.u32 s22  }
0x51f: {  	v4 =	vmov s3;
	[tilespmem:s21+$0x8CA0] =	vst v3  }
0x520: {  	v4 =	vand.u32 $0xFFFFFFFE, v4;
	[tilespmem:s21+$0x8CB0] =	vst v3  }
0x521: {  	v4 =	vbroadcast v4, $0x0;
	[tilespmem:s21+$0x8CC0] =	vst v3  }
0x522: {  	[tilespmem:s21+$0x8CD0] =	vst v3  }
0x523: {  	[tilespmem:s21+$0x8CE0] =	vst v3  }
0x524: {  	[tilespmem:s21+$0x8CF0] =	vst v3  }
0x525: {  	[tilespmem:s25+$0x8400] =	vst v3  }
0x526: {  	[tilespmem:s26+$0x8400] =	vst v3  }
0x527: {  	v4 =	vld.idx.msk [tilespmem:v4+s14+$0x0], $0xffff;
	[tilespmem:s0+$0x8400] =	vst v3  }
0x528: {  	[tilespmem:s28+$0x8400] =	vst v3  }
0x529: {  	[tilespmem:s31+$0x8400] =	vst v3  }
0x52a: {  	s20 =	sadd.s32 $0x100, s20;
	s23 =	sadd.s32 $0x400, s23;
	[tilespmem:s2+$0x8400] =	vst v3  }
0x52b: {  	s0 =	sand.u32 $0x7000, s23;
	s2 =	sand.u32 $0x300, s20;
	[tilespmem:s30+$0x8400] =	vst v3  }
0x52c: {  	s21 =	sor.u32 s2, s0;
	[tilespmem:s29+$0x8400] =	vst v3  }
0x52d: {  	[tilespmem:s21+$0x8400] =	vst v4  }
0x52e: {  	[tilespmem:s21+$0x8410] =	vst v4  }
0x52f: {  	[tilespmem:s21+$0x8420] =	vst v4  }
0x530: {  	[tilespmem:s21+$0x8430] =	vst v4  }
0x531: {  	[tilespmem:s21+$0x8440] =	vst v4  }
0x532: {  	[tilespmem:s21+$0x8450] =	vst v4  }
0x533: {  	[tilespmem:s21+$0x8460] =	vst v4  }
0x534: {  	[tilespmem:s21+$0x8470] =	vst v4  }
0x535: {  	[tilespmem:s21+$0x8800] =	vst v4  }
0x536: {  	[tilespmem:s21+$0x8810] =	vst v4  }
0x537: {  	[tilespmem:s21+$0x8820] =	vst v4  }
0x538: {  	[tilespmem:s21+$0x8830] =	vst v4  }
0x539: {  	[tilespmem:s21+$0x8840] =	vst v4  }
0x53a: {  	[tilespmem:s21+$0x8850] =	vst v4  }
0x53b: {  	[tilespmem:s21+$0x8860] =	vst v4  }
0x53c: {  	[tilespmem:s21+$0x8870] =	vst v4  }
0x53d: {  	s22 =	sadd.s32 $0x2, s22;
	[tilespmem:s21+$0x8C00] =	vst v4  }
0x53e: {  	p0 =	slt.u32 s22, $0x3E;
	[tilespmem:s21+$0x8C10] =	vst v4  }
0x53f: {  	[tilespmem:s21+$0x8C20] =	vst v4  }
0x540: {  	s24 =	sadd.s32 $0x1, s24;
	[tilespmem:s21+$0x8C30] =	vst v4  }
0x541: {  	s1 =	sadd.s32 $0x1C3, s1;
	s0 =	sand.u32 $0x3, s24;
	[tilespmem:s21+$0x8C40] =	vst v4  }
0x542: {  	s0 =	sshll.u32 s0, $0x8;
	v3 =	vmov s1;
	[tilespmem:s21+$0x8C50] =	vst v4  }
0x543: {  	s1 =	sadd.s32 s0, s23;
	[tilespmem:s21+$0x8C60] =	vst v4  }
0x544: {  	s0 =	sor.u32 $0xC00, s1;
	s3 =	sadd.s32 $0x80, s1;
	[tilespmem:s21+$0x8C70] =	vst v4  }
0x545: {  	s25 =	sor.u32 $0xC00, s3;
	s26 =	sor.u32 $0xC10, s3;
	[tilespmem:s0+$0x8400] =	vst v4;
	s0 =	sor.u32 $0xC10, s1  }
0x546: {  	s2 =	sor.u32 $0xC20, s1;
	s28 =	sor.u32 $0xC30, s3;
	[tilespmem:s0+$0x8400] =	vst v4;
	s0 =	sor.u32 $0xC20, s3  }
0x547: {  	s5 =	sor.u32 $0xC30, s1;
	s31 =	sor.u32 $0xC40, s3;
	[tilespmem:s2+$0x8400] =	vst v4;
	v3 =	vld.idx.msk [tilespmem:v3+s14+$0x0], $0xffff;
	s2 =	sor.u32 $0xC50, s3  }
0x548: {  	s30 =	sor.u32 $0xC60, s3;
	s29 =	sor.u32 $0xC70, s3;
	[tilespmem:s5+$0x8400] =	vst v4;
	s5 =	sor.u32 $0xC40, s1  }
0x549: {  	s3 =	sor.u32 $0xC50, s1;
	[tilespmem:s5+$0x8400] =	vst v4  }
0x54a: {  	[tilespmem:s3+$0x8400] =	vst v4;
	s3 =	sor.u32 $0xC60, s1  }
0x54b: {  	s1 =	sor.u32 $0xC70, s1;
	[tilespmem:s3+$0x8400] =	vst v4  }
0x54c: {  	[tilespmem:s1+$0x8400] =	vst v4  }
0x54d: {  	[tilespmem:s21+$0x8480] =	vst v3  }
0x54e: {  	[tilespmem:s21+$0x8490] =	vst v3  }
0x54f: {  	[tilespmem:s21+$0x84A0] =	vst v3  }
0x550: {  	[tilespmem:s21+$0x84B0] =	vst v3  }
0x551: {  	[tilespmem:s21+$0x84C0] =	vst v3  }
0x552: {  	[tilespmem:s21+$0x84D0] =	vst v3  }
0x553: {  	[tilespmem:s21+$0x84E0] =	vst v3  }
0x554: {  	[tilespmem:s21+$0x84F0] =	vst v3  }
0x555: {  	[tilespmem:s21+$0x8880] =	vst v3  }
0x556: {  	[tilespmem:s21+$0x8890] =	vst v3  }
0x557: {  	[tilespmem:s21+$0x88A0] =	vst v3  }
0x558: {  	[tilespmem:s21+$0x88B0] =	vst v3  }
.Ltmp8:
0x559: {  	[tilespmem:s21+$0x88C0] =	vst v3;
	(pc) =	sbr.rel @p0 .LBB2_18-.Ltmp8, $4  }
0x55a: {  	[tilespmem:s21+$0x88D0] =	vst v3  }
0x55b: {  	[tilespmem:s21+$0x88E0] =	vst v3  }
0x55c: {  	[tilespmem:s21+$0x88F0] =	vst v3  }
0x55d: {  	[tilespmem:s21+$0x8C80] =	vst v3  }
0x55e: {  	[tilespmem:s21+$0x8C90] =	vst v3  }
0x55f: {  	[tilespmem:s21+$0x8CA0] =	vst v3  }
0x560: {  	[tilespmem:s21+$0x8CB0] =	vst v3  }
0x561: {  	[tilespmem:s21+$0x8CC0] =	vst v3  }
0x562: {  	[tilespmem:s21+$0x8CD0] =	vst v3  }
0x563: {  	[tilespmem:s21+$0x8CE0] =	vst v3  }
0x564: {  	[tilespmem:s21+$0x8CF0] =	vst v3  }
0x565: {  	[tilespmem:s25+$0x8400] =	vst v3  }
0x566: {  	[tilespmem:s26+$0x8400] =	vst v3  }
0x567: {  	[tilespmem:s0+$0x8400] =	vst v3  }
0x568: {  	[tilespmem:s28+$0x8400] =	vst v3  }
0x569: {  	[tilespmem:s31+$0x8400] =	vst v3  }
0x56a: {  	[tilespmem:s2+$0x8400] =	vst v3  }
0x56b: {  	[tilespmem:s30+$0x8400] =	vst v3  }
0x56c: {  	s20 =	simm.s32 $0x0;
	s19 =	sadd.s32 $0x1, s19;
	[tilespmem:s29+$0x8400] =	vst v3  }
0x56d: {  	[hbm4b:s11+s20] =	stream.linear.scatter [tilespmem:s16], [sflag:$0x2], $0x8000, $0x38;
	[tilespmem:$0x10400] =	vst v63  }
0x56e: {  	p0 =	sne.s32 s19, s12;
	_ =	swait.ge [sflag:s17], $0x8000  }
.Ltmp9:
0x56f: {  	[sflag:s17] =	ssyncset.done $0x0;
	(pc) =	sbr.rel @p0 .LBB2_1-.Ltmp9, $4  }
0x570: {  	[sflag:s17] =	ssyncadd.s32 $0xFFFF8000  }
0x571: {  	_ =	swait.ge [sflag:s18], $0x8000  }
0x572: {  	[sflag:s18] =	ssyncset.done $0x0  }
0x573: {  	[sflag:s18] =	ssyncadd.s32 $0xFFFF8000  }
0x574: {  	_ =	sfence.sel $0x180000  }
0x575: {  	[bflag:$0x0] =	sbarrier.arrive $0xFFFF  }
0x576: {  	_ =	strace $0x90000047  }
0x577: {  	s0 =	stileid.u32;
	[bflag:$0x2] =	sbarrier.arrive $0xFFFF  }
0x578: {  	p0 =	sne.s32 s0, $0x0;
	s0 =	rddreg [dreg:$0x2]  }
0x579: {  	s0 =	sadd.s32 @!p0 $0x100000, s0  }
0x57a: {  	[sflag:s0] =	ssyncadd.tile.s32 @!p0 $0x1;
	_ =	shalt  }
.Lfunc_end2:
_tile_overlayer_lowered:
.L_overlay_start_2:
0x57b: {  	(tag) =	ssettag $0x2  }
0x57c: {  	s0 =	rddreg [dreg:$0x0];
	s2 =	stileid.u32  }
0x57d: {  	s1 =	rddreg [dreg:$0x1];
	p0 =	sne.s32 s2, $0x0  }
0x57e: {  	s3 =	rddreg [dreg:$0x2];
	[bflag:$0x3] =	sbarrier.arrive $0xFFFF;
	s2 =	simm.s32 @!p0 $0x1C03  }
0x57f: {  	[timem:s3], [sflag:s2] =	dma.local @!p0 [hbm:s0], s1  }
0x580: {  	s0 =	simm.s32 @!p0 $0x3  }
0x581: {  	_ =	swait.ge @!p0 [sflag:s0], s1  }
0x582: {  	s1 =	ssub.s32 @!p0 $0x0, s1;
	[sflag:s0] =	ssyncset.done @!p0 $0x0  }
0x583: {  	[sflag:s0] =	ssyncadd.s32 @!p0 s1  }
0x584: {  	[bflag:$0x3] =	sbarrier.arrive $0xFFFF  }
0x585: {  	_ =	shalt  }

</sc_bundles>
